<compile_context>
chip_gen: v7x
topology: tpu7x:2x2x1
jax: 0.10.2.dev20260603
libtpu: 0.0.44.dev20260713+nightly
codegen_flags: <defaults>
</compile_context>

<pallas_src>
import functools

import jax
import jax.numpy as jnp
from jax import lax
from jax.experimental import pallas as pl
from jax.experimental.pallas import tpu as pltpu
from jax.experimental.pallas import tpu_sc as plsc

VOCAB = 108
D_MODEL = 64
N_BATCH = 4096
T_SEQ = 200

_NC, _NS = 2, 16
_NW = _NC * _NS
_DT = D_MODEL // 8
_NBLK = T_SEQ * _DT
_BPW = _NBLK // _NW
_NGRP = N_BATCH // 16


def _make_sc_kernel():
    mesh = plsc.VectorSubcoreMesh(core_axis_name="c", subcore_axis_name="s")

    @functools.partial(
        pl.kernel,
        mesh=mesh,
        out_type=jax.ShapeDtypeStruct((T_SEQ, D_MODEL, N_BATCH), jnp.float32),
        compiler_params=pltpu.CompilerParams(
            use_tc_tiling_on_sc=True, needs_layout_passes=False),
        scratch_types=[
            pltpu.VMEM((D_MODEL * VOCAB,), jnp.float32),
            pltpu.VMEM((N_BATCH,), jnp.int32),
            pltpu.VMEM((8, N_BATCH), jnp.float32),
            pltpu.VMEM((8, N_BATCH), jnp.float32),
            pltpu.SemaphoreType.DMA,
            pltpu.SemaphoreType.DMA,
        ],
    )
    def body(xT_hbm, tT_hbm, out_hbm, tab_v, idx_v, buf0, buf1, os0, os1):
        w = lax.axis_index("s") * _NC + lax.axis_index("c")
        pltpu.sync_copy(tT_hbm, tab_v)

        bufs = (buf0, buf1)
        osem = (os0, os1)

        def out_copy(k, b):
            bid = w * _BPW + k
            t = bid // _DT
            dt = bid - t * _DT
            return pltpu.make_async_copy(
                bufs[b], out_hbm.at[t, pl.ds(8 * dt, 8)], osem[b])

        def do_block(k, b):
            bid = w * _BPW + k
            t = bid // _DT
            dt = bid - t * _DT
            @pl.when(jnp.logical_or(k == 0, dt == 0))
            def _():
                pltpu.sync_copy(xT_hbm.at[t], idx_v)

            base = dt * 8 * VOCAB
            buf = bufs[b]

            @plsc.parallel_loop(0, N_BATCH, 16, unroll=8)
            def _(i):
                iv = idx_v[pl.ds(i, 16)]
                for dr in range(8):
                    fidx = iv + (base + dr * VOCAB)
                    buf[dr, pl.ds(i, 16)] = plsc.load_gather(
                        tab_v, [fidx])

            out_copy(k, b).start()

        do_block(0, 0)
        do_block(1, 1)

        def pair(p, carry):
            for b in range(2):
                k = 2 * p + b
                out_copy(k - 2, b).wait()
                do_block(k, b)
            return carry

        lax.fori_loop(1, _BPW // 2, pair, 0)
        out_copy(_BPW - 2, 0).wait()
        out_copy(_BPW - 1, 1).wait()

    return body


_sc_kernel = _make_sc_kernel()


@jax.jit
def kernel(x, table):
    xT = x.T.astype(jnp.int32)
    tT = table.T.reshape(-1)
    outp = _sc_kernel(xT, tT)
    return outp.transpose(2, 0, 1)

# --- scband reference (transcript-rebuilt; emitter-appended) ---
"""Pipeline reference for scband-atomic-number-embedding-64845416235049 (READ-ONLY COPY).

The authoritative reference and input builder live on the scoring server;
editing this copy changes nothing except your own understanding.
"""

import jax, jax.numpy as jnp
import numpy as np

VOCAB = 108
D_MODEL = 64

def setup_inputs(seed: int = 0) -> dict:
    key = jax.random.key(seed)
    k1, k2 = jax.random.split(key)
    x = jax.random.randint(k1, (4096, 200), 0, VOCAB, dtype=jnp.int64 if jax.config.jax_enable_x64 else jnp.int32)
    table = jax.random.normal(k2, (VOCAB, D_MODEL), dtype=jnp.float32)
    return {"x": x, "table": table}

def reference(x, table):
    # torch.nn.Embedding lookup: gather rows of the table by index
    return jnp.take(table, x, axis=0)

if __name__ == "__main__":
    import jax
    _d = setup_inputs()
    print(jax.jit(kernel)(*tuple(_d.values())))

</pallas_src>

<mosaic_0001>
#map = affine_map<(d0, d1) -> (0, 0)>
#map1 = affine_map<(d0, d1) -> (0)>
#map2 = affine_map<(d0, d1) -> (0, 0, 0)>
module attributes {stable_mosaic.version = 14 : i64} {
  func.func @body(%arg0: i32, %arg1: i32, %arg2: memref<200x4096xi32, #tpu.memory_space<hbm>>, %arg3: memref<6912xf32, #tpu.memory_space<hbm>>, %arg4: memref<200x64x4096xf32, #tpu.memory_space<hbm>>, %arg5: memref<6912xf32, #tpu.memory_space<vmem>>, %arg6: memref<4096xi32, #tpu.memory_space<vmem>>, %arg7: memref<8x4096xf32, #tpu.memory_space<vmem>>, %arg8: memref<8x4096xf32, #tpu.memory_space<vmem>>, %arg9: memref<!tpu.dma_semaphore, #tpu.memory_space<semaphore_mem>>, %arg10: memref<!tpu.dma_semaphore, #tpu.memory_space<semaphore_mem>>) attributes {dimension_semantics = [#tpu.dimension_semantics<core_parallel>, #tpu.dimension_semantics<subcore_parallel>], iteration_bounds = array<i64: 2, 16>, scalar_prefetch = 0 : i64, scratch_operands = 6 : i64, tpu.core_type = #tpu.core_type<sc_vector_subcore>, window_params = [{transform_indices = #map}, {transform_indices = #map1}, {transform_indices = #map2}]} {
    %mul3A = arith.constant 2 : i32
    %mul3A_0 = arith.muli %arg1, %mul3A : i32
    %add3A = arith.addi %mul3A_0, %arg0 : i32
    "tpu.region"() ({
      %run_scoped3A = tpu.sem_alloc : memref<!tpu.dma_semaphore, #tpu.memory_space<semaphore_mem>>
      tpu.enqueue_dma source(%arg3 : memref<6912xf32, #tpu.memory_space<hbm>>) target(%arg5 : memref<6912xf32, #tpu.memory_space<vmem>>) target_semaphore(%run_scoped3A : memref<!tpu.dma_semaphore, #tpu.memory_space<semaphore_mem>>)
      tpu.wait_dma2 semaphore(%run_scoped3A : memref<!tpu.dma_semaphore, #tpu.memory_space<semaphore_mem>>) src(%arg3 : memref<6912xf32, #tpu.memory_space<hbm>>) dst(%arg5 : memref<6912xf32, #tpu.memory_space<vmem>>)
      tpu.yield
    }) : () -> ()
    %mul3A_1 = arith.constant 50 : i32
    %mul3A_2 = arith.muli %add3A, %mul3A_1 : i32
    %add3A_3 = arith.constant 0 : i32
    %add3A_4 = arith.addi %mul3A_2, %add3A_3 : i32
    %jit3A = arith.constant 8 : i32
    %div3A = arith.divsi %add3A_4, %jit3A : i32
    %sign3A = arith.constant 0 : i32
    %sign3A_5 = arith.cmpi sgt, %add3A_4, %sign3A : i32
    %sign3A_6 = arith.extui %sign3A_5 : i1 to i32
    %sign3A_7 = arith.constant 0 : i32
    %sign3A_8 = arith.cmpi slt, %add3A_4, %sign3A_7 : i32
    %sign3A_9 = arith.extui %sign3A_8 : i1 to i32
    %sign3A_10 = arith.subi %sign3A_6, %sign3A_9 : i32
    %sign3A_11 = arith.constant 0 : i32
    %sign3A_12 = arith.cmpi sgt, %jit3A, %sign3A_11 : i32
    %sign3A_13 = arith.extui %sign3A_12 : i1 to i32
    %sign3A_14 = arith.constant 0 : i32
    %sign3A_15 = arith.cmpi slt, %jit3A, %sign3A_14 : i32
    %sign3A_16 = arith.extui %sign3A_15 : i1 to i32
    %sign3A_17 = arith.subi %sign3A_13, %sign3A_16 : i32
    %ne3A = arith.cmpi ne, %sign3A_10, %sign3A_17 : i32
    %rem3A = arith.remsi %add3A_4, %jit3A : i32
    %ne3A_18 = arith.constant 0 : i32
    %ne3A_19 = arith.cmpi ne, %rem3A, %ne3A_18 : i32
    %and3A = arith.andi %ne3A, %ne3A_19 : i1
    %sub3A = arith.constant 1 : i32
    %sub3A_20 = arith.subi %div3A, %sub3A : i32
    %select_n3A = arith.select %and3A, %sub3A_20, %div3A : i32
    %mul3A_21 = arith.constant 8 : i32
    %mul3A_22 = arith.muli %select_n3A, %mul3A_21 : i32
    %sub3A_23 = arith.subi %add3A_4, %mul3A_22 : i32
    %eq3A = arith.constant 0 : i32
    %eq3A_24 = arith.cmpi eq, %sub3A_23, %eq3A : i32
    %or3A = arith.constant true
    %or3A_25 = arith.ori %or3A, %eq3A_24 : i1
    %convert_element_type3A = arith.extui %or3A_25 : i1 to i32
    %cond3A = arith.constant 0 : i32
    %cond3A_26 = arith.cmpi ne, %convert_element_type3A, %cond3A : i32
    scf.if %cond3A_26 {
      "tpu.region"() ({
        %run_scoped3A = tpu.sem_alloc : memref<!tpu.dma_semaphore, #tpu.memory_space<semaphore_mem>>
        %dma_start3A_237 = arith.constant 0 : i32
        %dma_start3A_238 = tpu.memref_slice %arg2[%select_n3A, %dma_start3A_237] : memref<200x4096xi32, #tpu.memory_space<hbm>> -> memref<1x4096xi32, #tpu.memory_space<hbm>>
        %dma_start3A_239 = tpu.memref_squeeze %dma_start3A_238 : memref<1x4096xi32, #tpu.memory_space<hbm>> -> memref<4096xi32, #tpu.memory_space<hbm>>
        %dma_start3A_240 = arith.constant 0 : i32
        %dma_start3A_241 = tpu.memref_slice %arg2[%select_n3A, %dma_start3A_240] : memref<200x4096xi32, #tpu.memory_space<hbm>> -> memref<1x4096xi32, #tpu.memory_space<hbm>>
        %dma_start3A_242 = tpu.memref_squeeze %dma_start3A_241 : memref<1x4096xi32, #tpu.memory_space<hbm>> -> memref<4096xi32, #tpu.memory_space<hbm>>
        tpu.enqueue_dma source(%dma_start3A_242 : memref<4096xi32, #tpu.memory_space<hbm>>) target(%arg6 : memref<4096xi32, #tpu.memory_space<vmem>>) target_semaphore(%run_scoped3A : memref<!tpu.dma_semaphore, #tpu.memory_space<semaphore_mem>>)
        %dma_wait3A_243 = arith.constant 0 : i32
        %dma_wait3A_244 = tpu.memref_slice %arg2[%select_n3A, %dma_wait3A_243] : memref<200x4096xi32, #tpu.memory_space<hbm>> -> memref<1x4096xi32, #tpu.memory_space<hbm>>
        %dma_wait3A_245 = tpu.memref_squeeze %dma_wait3A_244 : memref<1x4096xi32, #tpu.memory_space<hbm>> -> memref<4096xi32, #tpu.memory_space<hbm>>
        %dma_wait3A_246 = arith.constant 0 : i32
        %dma_wait3A_247 = tpu.memref_slice %arg2[%select_n3A, %dma_wait3A_246] : memref<200x4096xi32, #tpu.memory_space<hbm>> -> memref<1x4096xi32, #tpu.memory_space<hbm>>
        %dma_wait3A_248 = tpu.memref_squeeze %dma_wait3A_247 : memref<1x4096xi32, #tpu.memory_space<hbm>> -> memref<4096xi32, #tpu.memory_space<hbm>>
        tpu.wait_dma2 semaphore(%run_scoped3A : memref<!tpu.dma_semaphore, #tpu.memory_space<semaphore_mem>>) src(%dma_wait3A_248 : memref<4096xi32, #tpu.memory_space<hbm>>) dst(%arg6 : memref<4096xi32, #tpu.memory_space<vmem>>)
        tpu.yield
      }) : () -> ()
    } else {
    }
    %mul3A_27 = arith.constant 8 : i32
    %mul3A_28 = arith.muli %sub3A_23, %mul3A_27 : i32
    %mul3A_29 = arith.constant 108 : i32
    %mul3A_30 = arith.muli %mul3A_28, %mul3A_29 : i32
    %parallel_loop3A = arith.constant 0 : i32
    %parallel_loop3A_31 = arith.constant 4096 : i32
    %parallel_loop3A_32 = arith.constant 16 : i32
    scf.for %parallel_loop3A_237 = %parallel_loop3A to %parallel_loop3A_31 step %parallel_loop3A_32  : i32 {
      %parallel_loop3A_238 = arith.index_cast %parallel_loop3A_237 : i32 to index
      %parallel_loop3A_239 = tpu.vector_load %arg6[%parallel_loop3A_238] {strides = array<i32>} : memref<4096xi32, #tpu.memory_space<vmem>>, vector<16xi32>,
      %parallel_loop3A_240 = arith.constant 0 : i32
      %parallel_loop3A_241 = arith.addi %mul3A_30, %parallel_loop3A_240 : i32
      %parallel_loop3A_242 = vector.broadcast %parallel_loop3A_241 : i32 to vector<16xi32>
      %parallel_loop3A_243 = arith.addi %parallel_loop3A_239, %parallel_loop3A_242 : vector<16xi32>
      %parallel_loop3A_244 = tpu.vector_load_idx %arg5[%parallel_loop3A_243] : memref<6912xf32, #tpu.memory_space<vmem>>[vector<16xi32>], vector<16xf32>,
      %parallel_loop3A_245 = arith.constant 0 : i32
      %parallel_loop3A_246 = arith.index_cast %parallel_loop3A_245 : i32 to index
      %parallel_loop3A_247 = arith.index_cast %parallel_loop3A_237 : i32 to index
      %parallel_loop3A_248 = tpu.vector_load %arg7[%parallel_loop3A_246, %parallel_loop3A_247] {strides = array<i32>} : memref<8x4096xf32, #tpu.memory_space<vmem>>, vector<16xf32>,
      tpu.vector_store %arg7[%parallel_loop3A_246, %parallel_loop3A_247], %parallel_loop3A_244 {strides = array<i32>} : memref<8x4096xf32, #tpu.memory_space<vmem>>, vector<16xf32>,
      %parallel_loop3A_249 = arith.constant 108 : i32
      %parallel_loop3A_250 = arith.addi %mul3A_30, %parallel_loop3A_249 : i32
      %parallel_loop3A_251 = vector.broadcast %parallel_loop3A_250 : i32 to vector<16xi32>
      %parallel_loop3A_252 = arith.addi %parallel_loop3A_239, %parallel_loop3A_251 : vector<16xi32>
      %parallel_loop3A_253 = tpu.vector_load_idx %arg5[%parallel_loop3A_252] : memref<6912xf32, #tpu.memory_space<vmem>>[vector<16xi32>], vector<16xf32>,
      %parallel_loop3A_254 = arith.constant 1 : i32
      %parallel_loop3A_255 = arith.index_cast %parallel_loop3A_254 : i32 to index
      %parallel_loop3A_256 = arith.index_cast %parallel_loop3A_237 : i32 to index
      %parallel_loop3A_257 = tpu.vector_load %arg7[%parallel_loop3A_255, %parallel_loop3A_256] {strides = array<i32>} : memref<8x4096xf32, #tpu.memory_space<vmem>>, vector<16xf32>,
      tpu.vector_store %arg7[%parallel_loop3A_255, %parallel_loop3A_256], %parallel_loop3A_253 {strides = array<i32>} : memref<8x4096xf32, #tpu.memory_space<vmem>>, vector<16xf32>,
      %parallel_loop3A_258 = arith.constant 216 : i32
      %parallel_loop3A_259 = arith.addi %mul3A_30, %parallel_loop3A_258 : i32
      %parallel_loop3A_260 = vector.broadcast %parallel_loop3A_259 : i32 to vector<16xi32>
      %parallel_loop3A_261 = arith.addi %parallel_loop3A_239, %parallel_loop3A_260 : vector<16xi32>
      %parallel_loop3A_262 = tpu.vector_load_idx %arg5[%parallel_loop3A_261] : memref<6912xf32, #tpu.memory_space<vmem>>[vector<16xi32>], vector<16xf32>,
      %parallel_loop3A_263 = arith.constant 2 : i32
      %parallel_loop3A_264 = arith.index_cast %parallel_loop3A_263 : i32 to index
      %parallel_loop3A_265 = arith.index_cast %parallel_loop3A_237 : i32 to index
      %parallel_loop3A_266 = tpu.vector_load %arg7[%parallel_loop3A_264, %parallel_loop3A_265] {strides = array<i32>} : memref<8x4096xf32, #tpu.memory_space<vmem>>, vector<16xf32>,
      tpu.vector_store %arg7[%parallel_loop3A_264, %parallel_loop3A_265], %parallel_loop3A_262 {strides = array<i32>} : memref<8x4096xf32, #tpu.memory_space<vmem>>, vector<16xf32>,
      %parallel_loop3A_267 = arith.constant 324 : i32
      %parallel_loop3A_268 = arith.addi %mul3A_30, %parallel_loop3A_267 : i32
      %parallel_loop3A_269 = vector.broadcast %parallel_loop3A_268 : i32 to vector<16xi32>
      %parallel_loop3A_270 = arith.addi %parallel_loop3A_239, %parallel_loop3A_269 : vector<16xi32>
      %parallel_loop3A_271 = tpu.vector_load_idx %arg5[%parallel_loop3A_270] : memref<6912xf32, #tpu.memory_space<vmem>>[vector<16xi32>], vector<16xf32>,
      %parallel_loop3A_272 = arith.constant 3 : i32
      %parallel_loop3A_273 = arith.index_cast %parallel_loop3A_272 : i32 to index
      %parallel_loop3A_274 = arith.index_cast %parallel_loop3A_237 : i32 to index
      %parallel_loop3A_275 = tpu.vector_load %arg7[%parallel_loop3A_273, %parallel_loop3A_274] {strides = array<i32>} : memref<8x4096xf32, #tpu.memory_space<vmem>>, vector<16xf32>,
      tpu.vector_store %arg7[%parallel_loop3A_273, %parallel_loop3A_274], %parallel_loop3A_271 {strides = array<i32>} : memref<8x4096xf32, #tpu.memory_space<vmem>>, vector<16xf32>,
      %parallel_loop3A_276 = arith.constant 432 : i32
      %parallel_loop3A_277 = arith.addi %mul3A_30, %parallel_loop3A_276 : i32
      %parallel_loop3A_278 = vector.broadcast %parallel_loop3A_277 : i32 to vector<16xi32>
      %parallel_loop3A_279 = arith.addi %parallel_loop3A_239, %parallel_loop3A_278 : vector<16xi32>
      %parallel_loop3A_280 = tpu.vector_load_idx %arg5[%parallel_loop3A_279] : memref<6912xf32, #tpu.memory_space<vmem>>[vector<16xi32>], vector<16xf32>,
      %parallel_loop3A_281 = arith.constant 4 : i32
      %parallel_loop3A_282 = arith.index_cast %parallel_loop3A_281 : i32 to index
      %parallel_loop3A_283 = arith.index_cast %parallel_loop3A_237 : i32 to index
      %parallel_loop3A_284 = tpu.vector_load %arg7[%parallel_loop3A_282, %parallel_loop3A_283] {strides = array<i32>} : memref<8x4096xf32, #tpu.memory_space<vmem>>, vector<16xf32>,
      tpu.vector_store %arg7[%parallel_loop3A_282, %parallel_loop3A_283], %parallel_loop3A_280 {strides = array<i32>} : memref<8x4096xf32, #tpu.memory_space<vmem>>, vector<16xf32>,
      %parallel_loop3A_285 = arith.constant 540 : i32
      %parallel_loop3A_286 = arith.addi %mul3A_30, %parallel_loop3A_285 : i32
      %parallel_loop3A_287 = vector.broadcast %parallel_loop3A_286 : i32 to vector<16xi32>
      %parallel_loop3A_288 = arith.addi %parallel_loop3A_239, %parallel_loop3A_287 : vector<16xi32>
      %parallel_loop3A_289 = tpu.vector_load_idx %arg5[%parallel_loop3A_288] : memref<6912xf32, #tpu.memory_space<vmem>>[vector<16xi32>], vector<16xf32>,
      %parallel_loop3A_290 = arith.constant 5 : i32
      %parallel_loop3A_291 = arith.index_cast %parallel_loop3A_290 : i32 to index
      %parallel_loop3A_292 = arith.index_cast %parallel_loop3A_237 : i32 to index
      %parallel_loop3A_293 = tpu.vector_load %arg7[%parallel_loop3A_291, %parallel_loop3A_292] {strides = array<i32>} : memref<8x4096xf32, #tpu.memory_space<vmem>>, vector<16xf32>,
      tpu.vector_store %arg7[%parallel_loop3A_291, %parallel_loop3A_292], %parallel_loop3A_289 {strides = array<i32>} : memref<8x4096xf32, #tpu.memory_space<vmem>>, vector<16xf32>,
      %parallel_loop3A_294 = arith.constant 648 : i32
      %parallel_loop3A_295 = arith.addi %mul3A_30, %parallel_loop3A_294 : i32
      %parallel_loop3A_296 = vector.broadcast %parallel_loop3A_295 : i32 to vector<16xi32>
      %parallel_loop3A_297 = arith.addi %parallel_loop3A_239, %parallel_loop3A_296 : vector<16xi32>
      %parallel_loop3A_298 = tpu.vector_load_idx %arg5[%parallel_loop3A_297] : memref<6912xf32, #tpu.memory_space<vmem>>[vector<16xi32>], vector<16xf32>,
      %parallel_loop3A_299 = arith.constant 6 : i32
      %parallel_loop3A_300 = arith.index_cast %parallel_loop3A_299 : i32 to index
      %parallel_loop3A_301 = arith.index_cast %parallel_loop3A_237 : i32 to index
      %parallel_loop3A_302 = tpu.vector_load %arg7[%parallel_loop3A_300, %parallel_loop3A_301] {strides = array<i32>} : memref<8x4096xf32, #tpu.memory_space<vmem>>, vector<16xf32>,
      tpu.vector_store %arg7[%parallel_loop3A_300, %parallel_loop3A_301], %parallel_loop3A_298 {strides = array<i32>} : memref<8x4096xf32, #tpu.memory_space<vmem>>, vector<16xf32>,
      %parallel_loop3A_303 = arith.constant 756 : i32
      %parallel_loop3A_304 = arith.addi %mul3A_30, %parallel_loop3A_303 : i32
      %parallel_loop3A_305 = vector.broadcast %parallel_loop3A_304 : i32 to vector<16xi32>
      %parallel_loop3A_306 = arith.addi %parallel_loop3A_239, %parallel_loop3A_305 : vector<16xi32>
      %parallel_loop3A_307 = tpu.vector_load_idx %arg5[%parallel_loop3A_306] : memref<6912xf32, #tpu.memory_space<vmem>>[vector<16xi32>], vector<16xf32>,
      %parallel_loop3A_308 = arith.constant 7 : i32
      %parallel_loop3A_309 = arith.index_cast %parallel_loop3A_308 : i32 to index
      %parallel_loop3A_310 = arith.index_cast %parallel_loop3A_237 : i32 to index
      %parallel_loop3A_311 = tpu.vector_load %arg7[%parallel_loop3A_309, %parallel_loop3A_310] {strides = array<i32>} : memref<8x4096xf32, #tpu.memory_space<vmem>>, vector<16xf32>,
      tpu.vector_store %arg7[%parallel_loop3A_309, %parallel_loop3A_310], %parallel_loop3A_307 {strides = array<i32>} : memref<8x4096xf32, #tpu.memory_space<vmem>>, vector<16xf32>,
    } {sc.loop_unroll_factor = 8 : i64, sc.parallel_access}
    %mul3A_33 = arith.constant 50 : i32
    %mul3A_34 = arith.muli %add3A, %mul3A_33 : i32
    %add3A_35 = arith.constant 0 : i32
    %add3A_36 = arith.addi %mul3A_34, %add3A_35 : i32
    %jit3A_37 = arith.constant 8 : i32
    %div3A_38 = arith.divsi %add3A_36, %jit3A_37 : i32
    %sign3A_39 = arith.constant 0 : i32
    %sign3A_40 = arith.cmpi sgt, %add3A_36, %sign3A_39 : i32
    %sign3A_41 = arith.extui %sign3A_40 : i1 to i32
    %sign3A_42 = arith.constant 0 : i32
    %sign3A_43 = arith.cmpi slt, %add3A_36, %sign3A_42 : i32
    %sign3A_44 = arith.extui %sign3A_43 : i1 to i32
    %sign3A_45 = arith.subi %sign3A_41, %sign3A_44 : i32
    %sign3A_46 = arith.constant 0 : i32
    %sign3A_47 = arith.cmpi sgt, %jit3A_37, %sign3A_46 : i32
    %sign3A_48 = arith.extui %sign3A_47 : i1 to i32
    %sign3A_49 = arith.constant 0 : i32
    %sign3A_50 = arith.cmpi slt, %jit3A_37, %sign3A_49 : i32
    %sign3A_51 = arith.extui %sign3A_50 : i1 to i32
    %sign3A_52 = arith.subi %sign3A_48, %sign3A_51 : i32
    %ne3A_53 = arith.cmpi ne, %sign3A_45, %sign3A_52 : i32
    %rem3A_54 = arith.remsi %add3A_36, %jit3A_37 : i32
    %ne3A_55 = arith.constant 0 : i32
    %ne3A_56 = arith.cmpi ne, %rem3A_54, %ne3A_55 : i32
    %and3A_57 = arith.andi %ne3A_53, %ne3A_56 : i1
    %sub3A_58 = arith.constant 1 : i32
    %sub3A_59 = arith.subi %div3A_38, %sub3A_58 : i32
    %select_n3A_60 = arith.select %and3A_57, %sub3A_59, %div3A_38 : i32
    %mul3A_61 = arith.constant 8 : i32
    %mul3A_62 = arith.muli %select_n3A_60, %mul3A_61 : i32
    %sub3A_63 = arith.subi %add3A_36, %mul3A_62 : i32
    %mul3A_64 = arith.constant 8 : i32
    %mul3A_65 = arith.muli %mul3A_64, %sub3A_63 : i32
    %dma_start3A = arith.constant 0 : i32
    %dma_start3A_66 = tpu.memref_slice %arg4[%select_n3A_60, %mul3A_65, %dma_start3A] : memref<200x64x4096xf32, #tpu.memory_space<hbm>> -> memref<1x8x4096xf32, #tpu.memory_space<hbm>>
    %dma_start3A_67 = tpu.memref_squeeze %dma_start3A_66 : memref<1x8x4096xf32, #tpu.memory_space<hbm>> -> memref<8x4096xf32, #tpu.memory_space<hbm>>
    %dma_start3A_68 = arith.constant 0 : i32
    %dma_start3A_69 = tpu.memref_slice %arg4[%select_n3A_60, %mul3A_65, %dma_start3A_68] : memref<200x64x4096xf32, #tpu.memory_space<hbm>> -> memref<1x8x4096xf32, #tpu.memory_space<hbm>>
    %dma_start3A_70 = tpu.memref_squeeze %dma_start3A_69 : memref<1x8x4096xf32, #tpu.memory_space<hbm>> -> memref<8x4096xf32, #tpu.memory_space<hbm>>
    tpu.enqueue_dma source(%arg7 : memref<8x4096xf32, #tpu.memory_space<vmem>>) target(%dma_start3A_70 : memref<8x4096xf32, #tpu.memory_space<hbm>>) target_semaphore(%arg9 : memref<!tpu.dma_semaphore, #tpu.memory_space<semaphore_mem>>)
    %mul3A_71 = arith.constant 50 : i32
    %mul3A_72 = arith.muli %add3A, %mul3A_71 : i32
    %add3A_73 = arith.constant 1 : i32
    %add3A_74 = arith.addi %mul3A_72, %add3A_73 : i32
    %jit3A_75 = arith.constant 8 : i32
    %div3A_76 = arith.divsi %add3A_74, %jit3A_75 : i32
    %sign3A_77 = arith.constant 0 : i32
    %sign3A_78 = arith.cmpi sgt, %add3A_74, %sign3A_77 : i32
    %sign3A_79 = arith.extui %sign3A_78 : i1 to i32
    %sign3A_80 = arith.constant 0 : i32
    %sign3A_81 = arith.cmpi slt, %add3A_74, %sign3A_80 : i32
    %sign3A_82 = arith.extui %sign3A_81 : i1 to i32
    %sign3A_83 = arith.subi %sign3A_79, %sign3A_82 : i32
    %sign3A_84 = arith.constant 0 : i32
    %sign3A_85 = arith.cmpi sgt, %jit3A_75, %sign3A_84 : i32
    %sign3A_86 = arith.extui %sign3A_85 : i1 to i32
    %sign3A_87 = arith.constant 0 : i32
    %sign3A_88 = arith.cmpi slt, %jit3A_75, %sign3A_87 : i32
    %sign3A_89 = arith.extui %sign3A_88 : i1 to i32
    %sign3A_90 = arith.subi %sign3A_86, %sign3A_89 : i32
    %ne3A_91 = arith.cmpi ne, %sign3A_83, %sign3A_90 : i32
    %rem3A_92 = arith.remsi %add3A_74, %jit3A_75 : i32
    %ne3A_93 = arith.constant 0 : i32
    %ne3A_94 = arith.cmpi ne, %rem3A_92, %ne3A_93 : i32
    %and3A_95 = arith.andi %ne3A_91, %ne3A_94 : i1
    %sub3A_96 = arith.constant 1 : i32
    %sub3A_97 = arith.subi %div3A_76, %sub3A_96 : i32
    %select_n3A_98 = arith.select %and3A_95, %sub3A_97, %div3A_76 : i32
    %mul3A_99 = arith.constant 8 : i32
    %mul3A_100 = arith.muli %select_n3A_98, %mul3A_99 : i32
    %sub3A_101 = arith.subi %add3A_74, %mul3A_100 : i32
    %eq3A_102 = arith.constant 0 : i32
    %eq3A_103 = arith.cmpi eq, %sub3A_101, %eq3A_102 : i32
    %or3A_104 = arith.constant false
    %or3A_105 = arith.ori %or3A_104, %eq3A_103 : i1
    %convert_element_type3A_106 = arith.extui %or3A_105 : i1 to i32
    %cond3A_107 = arith.constant 0 : i32
    %cond3A_108 = arith.cmpi ne, %convert_element_type3A_106, %cond3A_107 : i32
    scf.if %cond3A_108 {
      "tpu.region"() ({
        %run_scoped3A = tpu.sem_alloc : memref<!tpu.dma_semaphore, #tpu.memory_space<semaphore_mem>>
        %dma_start3A_237 = arith.constant 0 : i32
        %dma_start3A_238 = tpu.memref_slice %arg2[%select_n3A_98, %dma_start3A_237] : memref<200x4096xi32, #tpu.memory_space<hbm>> -> memref<1x4096xi32, #tpu.memory_space<hbm>>
        %dma_start3A_239 = tpu.memref_squeeze %dma_start3A_238 : memref<1x4096xi32, #tpu.memory_space<hbm>> -> memref<4096xi32, #tpu.memory_space<hbm>>
        %dma_start3A_240 = arith.constant 0 : i32
        %dma_start3A_241 = tpu.memref_slice %arg2[%select_n3A_98, %dma_start3A_240] : memref<200x4096xi32, #tpu.memory_space<hbm>> -> memref<1x4096xi32, #tpu.memory_space<hbm>>
        %dma_start3A_242 = tpu.memref_squeeze %dma_start3A_241 : memref<1x4096xi32, #tpu.memory_space<hbm>> -> memref<4096xi32, #tpu.memory_space<hbm>>
        tpu.enqueue_dma source(%dma_start3A_242 : memref<4096xi32, #tpu.memory_space<hbm>>) target(%arg6 : memref<4096xi32, #tpu.memory_space<vmem>>) target_semaphore(%run_scoped3A : memref<!tpu.dma_semaphore, #tpu.memory_space<semaphore_mem>>)
        %dma_wait3A_243 = arith.constant 0 : i32
        %dma_wait3A_244 = tpu.memref_slice %arg2[%select_n3A_98, %dma_wait3A_243] : memref<200x4096xi32, #tpu.memory_space<hbm>> -> memref<1x4096xi32, #tpu.memory_space<hbm>>
        %dma_wait3A_245 = tpu.memref_squeeze %dma_wait3A_244 : memref<1x4096xi32, #tpu.memory_space<hbm>> -> memref<4096xi32, #tpu.memory_space<hbm>>
        %dma_wait3A_246 = arith.constant 0 : i32
        %dma_wait3A_247 = tpu.memref_slice %arg2[%select_n3A_98, %dma_wait3A_246] : memref<200x4096xi32, #tpu.memory_space<hbm>> -> memref<1x4096xi32, #tpu.memory_space<hbm>>
        %dma_wait3A_248 = tpu.memref_squeeze %dma_wait3A_247 : memref<1x4096xi32, #tpu.memory_space<hbm>> -> memref<4096xi32, #tpu.memory_space<hbm>>
        tpu.wait_dma2 semaphore(%run_scoped3A : memref<!tpu.dma_semaphore, #tpu.memory_space<semaphore_mem>>) src(%dma_wait3A_248 : memref<4096xi32, #tpu.memory_space<hbm>>) dst(%arg6 : memref<4096xi32, #tpu.memory_space<vmem>>)
        tpu.yield
      }) : () -> ()
    } else {
    }
    %mul3A_109 = arith.constant 8 : i32
    %mul3A_110 = arith.muli %sub3A_101, %mul3A_109 : i32
    %mul3A_111 = arith.constant 108 : i32
    %mul3A_112 = arith.muli %mul3A_110, %mul3A_111 : i32
    %parallel_loop3A_113 = arith.constant 0 : i32
    %parallel_loop3A_114 = arith.constant 4096 : i32
    %parallel_loop3A_115 = arith.constant 16 : i32
    scf.for %parallel_loop3A_237 = %parallel_loop3A_113 to %parallel_loop3A_114 step %parallel_loop3A_115  : i32 {
      %parallel_loop3A_238 = arith.index_cast %parallel_loop3A_237 : i32 to index
      %parallel_loop3A_239 = tpu.vector_load %arg6[%parallel_loop3A_238] {strides = array<i32>} : memref<4096xi32, #tpu.memory_space<vmem>>, vector<16xi32>,
      %parallel_loop3A_240 = arith.constant 0 : i32
      %parallel_loop3A_241 = arith.addi %mul3A_112, %parallel_loop3A_240 : i32
      %parallel_loop3A_242 = vector.broadcast %parallel_loop3A_241 : i32 to vector<16xi32>
      %parallel_loop3A_243 = arith.addi %parallel_loop3A_239, %parallel_loop3A_242 : vector<16xi32>
      %parallel_loop3A_244 = tpu.vector_load_idx %arg5[%parallel_loop3A_243] : memref<6912xf32, #tpu.memory_space<vmem>>[vector<16xi32>], vector<16xf32>,
      %parallel_loop3A_245 = arith.constant 0 : i32
      %parallel_loop3A_246 = arith.index_cast %parallel_loop3A_245 : i32 to index
      %parallel_loop3A_247 = arith.index_cast %parallel_loop3A_237 : i32 to index
      %parallel_loop3A_248 = tpu.vector_load %arg8[%parallel_loop3A_246, %parallel_loop3A_247] {strides = array<i32>} : memref<8x4096xf32, #tpu.memory_space<vmem>>, vector<16xf32>,
      tpu.vector_store %arg8[%parallel_loop3A_246, %parallel_loop3A_247], %parallel_loop3A_244 {strides = array<i32>} : memref<8x4096xf32, #tpu.memory_space<vmem>>, vector<16xf32>,
      %parallel_loop3A_249 = arith.constant 108 : i32
      %parallel_loop3A_250 = arith.addi %mul3A_112, %parallel_loop3A_249 : i32
      %parallel_loop3A_251 = vector.broadcast %parallel_loop3A_250 : i32 to vector<16xi32>
      %parallel_loop3A_252 = arith.addi %parallel_loop3A_239, %parallel_loop3A_251 : vector<16xi32>
      %parallel_loop3A_253 = tpu.vector_load_idx %arg5[%parallel_loop3A_252] : memref<6912xf32, #tpu.memory_space<vmem>>[vector<16xi32>], vector<16xf32>,
      %parallel_loop3A_254 = arith.constant 1 : i32
      %parallel_loop3A_255 = arith.index_cast %parallel_loop3A_254 : i32 to index
      %parallel_loop3A_256 = arith.index_cast %parallel_loop3A_237 : i32 to index
      %parallel_loop3A_257 = tpu.vector_load %arg8[%parallel_loop3A_255, %parallel_loop3A_256] {strides = array<i32>} : memref<8x4096xf32, #tpu.memory_space<vmem>>, vector<16xf32>,
      tpu.vector_store %arg8[%parallel_loop3A_255, %parallel_loop3A_256], %parallel_loop3A_253 {strides = array<i32>} : memref<8x4096xf32, #tpu.memory_space<vmem>>, vector<16xf32>,
      %parallel_loop3A_258 = arith.constant 216 : i32
      %parallel_loop3A_259 = arith.addi %mul3A_112, %parallel_loop3A_258 : i32
      %parallel_loop3A_260 = vector.broadcast %parallel_loop3A_259 : i32 to vector<16xi32>
      %parallel_loop3A_261 = arith.addi %parallel_loop3A_239, %parallel_loop3A_260 : vector<16xi32>
      %parallel_loop3A_262 = tpu.vector_load_idx %arg5[%parallel_loop3A_261] : memref<6912xf32, #tpu.memory_space<vmem>>[vector<16xi32>], vector<16xf32>,
      %parallel_loop3A_263 = arith.constant 2 : i32
      %parallel_loop3A_264 = arith.index_cast %parallel_loop3A_263 : i32 to index
      %parallel_loop3A_265 = arith.index_cast %parallel_loop3A_237 : i32 to index
      %parallel_loop3A_266 = tpu.vector_load %arg8[%parallel_loop3A_264, %parallel_loop3A_265] {strides = array<i32>} : memref<8x4096xf32, #tpu.memory_space<vmem>>, vector<16xf32>,
      tpu.vector_store %arg8[%parallel_loop3A_264, %parallel_loop3A_265], %parallel_loop3A_262 {strides = array<i32>} : memref<8x4096xf32, #tpu.memory_space<vmem>>, vector<16xf32>,
      %parallel_loop3A_267 = arith.constant 324 : i32
      %parallel_loop3A_268 = arith.addi %mul3A_112, %parallel_loop3A_267 : i32
      %parallel_loop3A_269 = vector.broadcast %parallel_loop3A_268 : i32 to vector<16xi32>
      %parallel_loop3A_270 = arith.addi %parallel_loop3A_239, %parallel_loop3A_269 : vector<16xi32>
      %parallel_loop3A_271 = tpu.vector_load_idx %arg5[%parallel_loop3A_270] : memref<6912xf32, #tpu.memory_space<vmem>>[vector<16xi32>], vector<16xf32>,
      %parallel_loop3A_272 = arith.constant 3 : i32
      %parallel_loop3A_273 = arith.index_cast %parallel_loop3A_272 : i32 to index
      %parallel_loop3A_274 = arith.index_cast %parallel_loop3A_237 : i32 to index
      %parallel_loop3A_275 = tpu.vector_load %arg8[%parallel_loop3A_273, %parallel_loop3A_274] {strides = array<i32>} : memref<8x4096xf32, #tpu.memory_space<vmem>>, vector<16xf32>,
      tpu.vector_store %arg8[%parallel_loop3A_273, %parallel_loop3A_274], %parallel_loop3A_271 {strides = array<i32>} : memref<8x4096xf32, #tpu.memory_space<vmem>>, vector<16xf32>,
      %parallel_loop3A_276 = arith.constant 432 : i32
      %parallel_loop3A_277 = arith.addi %mul3A_112, %parallel_loop3A_276 : i32
      %parallel_loop3A_278 = vector.broadcast %parallel_loop3A_277 : i32 to vector<16xi32>
      %parallel_loop3A_279 = arith.addi %parallel_loop3A_239, %parallel_loop3A_278 : vector<16xi32>
      %parallel_loop3A_280 = tpu.vector_load_idx %arg5[%parallel_loop3A_279] : memref<6912xf32, #tpu.memory_space<vmem>>[vector<16xi32>], vector<16xf32>,
      %parallel_loop3A_281 = arith.constant 4 : i32
      %parallel_loop3A_282 = arith.index_cast %parallel_loop3A_281 : i32 to index
      %parallel_loop3A_283 = arith.index_cast %parallel_loop3A_237 : i32 to index
      %parallel_loop3A_284 = tpu.vector_load %arg8[%parallel_loop3A_282, %parallel_loop3A_283] {strides = array<i32>} : memref<8x4096xf32, #tpu.memory_space<vmem>>, vector<16xf32>,
      tpu.vector_store %arg8[%parallel_loop3A_282, %parallel_loop3A_283], %parallel_loop3A_280 {strides = array<i32>} : memref<8x4096xf32, #tpu.memory_space<vmem>>, vector<16xf32>,
      %parallel_loop3A_285 = arith.constant 540 : i32
      %parallel_loop3A_286 = arith.addi %mul3A_112, %parallel_loop3A_285 : i32
      %parallel_loop3A_287 = vector.broadcast %parallel_loop3A_286 : i32 to vector<16xi32>
      %parallel_loop3A_288 = arith.addi %parallel_loop3A_239, %parallel_loop3A_287 : vector<16xi32>
      %parallel_loop3A_289 = tpu.vector_load_idx %arg5[%parallel_loop3A_288] : memref<6912xf32, #tpu.memory_space<vmem>>[vector<16xi32>], vector<16xf32>,
      %parallel_loop3A_290 = arith.constant 5 : i32
      %parallel_loop3A_291 = arith.index_cast %parallel_loop3A_290 : i32 to index
      %parallel_loop3A_292 = arith.index_cast %parallel_loop3A_237 : i32 to index
      %parallel_loop3A_293 = tpu.vector_load %arg8[%parallel_loop3A_291, %parallel_loop3A_292] {strides = array<i32>} : memref<8x4096xf32, #tpu.memory_space<vmem>>, vector<16xf32>,
      tpu.vector_store %arg8[%parallel_loop3A_291, %parallel_loop3A_292], %parallel_loop3A_289 {strides = array<i32>} : memref<8x4096xf32, #tpu.memory_space<vmem>>, vector<16xf32>,
      %parallel_loop3A_294 = arith.constant 648 : i32
      %parallel_loop3A_295 = arith.addi %mul3A_112, %parallel_loop3A_294 : i32
      %parallel_loop3A_296 = vector.broadcast %parallel_loop3A_295 : i32 to vector<16xi32>
      %parallel_loop3A_297 = arith.addi %parallel_loop3A_239, %parallel_loop3A_296 : vector<16xi32>
      %parallel_loop3A_298 = tpu.vector_load_idx %arg5[%parallel_loop3A_297] : memref<6912xf32, #tpu.memory_space<vmem>>[vector<16xi32>], vector<16xf32>,
      %parallel_loop3A_299 = arith.constant 6 : i32
      %parallel_loop3A_300 = arith.index_cast %parallel_loop3A_299 : i32 to index
      %parallel_loop3A_301 = arith.index_cast %parallel_loop3A_237 : i32 to index
      %parallel_loop3A_302 = tpu.vector_load %arg8[%parallel_loop3A_300, %parallel_loop3A_301] {strides = array<i32>} : memref<8x4096xf32, #tpu.memory_space<vmem>>, vector<16xf32>,
      tpu.vector_store %arg8[%parallel_loop3A_300, %parallel_loop3A_301], %parallel_loop3A_298 {strides = array<i32>} : memref<8x4096xf32, #tpu.memory_space<vmem>>, vector<16xf32>,
      %parallel_loop3A_303 = arith.constant 756 : i32
      %parallel_loop3A_304 = arith.addi %mul3A_112, %parallel_loop3A_303 : i32
      %parallel_loop3A_305 = vector.broadcast %parallel_loop3A_304 : i32 to vector<16xi32>
      %parallel_loop3A_306 = arith.addi %parallel_loop3A_239, %parallel_loop3A_305 : vector<16xi32>
      %parallel_loop3A_307 = tpu.vector_load_idx %arg5[%parallel_loop3A_306] : memref<6912xf32, #tpu.memory_space<vmem>>[vector<16xi32>], vector<16xf32>,
      %parallel_loop3A_308 = arith.constant 7 : i32
      %parallel_loop3A_309 = arith.index_cast %parallel_loop3A_308 : i32 to index
      %parallel_loop3A_310 = arith.index_cast %parallel_loop3A_237 : i32 to index
      %parallel_loop3A_311 = tpu.vector_load %arg8[%parallel_loop3A_309, %parallel_loop3A_310] {strides = array<i32>} : memref<8x4096xf32, #tpu.memory_space<vmem>>, vector<16xf32>,
      tpu.vector_store %arg8[%parallel_loop3A_309, %parallel_loop3A_310], %parallel_loop3A_307 {strides = array<i32>} : memref<8x4096xf32, #tpu.memory_space<vmem>>, vector<16xf32>,
    } {sc.loop_unroll_factor = 8 : i64, sc.parallel_access}
    %mul3A_116 = arith.constant 50 : i32
    %mul3A_117 = arith.muli %add3A, %mul3A_116 : i32
    %add3A_118 = arith.constant 1 : i32
    %add3A_119 = arith.addi %mul3A_117, %add3A_118 : i32
    %jit3A_120 = arith.constant 8 : i32
    %div3A_121 = arith.divsi %add3A_119, %jit3A_120 : i32
    %sign3A_122 = arith.constant 0 : i32
    %sign3A_123 = arith.cmpi sgt, %add3A_119, %sign3A_122 : i32
    %sign3A_124 = arith.extui %sign3A_123 : i1 to i32
    %sign3A_125 = arith.constant 0 : i32
    %sign3A_126 = arith.cmpi slt, %add3A_119, %sign3A_125 : i32
    %sign3A_127 = arith.extui %sign3A_126 : i1 to i32
    %sign3A_128 = arith.subi %sign3A_124, %sign3A_127 : i32
    %sign3A_129 = arith.constant 0 : i32
    %sign3A_130 = arith.cmpi sgt, %jit3A_120, %sign3A_129 : i32
    %sign3A_131 = arith.extui %sign3A_130 : i1 to i32
    %sign3A_132 = arith.constant 0 : i32
    %sign3A_133 = arith.cmpi slt, %jit3A_120, %sign3A_132 : i32
    %sign3A_134 = arith.extui %sign3A_133 : i1 to i32
    %sign3A_135 = arith.subi %sign3A_131, %sign3A_134 : i32
    %ne3A_136 = arith.cmpi ne, %sign3A_128, %sign3A_135 : i32
    %rem3A_137 = arith.remsi %add3A_119, %jit3A_120 : i32
    %ne3A_138 = arith.constant 0 : i32
    %ne3A_139 = arith.cmpi ne, %rem3A_137, %ne3A_138 : i32
    %and3A_140 = arith.andi %ne3A_136, %ne3A_139 : i1
    %sub3A_141 = arith.constant 1 : i32
    %sub3A_142 = arith.subi %div3A_121, %sub3A_141 : i32
    %select_n3A_143 = arith.select %and3A_140, %sub3A_142, %div3A_121 : i32
    %mul3A_144 = arith.constant 8 : i32
    %mul3A_145 = arith.muli %select_n3A_143, %mul3A_144 : i32
    %sub3A_146 = arith.subi %add3A_119, %mul3A_145 : i32
    %mul3A_147 = arith.constant 8 : i32
    %mul3A_148 = arith.muli %mul3A_147, %sub3A_146 : i32
    %dma_start3A_149 = arith.constant 0 : i32
    %dma_start3A_150 = tpu.memref_slice %arg4[%select_n3A_143, %mul3A_148, %dma_start3A_149] : memref<200x64x4096xf32, #tpu.memory_space<hbm>> -> memref<1x8x4096xf32, #tpu.memory_space<hbm>>
    %dma_start3A_151 = tpu.memref_squeeze %dma_start3A_150 : memref<1x8x4096xf32, #tpu.memory_space<hbm>> -> memref<8x4096xf32, #tpu.memory_space<hbm>>
    %dma_start3A_152 = arith.constant 0 : i32
    %dma_start3A_153 = tpu.memref_slice %arg4[%select_n3A_143, %mul3A_148, %dma_start3A_152] : memref<200x64x4096xf32, #tpu.memory_space<hbm>> -> memref<1x8x4096xf32, #tpu.memory_space<hbm>>
    %dma_start3A_154 = tpu.memref_squeeze %dma_start3A_153 : memref<1x8x4096xf32, #tpu.memory_space<hbm>> -> memref<8x4096xf32, #tpu.memory_space<hbm>>
    tpu.enqueue_dma source(%arg8 : memref<8x4096xf32, #tpu.memory_space<vmem>>) target(%dma_start3A_154 : memref<8x4096xf32, #tpu.memory_space<hbm>>) target_semaphore(%arg10 : memref<!tpu.dma_semaphore, #tpu.memory_space<semaphore_mem>>)
    %scan3A = arith.constant 0 : i32
    %scan3A_155 = arith.constant 1 : i32
    %scan3A_156 = arith.constant 24 : i32
    %scan3A_157 = arith.addi %scan3A_155, %scan3A_156 : i32
    %scan3A_158 = arith.constant 1 : i32
    scf.for %scan3A_237 = %scan3A_155 to %scan3A_157 step %scan3A_158  : i32 {
      %mul3A_238 = arith.constant 2 : i32
      %mul3A_239 = arith.muli %mul3A_238, %scan3A_237 : i32
      %add3A_240 = arith.constant 0 : i32
      %add3A_241 = arith.addi %mul3A_239, %add3A_240 : i32
      %sub3A_242 = arith.constant 2 : i32
      %sub3A_243 = arith.subi %add3A_241, %sub3A_242 : i32
      %mul3A_244 = arith.constant 50 : i32
      %mul3A_245 = arith.muli %add3A, %mul3A_244 : i32
      %add3A_246 = arith.addi %mul3A_245, %sub3A_243 : i32
      %jit3A_247 = arith.constant 8 : i32
      %div3A_248 = arith.divsi %add3A_246, %jit3A_247 : i32
      %sign3A_249 = arith.constant 0 : i32
      %sign3A_250 = arith.cmpi sgt, %add3A_246, %sign3A_249 : i32
      %sign3A_251 = arith.extui %sign3A_250 : i1 to i32
      %sign3A_252 = arith.constant 0 : i32
      %sign3A_253 = arith.cmpi slt, %add3A_246, %sign3A_252 : i32
      %sign3A_254 = arith.extui %sign3A_253 : i1 to i32
      %sign3A_255 = arith.subi %sign3A_251, %sign3A_254 : i32
      %sign3A_256 = arith.constant 0 : i32
      %sign3A_257 = arith.cmpi sgt, %jit3A_247, %sign3A_256 : i32
      %sign3A_258 = arith.extui %sign3A_257 : i1 to i32
      %sign3A_259 = arith.constant 0 : i32
      %sign3A_260 = arith.cmpi slt, %jit3A_247, %sign3A_259 : i32
      %sign3A_261 = arith.extui %sign3A_260 : i1 to i32
      %sign3A_262 = arith.subi %sign3A_258, %sign3A_261 : i32
      %ne3A_263 = arith.cmpi ne, %sign3A_255, %sign3A_262 : i32
      %rem3A_264 = arith.remsi %add3A_246, %jit3A_247 : i32
      %ne3A_265 = arith.constant 0 : i32
      %ne3A_266 = arith.cmpi ne, %rem3A_264, %ne3A_265 : i32
      %and3A_267 = arith.andi %ne3A_263, %ne3A_266 : i1
      %sub3A_268 = arith.constant 1 : i32
      %sub3A_269 = arith.subi %div3A_248, %sub3A_268 : i32
      %select_n3A_270 = arith.select %and3A_267, %sub3A_269, %div3A_248 : i32
      %mul3A_271 = arith.constant 8 : i32
      %mul3A_272 = arith.muli %select_n3A_270, %mul3A_271 : i32
      %sub3A_273 = arith.subi %add3A_246, %mul3A_272 : i32
      %mul3A_274 = arith.constant 8 : i32
      %mul3A_275 = arith.muli %mul3A_274, %sub3A_273 : i32
      %dma_wait3A_276 = arith.constant 0 : i32
      %dma_wait3A_277 = tpu.memref_slice %arg4[%select_n3A_270, %mul3A_275, %dma_wait3A_276] : memref<200x64x4096xf32, #tpu.memory_space<hbm>> -> memref<1x8x4096xf32, #tpu.memory_space<hbm>>
      %dma_wait3A_278 = tpu.memref_squeeze %dma_wait3A_277 : memref<1x8x4096xf32, #tpu.memory_space<hbm>> -> memref<8x4096xf32, #tpu.memory_space<hbm>>
      %dma_wait3A_279 = arith.constant 0 : i32
      %dma_wait3A_280 = tpu.memref_slice %arg4[%select_n3A_270, %mul3A_275, %dma_wait3A_279] : memref<200x64x4096xf32, #tpu.memory_space<hbm>> -> memref<1x8x4096xf32, #tpu.memory_space<hbm>>
      %dma_wait3A_281 = tpu.memref_squeeze %dma_wait3A_280 : memref<1x8x4096xf32, #tpu.memory_space<hbm>> -> memref<8x4096xf32, #tpu.memory_space<hbm>>
      tpu.wait_dma2 semaphore(%arg9 : memref<!tpu.dma_semaphore, #tpu.memory_space<semaphore_mem>>) src(%arg7 : memref<8x4096xf32, #tpu.memory_space<vmem>>) dst(%dma_wait3A_281 : memref<8x4096xf32, #tpu.memory_space<hbm>>)
      %mul3A_282 = arith.constant 50 : i32
      %mul3A_283 = arith.muli %add3A, %mul3A_282 : i32
      %add3A_284 = arith.addi %mul3A_283, %add3A_241 : i32
      %jit3A_285 = arith.constant 8 : i32
      %div3A_286 = arith.divsi %add3A_284, %jit3A_285 : i32
      %sign3A_287 = arith.constant 0 : i32
      %sign3A_288 = arith.cmpi sgt, %add3A_284, %sign3A_287 : i32
      %sign3A_289 = arith.extui %sign3A_288 : i1 to i32
      %sign3A_290 = arith.constant 0 : i32
      %sign3A_291 = arith.cmpi slt, %add3A_284, %sign3A_290 : i32
      %sign3A_292 = arith.extui %sign3A_291 : i1 to i32
      %sign3A_293 = arith.subi %sign3A_289, %sign3A_292 : i32
      %sign3A_294 = arith.constant 0 : i32
      %sign3A_295 = arith.cmpi sgt, %jit3A_285, %sign3A_294 : i32
      %sign3A_296 = arith.extui %sign3A_295 : i1 to i32
      %sign3A_297 = arith.constant 0 : i32
      %sign3A_298 = arith.cmpi slt, %jit3A_285, %sign3A_297 : i32
      %sign3A_299 = arith.extui %sign3A_298 : i1 to i32
      %sign3A_300 = arith.subi %sign3A_296, %sign3A_299 : i32
      %ne3A_301 = arith.cmpi ne, %sign3A_293, %sign3A_300 : i32
      %rem3A_302 = arith.remsi %add3A_284, %jit3A_285 : i32
      %ne3A_303 = arith.constant 0 : i32
      %ne3A_304 = arith.cmpi ne, %rem3A_302, %ne3A_303 : i32
      %and3A_305 = arith.andi %ne3A_301, %ne3A_304 : i1
      %sub3A_306 = arith.constant 1 : i32
      %sub3A_307 = arith.subi %div3A_286, %sub3A_306 : i32
      %select_n3A_308 = arith.select %and3A_305, %sub3A_307, %div3A_286 : i32
      %mul3A_309 = arith.constant 8 : i32
      %mul3A_310 = arith.muli %select_n3A_308, %mul3A_309 : i32
      %sub3A_311 = arith.subi %add3A_284, %mul3A_310 : i32
      %eq3A_312 = arith.constant 0 : i32
      %eq3A_313 = arith.cmpi eq, %add3A_241, %eq3A_312 : i32
      %eq3A_314 = arith.constant 0 : i32
      %eq3A_315 = arith.cmpi eq, %sub3A_311, %eq3A_314 : i32
      %or3A_316 = arith.ori %eq3A_313, %eq3A_315 : i1
      %convert_element_type3A_317 = arith.extui %or3A_316 : i1 to i32
      %cond3A_318 = arith.constant 0 : i32
      %cond3A_319 = arith.cmpi ne, %convert_element_type3A_317, %cond3A_318 : i32
      scf.if %cond3A_319 {
        "tpu.region"() ({
          %run_scoped3A = tpu.sem_alloc : memref<!tpu.dma_semaphore, #tpu.memory_space<semaphore_mem>>
          %dma_start3A_492 = arith.constant 0 : i32
          %dma_start3A_493 = tpu.memref_slice %arg2[%select_n3A_308, %dma_start3A_492] : memref<200x4096xi32, #tpu.memory_space<hbm>> -> memref<1x4096xi32, #tpu.memory_space<hbm>>
          %dma_start3A_494 = tpu.memref_squeeze %dma_start3A_493 : memref<1x4096xi32, #tpu.memory_space<hbm>> -> memref<4096xi32, #tpu.memory_space<hbm>>
          %dma_start3A_495 = arith.constant 0 : i32
          %dma_start3A_496 = tpu.memref_slice %arg2[%select_n3A_308, %dma_start3A_495] : memref<200x4096xi32, #tpu.memory_space<hbm>> -> memref<1x4096xi32, #tpu.memory_space<hbm>>
          %dma_start3A_497 = tpu.memref_squeeze %dma_start3A_496 : memref<1x4096xi32, #tpu.memory_space<hbm>> -> memref<4096xi32, #tpu.memory_space<hbm>>
          tpu.enqueue_dma source(%dma_start3A_497 : memref<4096xi32, #tpu.memory_space<hbm>>) target(%arg6 : memref<4096xi32, #tpu.memory_space<vmem>>) target_semaphore(%run_scoped3A : memref<!tpu.dma_semaphore, #tpu.memory_space<semaphore_mem>>)
          %dma_wait3A_498 = arith.constant 0 : i32
          %dma_wait3A_499 = tpu.memref_slice %arg2[%select_n3A_308, %dma_wait3A_498] : memref<200x4096xi32, #tpu.memory_space<hbm>> -> memref<1x4096xi32, #tpu.memory_space<hbm>>
          %dma_wait3A_500 = tpu.memref_squeeze %dma_wait3A_499 : memref<1x4096xi32, #tpu.memory_space<hbm>> -> memref<4096xi32, #tpu.memory_space<hbm>>
          %dma_wait3A_501 = arith.constant 0 : i32
          %dma_wait3A_502 = tpu.memref_slice %arg2[%select_n3A_308, %dma_wait3A_501] : memref<200x4096xi32, #tpu.memory_space<hbm>> -> memref<1x4096xi32, #tpu.memory_space<hbm>>
          %dma_wait3A_503 = tpu.memref_squeeze %dma_wait3A_502 : memref<1x4096xi32, #tpu.memory_space<hbm>> -> memref<4096xi32, #tpu.memory_space<hbm>>
          tpu.wait_dma2 semaphore(%run_scoped3A : memref<!tpu.dma_semaphore, #tpu.memory_space<semaphore_mem>>) src(%dma_wait3A_503 : memref<4096xi32, #tpu.memory_space<hbm>>) dst(%arg6 : memref<4096xi32, #tpu.memory_space<vmem>>)
          tpu.yield
        }) : () -> ()
      } else {
      }
      %mul3A_320 = arith.constant 8 : i32
      %mul3A_321 = arith.muli %sub3A_311, %mul3A_320 : i32
      %mul3A_322 = arith.constant 108 : i32
      %mul3A_323 = arith.muli %mul3A_321, %mul3A_322 : i32
      %parallel_loop3A_324 = arith.constant 0 : i32
      %parallel_loop3A_325 = arith.constant 4096 : i32
      %parallel_loop3A_326 = arith.constant 16 : i32
      scf.for %parallel_loop3A_492 = %parallel_loop3A_324 to %parallel_loop3A_325 step %parallel_loop3A_326  : i32 {
        %parallel_loop3A_493 = arith.index_cast %parallel_loop3A_492 : i32 to index
        %parallel_loop3A_494 = tpu.vector_load %arg6[%parallel_loop3A_493] {strides = array<i32>} : memref<4096xi32, #tpu.memory_space<vmem>>, vector<16xi32>,
        %parallel_loop3A_495 = arith.constant 0 : i32
        %parallel_loop3A_496 = arith.addi %mul3A_323, %parallel_loop3A_495 : i32
        %parallel_loop3A_497 = vector.broadcast %parallel_loop3A_496 : i32 to vector<16xi32>
        %parallel_loop3A_498 = arith.addi %parallel_loop3A_494, %parallel_loop3A_497 : vector<16xi32>
        %parallel_loop3A_499 = tpu.vector_load_idx %arg5[%parallel_loop3A_498] : memref<6912xf32, #tpu.memory_space<vmem>>[vector<16xi32>], vector<16xf32>,
        %parallel_loop3A_500 = arith.constant 0 : i32
        %parallel_loop3A_501 = arith.index_cast %parallel_loop3A_500 : i32 to index
        %parallel_loop3A_502 = arith.index_cast %parallel_loop3A_492 : i32 to index
        %parallel_loop3A_503 = tpu.vector_load %arg7[%parallel_loop3A_501, %parallel_loop3A_502] {strides = array<i32>} : memref<8x4096xf32, #tpu.memory_space<vmem>>, vector<16xf32>,
        tpu.vector_store %arg7[%parallel_loop3A_501, %parallel_loop3A_502], %parallel_loop3A_499 {strides = array<i32>} : memref<8x4096xf32, #tpu.memory_space<vmem>>, vector<16xf32>,
        %parallel_loop3A_504 = arith.constant 108 : i32
        %parallel_loop3A_505 = arith.addi %mul3A_323, %parallel_loop3A_504 : i32
        %parallel_loop3A_506 = vector.broadcast %parallel_loop3A_505 : i32 to vector<16xi32>
        %parallel_loop3A_507 = arith.addi %parallel_loop3A_494, %parallel_loop3A_506 : vector<16xi32>
        %parallel_loop3A_508 = tpu.vector_load_idx %arg5[%parallel_loop3A_507] : memref<6912xf32, #tpu.memory_space<vmem>>[vector<16xi32>], vector<16xf32>,
        %parallel_loop3A_509 = arith.constant 1 : i32
        %parallel_loop3A_510 = arith.index_cast %parallel_loop3A_509 : i32 to index
        %parallel_loop3A_511 = arith.index_cast %parallel_loop3A_492 : i32 to index
        %parallel_loop3A_512 = tpu.vector_load %arg7[%parallel_loop3A_510, %parallel_loop3A_511] {strides = array<i32>} : memref<8x4096xf32, #tpu.memory_space<vmem>>, vector<16xf32>,
        tpu.vector_store %arg7[%parallel_loop3A_510, %parallel_loop3A_511], %parallel_loop3A_508 {strides = array<i32>} : memref<8x4096xf32, #tpu.memory_space<vmem>>, vector<16xf32>,
        %parallel_loop3A_513 = arith.constant 216 : i32
        %parallel_loop3A_514 = arith.addi %mul3A_323, %parallel_loop3A_513 : i32
        %parallel_loop3A_515 = vector.broadcast %parallel_loop3A_514 : i32 to vector<16xi32>
        %parallel_loop3A_516 = arith.addi %parallel_loop3A_494, %parallel_loop3A_515 : vector<16xi32>
        %parallel_loop3A_517 = tpu.vector_load_idx %arg5[%parallel_loop3A_516] : memref<6912xf32, #tpu.memory_space<vmem>>[vector<16xi32>], vector<16xf32>,
        %parallel_loop3A_518 = arith.constant 2 : i32
        %parallel_loop3A_519 = arith.index_cast %parallel_loop3A_518 : i32 to index
        %parallel_loop3A_520 = arith.index_cast %parallel_loop3A_492 : i32 to index
        %parallel_loop3A_521 = tpu.vector_load %arg7[%parallel_loop3A_519, %parallel_loop3A_520] {strides = array<i32>} : memref<8x4096xf32, #tpu.memory_space<vmem>>, vector<16xf32>,
        tpu.vector_store %arg7[%parallel_loop3A_519, %parallel_loop3A_520], %parallel_loop3A_517 {strides = array<i32>} : memref<8x4096xf32, #tpu.memory_space<vmem>>, vector<16xf32>,
        %parallel_loop3A_522 = arith.constant 324 : i32
        %parallel_loop3A_523 = arith.addi %mul3A_323, %parallel_loop3A_522 : i32
        %parallel_loop3A_524 = vector.broadcast %parallel_loop3A_523 : i32 to vector<16xi32>
        %parallel_loop3A_525 = arith.addi %parallel_loop3A_494, %parallel_loop3A_524 : vector<16xi32>
        %parallel_loop3A_526 = tpu.vector_load_idx %arg5[%parallel_loop3A_525] : memref<6912xf32, #tpu.memory_space<vmem>>[vector<16xi32>], vector<16xf32>,
        %parallel_loop3A_527 = arith.constant 3 : i32
        %parallel_loop3A_528 = arith.index_cast %parallel_loop3A_527 : i32 to index
        %parallel_loop3A_529 = arith.index_cast %parallel_loop3A_492 : i32 to index
        %parallel_loop3A_530 = tpu.vector_load %arg7[%parallel_loop3A_528, %parallel_loop3A_529] {strides = array<i32>} : memref<8x4096xf32, #tpu.memory_space<vmem>>, vector<16xf32>,
        tpu.vector_store %arg7[%parallel_loop3A_528, %parallel_loop3A_529], %parallel_loop3A_526 {strides = array<i32>} : memref<8x4096xf32, #tpu.memory_space<vmem>>, vector<16xf32>,
        %parallel_loop3A_531 = arith.constant 432 : i32
        %parallel_loop3A_532 = arith.addi %mul3A_323, %parallel_loop3A_531 : i32
        %parallel_loop3A_533 = vector.broadcast %parallel_loop3A_532 : i32 to vector<16xi32>
        %parallel_loop3A_534 = arith.addi %parallel_loop3A_494, %parallel_loop3A_533 : vector<16xi32>
        %parallel_loop3A_535 = tpu.vector_load_idx %arg5[%parallel_loop3A_534] : memref<6912xf32, #tpu.memory_space<vmem>>[vector<16xi32>], vector<16xf32>,
        %parallel_loop3A_536 = arith.constant 4 : i32
        %parallel_loop3A_537 = arith.index_cast %parallel_loop3A_536 : i32 to index
        %parallel_loop3A_538 = arith.index_cast %parallel_loop3A_492 : i32 to index
        %parallel_loop3A_539 = tpu.vector_load %arg7[%parallel_loop3A_537, %parallel_loop3A_538] {strides = array<i32>} : memref<8x4096xf32, #tpu.memory_space<vmem>>, vector<16xf32>,
        tpu.vector_store %arg7[%parallel_loop3A_537, %parallel_loop3A_538], %parallel_loop3A_535 {strides = array<i32>} : memref<8x4096xf32, #tpu.memory_space<vmem>>, vector<16xf32>,
        %parallel_loop3A_540 = arith.constant 540 : i32
        %parallel_loop3A_541 = arith.addi %mul3A_323, %parallel_loop3A_540 : i32
        %parallel_loop3A_542 = vector.broadcast %parallel_loop3A_541 : i32 to vector<16xi32>
        %parallel_loop3A_543 = arith.addi %parallel_loop3A_494, %parallel_loop3A_542 : vector<16xi32>
        %parallel_loop3A_544 = tpu.vector_load_idx %arg5[%parallel_loop3A_543] : memref<6912xf32, #tpu.memory_space<vmem>>[vector<16xi32>], vector<16xf32>,
        %parallel_loop3A_545 = arith.constant 5 : i32
        %parallel_loop3A_546 = arith.index_cast %parallel_loop3A_545 : i32 to index
        %parallel_loop3A_547 = arith.index_cast %parallel_loop3A_492 : i32 to index
        %parallel_loop3A_548 = tpu.vector_load %arg7[%parallel_loop3A_546, %parallel_loop3A_547] {strides = array<i32>} : memref<8x4096xf32, #tpu.memory_space<vmem>>, vector<16xf32>,
        tpu.vector_store %arg7[%parallel_loop3A_546, %parallel_loop3A_547], %parallel_loop3A_544 {strides = array<i32>} : memref<8x4096xf32, #tpu.memory_space<vmem>>, vector<16xf32>,
        %parallel_loop3A_549 = arith.constant 648 : i32
        %parallel_loop3A_550 = arith.addi %mul3A_323, %parallel_loop3A_549 : i32
        %parallel_loop3A_551 = vector.broadcast %parallel_loop3A_550 : i32 to vector<16xi32>
        %parallel_loop3A_552 = arith.addi %parallel_loop3A_494, %parallel_loop3A_551 : vector<16xi32>
        %parallel_loop3A_553 = tpu.vector_load_idx %arg5[%parallel_loop3A_552] : memref<6912xf32, #tpu.memory_space<vmem>>[vector<16xi32>], vector<16xf32>,
        %parallel_loop3A_554 = arith.constant 6 : i32
        %parallel_loop3A_555 = arith.index_cast %parallel_loop3A_554 : i32 to index
        %parallel_loop3A_556 = arith.index_cast %parallel_loop3A_492 : i32 to index
        %parallel_loop3A_557 = tpu.vector_load %arg7[%parallel_loop3A_555, %parallel_loop3A_556] {strides = array<i32>} : memref<8x4096xf32, #tpu.memory_space<vmem>>, vector<16xf32>,
        tpu.vector_store %arg7[%parallel_loop3A_555, %parallel_loop3A_556], %parallel_loop3A_553 {strides = array<i32>} : memref<8x4096xf32, #tpu.memory_space<vmem>>, vector<16xf32>,
        %parallel_loop3A_558 = arith.constant 756 : i32
        %parallel_loop3A_559 = arith.addi %mul3A_323, %parallel_loop3A_558 : i32
        %parallel_loop3A_560 = vector.broadcast %parallel_loop3A_559 : i32 to vector<16xi32>
        %parallel_loop3A_561 = arith.addi %parallel_loop3A_494, %parallel_loop3A_560 : vector<16xi32>
        %parallel_loop3A_562 = tpu.vector_load_idx %arg5[%parallel_loop3A_561] : memref<6912xf32, #tpu.memory_space<vmem>>[vector<16xi32>], vector<16xf32>,
        %parallel_loop3A_563 = arith.constant 7 : i32
        %parallel_loop3A_564 = arith.index_cast %parallel_loop3A_563 : i32 to index
        %parallel_loop3A_565 = arith.index_cast %parallel_loop3A_492 : i32 to index
        %parallel_loop3A_566 = tpu.vector_load %arg7[%parallel_loop3A_564, %parallel_loop3A_565] {strides = array<i32>} : memref<8x4096xf32, #tpu.memory_space<vmem>>, vector<16xf32>,
        tpu.vector_store %arg7[%parallel_loop3A_564, %parallel_loop3A_565], %parallel_loop3A_562 {strides = array<i32>} : memref<8x4096xf32, #tpu.memory_space<vmem>>, vector<16xf32>,
      } {sc.loop_unroll_factor = 8 : i64, sc.parallel_access}
      %mul3A_327 = arith.constant 50 : i32
      %mul3A_328 = arith.muli %add3A, %mul3A_327 : i32
      %add3A_329 = arith.addi %mul3A_328, %add3A_241 : i32
      %jit3A_330 = arith.constant 8 : i32
      %div3A_331 = arith.divsi %add3A_329, %jit3A_330 : i32
      %sign3A_332 = arith.constant 0 : i32
      %sign3A_333 = arith.cmpi sgt, %add3A_329, %sign3A_332 : i32
      %sign3A_334 = arith.extui %sign3A_333 : i1 to i32
      %sign3A_335 = arith.constant 0 : i32
      %sign3A_336 = arith.cmpi slt, %add3A_329, %sign3A_335 : i32
      %sign3A_337 = arith.extui %sign3A_336 : i1 to i32
      %sign3A_338 = arith.subi %sign3A_334, %sign3A_337 : i32
      %sign3A_339 = arith.constant 0 : i32
      %sign3A_340 = arith.cmpi sgt, %jit3A_330, %sign3A_339 : i32
      %sign3A_341 = arith.extui %sign3A_340 : i1 to i32
      %sign3A_342 = arith.constant 0 : i32
      %sign3A_343 = arith.cmpi slt, %jit3A_330, %sign3A_342 : i32
      %sign3A_344 = arith.extui %sign3A_343 : i1 to i32
      %sign3A_345 = arith.subi %sign3A_341, %sign3A_344 : i32
      %ne3A_346 = arith.cmpi ne, %sign3A_338, %sign3A_345 : i32
      %rem3A_347 = arith.remsi %add3A_329, %jit3A_330 : i32
      %ne3A_348 = arith.constant 0 : i32
      %ne3A_349 = arith.cmpi ne, %rem3A_347, %ne3A_348 : i32
      %and3A_350 = arith.andi %ne3A_346, %ne3A_349 : i1
      %sub3A_351 = arith.constant 1 : i32
      %sub3A_352 = arith.subi %div3A_331, %sub3A_351 : i32
      %select_n3A_353 = arith.select %and3A_350, %sub3A_352, %div3A_331 : i32
      %mul3A_354 = arith.constant 8 : i32
      %mul3A_355 = arith.muli %select_n3A_353, %mul3A_354 : i32
      %sub3A_356 = arith.subi %add3A_329, %mul3A_355 : i32
      %mul3A_357 = arith.constant 8 : i32
      %mul3A_358 = arith.muli %mul3A_357, %sub3A_356 : i32
      %dma_start3A_359 = arith.constant 0 : i32
      %dma_start3A_360 = tpu.memref_slice %arg4[%select_n3A_353, %mul3A_358, %dma_start3A_359] : memref<200x64x4096xf32, #tpu.memory_space<hbm>> -> memref<1x8x4096xf32, #tpu.memory_space<hbm>>
      %dma_start3A_361 = tpu.memref_squeeze %dma_start3A_360 : memref<1x8x4096xf32, #tpu.memory_space<hbm>> -> memref<8x4096xf32, #tpu.memory_space<hbm>>
      %dma_start3A_362 = arith.constant 0 : i32
      %dma_start3A_363 = tpu.memref_slice %arg4[%select_n3A_353, %mul3A_358, %dma_start3A_362] : memref<200x64x4096xf32, #tpu.memory_space<hbm>> -> memref<1x8x4096xf32, #tpu.memory_space<hbm>>
      %dma_start3A_364 = tpu.memref_squeeze %dma_start3A_363 : memref<1x8x4096xf32, #tpu.memory_space<hbm>> -> memref<8x4096xf32, #tpu.memory_space<hbm>>
      tpu.enqueue_dma source(%arg7 : memref<8x4096xf32, #tpu.memory_space<vmem>>) target(%dma_start3A_364 : memref<8x4096xf32, #tpu.memory_space<hbm>>) target_semaphore(%arg9 : memref<!tpu.dma_semaphore, #tpu.memory_space<semaphore_mem>>)
      %mul3A_365 = arith.constant 2 : i32
      %mul3A_366 = arith.muli %mul3A_365, %scan3A_237 : i32
      %add3A_367 = arith.constant 1 : i32
      %add3A_368 = arith.addi %mul3A_366, %add3A_367 : i32
      %sub3A_369 = arith.constant 2 : i32
      %sub3A_370 = arith.subi %add3A_368, %sub3A_369 : i32
      %mul3A_371 = arith.constant 50 : i32
      %mul3A_372 = arith.muli %add3A, %mul3A_371 : i32
      %add3A_373 = arith.addi %mul3A_372, %sub3A_370 : i32
      %jit3A_374 = arith.constant 8 : i32
      %div3A_375 = arith.divsi %add3A_373, %jit3A_374 : i32
      %sign3A_376 = arith.constant 0 : i32
      %sign3A_377 = arith.cmpi sgt, %add3A_373, %sign3A_376 : i32
      %sign3A_378 = arith.extui %sign3A_377 : i1 to i32
      %sign3A_379 = arith.constant 0 : i32
      %sign3A_380 = arith.cmpi slt, %add3A_373, %sign3A_379 : i32
      %sign3A_381 = arith.extui %sign3A_380 : i1 to i32
      %sign3A_382 = arith.subi %sign3A_378, %sign3A_381 : i32
      %sign3A_383 = arith.constant 0 : i32
      %sign3A_384 = arith.cmpi sgt, %jit3A_374, %sign3A_383 : i32
      %sign3A_385 = arith.extui %sign3A_384 : i1 to i32
      %sign3A_386 = arith.constant 0 : i32
      %sign3A_387 = arith.cmpi slt, %jit3A_374, %sign3A_386 : i32
      %sign3A_388 = arith.extui %sign3A_387 : i1 to i32
      %sign3A_389 = arith.subi %sign3A_385, %sign3A_388 : i32
      %ne3A_390 = arith.cmpi ne, %sign3A_382, %sign3A_389 : i32
      %rem3A_391 = arith.remsi %add3A_373, %jit3A_374 : i32
      %ne3A_392 = arith.constant 0 : i32
      %ne3A_393 = arith.cmpi ne, %rem3A_391, %ne3A_392 : i32
      %and3A_394 = arith.andi %ne3A_390, %ne3A_393 : i1
      %sub3A_395 = arith.constant 1 : i32
      %sub3A_396 = arith.subi %div3A_375, %sub3A_395 : i32
      %select_n3A_397 = arith.select %and3A_394, %sub3A_396, %div3A_375 : i32
      %mul3A_398 = arith.constant 8 : i32
      %mul3A_399 = arith.muli %select_n3A_397, %mul3A_398 : i32
      %sub3A_400 = arith.subi %add3A_373, %mul3A_399 : i32
      %mul3A_401 = arith.constant 8 : i32
      %mul3A_402 = arith.muli %mul3A_401, %sub3A_400 : i32
      %dma_wait3A_403 = arith.constant 0 : i32
      %dma_wait3A_404 = tpu.memref_slice %arg4[%select_n3A_397, %mul3A_402, %dma_wait3A_403] : memref<200x64x4096xf32, #tpu.memory_space<hbm>> -> memref<1x8x4096xf32, #tpu.memory_space<hbm>>
      %dma_wait3A_405 = tpu.memref_squeeze %dma_wait3A_404 : memref<1x8x4096xf32, #tpu.memory_space<hbm>> -> memref<8x4096xf32, #tpu.memory_space<hbm>>
      %dma_wait3A_406 = arith.constant 0 : i32
      %dma_wait3A_407 = tpu.memref_slice %arg4[%select_n3A_397, %mul3A_402, %dma_wait3A_406] : memref<200x64x4096xf32, #tpu.memory_space<hbm>> -> memref<1x8x4096xf32, #tpu.memory_space<hbm>>
      %dma_wait3A_408 = tpu.memref_squeeze %dma_wait3A_407 : memref<1x8x4096xf32, #tpu.memory_space<hbm>> -> memref<8x4096xf32, #tpu.memory_space<hbm>>
      tpu.wait_dma2 semaphore(%arg10 : memref<!tpu.dma_semaphore, #tpu.memory_space<semaphore_mem>>) src(%arg8 : memref<8x4096xf32, #tpu.memory_space<vmem>>) dst(%dma_wait3A_408 : memref<8x4096xf32, #tpu.memory_space<hbm>>)
      %mul3A_409 = arith.constant 50 : i32
      %mul3A_410 = arith.muli %add3A, %mul3A_409 : i32
      %add3A_411 = arith.addi %mul3A_410, %add3A_368 : i32
      %jit3A_412 = arith.constant 8 : i32
      %div3A_413 = arith.divsi %add3A_411, %jit3A_412 : i32
      %sign3A_414 = arith.constant 0 : i32
      %sign3A_415 = arith.cmpi sgt, %add3A_411, %sign3A_414 : i32
      %sign3A_416 = arith.extui %sign3A_415 : i1 to i32
      %sign3A_417 = arith.constant 0 : i32
      %sign3A_418 = arith.cmpi slt, %add3A_411, %sign3A_417 : i32
      %sign3A_419 = arith.extui %sign3A_418 : i1 to i32
      %sign3A_420 = arith.subi %sign3A_416, %sign3A_419 : i32
      %sign3A_421 = arith.constant 0 : i32
      %sign3A_422 = arith.cmpi sgt, %jit3A_412, %sign3A_421 : i32
      %sign3A_423 = arith.extui %sign3A_422 : i1 to i32
      %sign3A_424 = arith.constant 0 : i32
      %sign3A_425 = arith.cmpi slt, %jit3A_412, %sign3A_424 : i32
      %sign3A_426 = arith.extui %sign3A_425 : i1 to i32
      %sign3A_427 = arith.subi %sign3A_423, %sign3A_426 : i32
      %ne3A_428 = arith.cmpi ne, %sign3A_420, %sign3A_427 : i32
      %rem3A_429 = arith.remsi %add3A_411, %jit3A_412 : i32
      %ne3A_430 = arith.constant 0 : i32
      %ne3A_431 = arith.cmpi ne, %rem3A_429, %ne3A_430 : i32
      %and3A_432 = arith.andi %ne3A_428, %ne3A_431 : i1
      %sub3A_433 = arith.constant 1 : i32
      %sub3A_434 = arith.subi %div3A_413, %sub3A_433 : i32
      %select_n3A_435 = arith.select %and3A_432, %sub3A_434, %div3A_413 : i32
      %mul3A_436 = arith.constant 8 : i32
      %mul3A_437 = arith.muli %select_n3A_435, %mul3A_436 : i32
      %sub3A_438 = arith.subi %add3A_411, %mul3A_437 : i32
      %eq3A_439 = arith.constant 0 : i32
      %eq3A_440 = arith.cmpi eq, %add3A_368, %eq3A_439 : i32
      %eq3A_441 = arith.constant 0 : i32
      %eq3A_442 = arith.cmpi eq, %sub3A_438, %eq3A_441 : i32
      %or3A_443 = arith.ori %eq3A_440, %eq3A_442 : i1
      %convert_element_type3A_444 = arith.extui %or3A_443 : i1 to i32
      %cond3A_445 = arith.constant 0 : i32
      %cond3A_446 = arith.cmpi ne, %convert_element_type3A_444, %cond3A_445 : i32
      scf.if %cond3A_446 {
        "tpu.region"() ({
          %run_scoped3A = tpu.sem_alloc : memref<!tpu.dma_semaphore, #tpu.memory_space<semaphore_mem>>
          %dma_start3A_492 = arith.constant 0 : i32
          %dma_start3A_493 = tpu.memref_slice %arg2[%select_n3A_435, %dma_start3A_492] : memref<200x4096xi32, #tpu.memory_space<hbm>> -> memref<1x4096xi32, #tpu.memory_space<hbm>>
          %dma_start3A_494 = tpu.memref_squeeze %dma_start3A_493 : memref<1x4096xi32, #tpu.memory_space<hbm>> -> memref<4096xi32, #tpu.memory_space<hbm>>
          %dma_start3A_495 = arith.constant 0 : i32
          %dma_start3A_496 = tpu.memref_slice %arg2[%select_n3A_435, %dma_start3A_495] : memref<200x4096xi32, #tpu.memory_space<hbm>> -> memref<1x4096xi32, #tpu.memory_space<hbm>>
          %dma_start3A_497 = tpu.memref_squeeze %dma_start3A_496 : memref<1x4096xi32, #tpu.memory_space<hbm>> -> memref<4096xi32, #tpu.memory_space<hbm>>
          tpu.enqueue_dma source(%dma_start3A_497 : memref<4096xi32, #tpu.memory_space<hbm>>) target(%arg6 : memref<4096xi32, #tpu.memory_space<vmem>>) target_semaphore(%run_scoped3A : memref<!tpu.dma_semaphore, #tpu.memory_space<semaphore_mem>>)
          %dma_wait3A_498 = arith.constant 0 : i32
          %dma_wait3A_499 = tpu.memref_slice %arg2[%select_n3A_435, %dma_wait3A_498] : memref<200x4096xi32, #tpu.memory_space<hbm>> -> memref<1x4096xi32, #tpu.memory_space<hbm>>
          %dma_wait3A_500 = tpu.memref_squeeze %dma_wait3A_499 : memref<1x4096xi32, #tpu.memory_space<hbm>> -> memref<4096xi32, #tpu.memory_space<hbm>>
          %dma_wait3A_501 = arith.constant 0 : i32
          %dma_wait3A_502 = tpu.memref_slice %arg2[%select_n3A_435, %dma_wait3A_501] : memref<200x4096xi32, #tpu.memory_space<hbm>> -> memref<1x4096xi32, #tpu.memory_space<hbm>>
          %dma_wait3A_503 = tpu.memref_squeeze %dma_wait3A_502 : memref<1x4096xi32, #tpu.memory_space<hbm>> -> memref<4096xi32, #tpu.memory_space<hbm>>
          tpu.wait_dma2 semaphore(%run_scoped3A : memref<!tpu.dma_semaphore, #tpu.memory_space<semaphore_mem>>) src(%dma_wait3A_503 : memref<4096xi32, #tpu.memory_space<hbm>>) dst(%arg6 : memref<4096xi32, #tpu.memory_space<vmem>>)
          tpu.yield
        }) : () -> ()
      } else {
      }
      %mul3A_447 = arith.constant 8 : i32
      %mul3A_448 = arith.muli %sub3A_438, %mul3A_447 : i32
      %mul3A_449 = arith.constant 108 : i32
      %mul3A_450 = arith.muli %mul3A_448, %mul3A_449 : i32
      %parallel_loop3A_451 = arith.constant 0 : i32
      %parallel_loop3A_452 = arith.constant 4096 : i32
      %parallel_loop3A_453 = arith.constant 16 : i32
      scf.for %parallel_loop3A_492 = %parallel_loop3A_451 to %parallel_loop3A_452 step %parallel_loop3A_453  : i32 {
        %parallel_loop3A_493 = arith.index_cast %parallel_loop3A_492 : i32 to index
        %parallel_loop3A_494 = tpu.vector_load %arg6[%parallel_loop3A_493] {strides = array<i32>} : memref<4096xi32, #tpu.memory_space<vmem>>, vector<16xi32>,
        %parallel_loop3A_495 = arith.constant 0 : i32
        %parallel_loop3A_496 = arith.addi %mul3A_450, %parallel_loop3A_495 : i32
        %parallel_loop3A_497 = vector.broadcast %parallel_loop3A_496 : i32 to vector<16xi32>
        %parallel_loop3A_498 = arith.addi %parallel_loop3A_494, %parallel_loop3A_497 : vector<16xi32>
        %parallel_loop3A_499 = tpu.vector_load_idx %arg5[%parallel_loop3A_498] : memref<6912xf32, #tpu.memory_space<vmem>>[vector<16xi32>], vector<16xf32>,
        %parallel_loop3A_500 = arith.constant 0 : i32
        %parallel_loop3A_501 = arith.index_cast %parallel_loop3A_500 : i32 to index
        %parallel_loop3A_502 = arith.index_cast %parallel_loop3A_492 : i32 to index
        %parallel_loop3A_503 = tpu.vector_load %arg8[%parallel_loop3A_501, %parallel_loop3A_502] {strides = array<i32>} : memref<8x4096xf32, #tpu.memory_space<vmem>>, vector<16xf32>,
        tpu.vector_store %arg8[%parallel_loop3A_501, %parallel_loop3A_502], %parallel_loop3A_499 {strides = array<i32>} : memref<8x4096xf32, #tpu.memory_space<vmem>>, vector<16xf32>,
        %parallel_loop3A_504 = arith.constant 108 : i32
        %parallel_loop3A_505 = arith.addi %mul3A_450, %parallel_loop3A_504 : i32
        %parallel_loop3A_506 = vector.broadcast %parallel_loop3A_505 : i32 to vector<16xi32>
        %parallel_loop3A_507 = arith.addi %parallel_loop3A_494, %parallel_loop3A_506 : vector<16xi32>
        %parallel_loop3A_508 = tpu.vector_load_idx %arg5[%parallel_loop3A_507] : memref<6912xf32, #tpu.memory_space<vmem>>[vector<16xi32>], vector<16xf32>,
        %parallel_loop3A_509 = arith.constant 1 : i32
        %parallel_loop3A_510 = arith.index_cast %parallel_loop3A_509 : i32 to index
        %parallel_loop3A_511 = arith.index_cast %parallel_loop3A_492 : i32 to index
        %parallel_loop3A_512 = tpu.vector_load %arg8[%parallel_loop3A_510, %parallel_loop3A_511] {strides = array<i32>} : memref<8x4096xf32, #tpu.memory_space<vmem>>, vector<16xf32>,
        tpu.vector_store %arg8[%parallel_loop3A_510, %parallel_loop3A_511], %parallel_loop3A_508 {strides = array<i32>} : memref<8x4096xf32, #tpu.memory_space<vmem>>, vector<16xf32>,
        %parallel_loop3A_513 = arith.constant 216 : i32
        %parallel_loop3A_514 = arith.addi %mul3A_450, %parallel_loop3A_513 : i32
        %parallel_loop3A_515 = vector.broadcast %parallel_loop3A_514 : i32 to vector<16xi32>
        %parallel_loop3A_516 = arith.addi %parallel_loop3A_494, %parallel_loop3A_515 : vector<16xi32>
        %parallel_loop3A_517 = tpu.vector_load_idx %arg5[%parallel_loop3A_516] : memref<6912xf32, #tpu.memory_space<vmem>>[vector<16xi32>], vector<16xf32>,
        %parallel_loop3A_518 = arith.constant 2 : i32
        %parallel_loop3A_519 = arith.index_cast %parallel_loop3A_518 : i32 to index
        %parallel_loop3A_520 = arith.index_cast %parallel_loop3A_492 : i32 to index
        %parallel_loop3A_521 = tpu.vector_load %arg8[%parallel_loop3A_519, %parallel_loop3A_520] {strides = array<i32>} : memref<8x4096xf32, #tpu.memory_space<vmem>>, vector<16xf32>,
        tpu.vector_store %arg8[%parallel_loop3A_519, %parallel_loop3A_520], %parallel_loop3A_517 {strides = array<i32>} : memref<8x4096xf32, #tpu.memory_space<vmem>>, vector<16xf32>,
        %parallel_loop3A_522 = arith.constant 324 : i32
        %parallel_loop3A_523 = arith.addi %mul3A_450, %parallel_loop3A_522 : i32
        %parallel_loop3A_524 = vector.broadcast %parallel_loop3A_523 : i32 to vector<16xi32>
        %parallel_loop3A_525 = arith.addi %parallel_loop3A_494, %parallel_loop3A_524 : vector<16xi32>
        %parallel_loop3A_526 = tpu.vector_load_idx %arg5[%parallel_loop3A_525] : memref<6912xf32, #tpu.memory_space<vmem>>[vector<16xi32>], vector<16xf32>,
        %parallel_loop3A_527 = arith.constant 3 : i32
        %parallel_loop3A_528 = arith.index_cast %parallel_loop3A_527 : i32 to index
        %parallel_loop3A_529 = arith.index_cast %parallel_loop3A_492 : i32 to index
        %parallel_loop3A_530 = tpu.vector_load %arg8[%parallel_loop3A_528, %parallel_loop3A_529] {strides = array<i32>} : memref<8x4096xf32, #tpu.memory_space<vmem>>, vector<16xf32>,
        tpu.vector_store %arg8[%parallel_loop3A_528, %parallel_loop3A_529], %parallel_loop3A_526 {strides = array<i32>} : memref<8x4096xf32, #tpu.memory_space<vmem>>, vector<16xf32>,
        %parallel_loop3A_531 = arith.constant 432 : i32
        %parallel_loop3A_532 = arith.addi %mul3A_450, %parallel_loop3A_531 : i32
        %parallel_loop3A_533 = vector.broadcast %parallel_loop3A_532 : i32 to vector<16xi32>
        %parallel_loop3A_534 = arith.addi %parallel_loop3A_494, %parallel_loop3A_533 : vector<16xi32>
        %parallel_loop3A_535 = tpu.vector_load_idx %arg5[%parallel_loop3A_534] : memref<6912xf32, #tpu.memory_space<vmem>>[vector<16xi32>], vector<16xf32>,
        %parallel_loop3A_536 = arith.constant 4 : i32
        %parallel_loop3A_537 = arith.index_cast %parallel_loop3A_536 : i32 to index
        %parallel_loop3A_538 = arith.index_cast %parallel_loop3A_492 : i32 to index
        %parallel_loop3A_539 = tpu.vector_load %arg8[%parallel_loop3A_537, %parallel_loop3A_538] {strides = array<i32>} : memref<8x4096xf32, #tpu.memory_space<vmem>>, vector<16xf32>,
        tpu.vector_store %arg8[%parallel_loop3A_537, %parallel_loop3A_538], %parallel_loop3A_535 {strides = array<i32>} : memref<8x4096xf32, #tpu.memory_space<vmem>>, vector<16xf32>,
        %parallel_loop3A_540 = arith.constant 540 : i32
        %parallel_loop3A_541 = arith.addi %mul3A_450, %parallel_loop3A_540 : i32
        %parallel_loop3A_542 = vector.broadcast %parallel_loop3A_541 : i32 to vector<16xi32>
        %parallel_loop3A_543 = arith.addi %parallel_loop3A_494, %parallel_loop3A_542 : vector<16xi32>
        %parallel_loop3A_544 = tpu.vector_load_idx %arg5[%parallel_loop3A_543] : memref<6912xf32, #tpu.memory_space<vmem>>[vector<16xi32>], vector<16xf32>,
        %parallel_loop3A_545 = arith.constant 5 : i32
        %parallel_loop3A_546 = arith.index_cast %parallel_loop3A_545 : i32 to index
        %parallel_loop3A_547 = arith.index_cast %parallel_loop3A_492 : i32 to index
        %parallel_loop3A_548 = tpu.vector_load %arg8[%parallel_loop3A_546, %parallel_loop3A_547] {strides = array<i32>} : memref<8x4096xf32, #tpu.memory_space<vmem>>, vector<16xf32>,
        tpu.vector_store %arg8[%parallel_loop3A_546, %parallel_loop3A_547], %parallel_loop3A_544 {strides = array<i32>} : memref<8x4096xf32, #tpu.memory_space<vmem>>, vector<16xf32>,
        %parallel_loop3A_549 = arith.constant 648 : i32
        %parallel_loop3A_550 = arith.addi %mul3A_450, %parallel_loop3A_549 : i32
        %parallel_loop3A_551 = vector.broadcast %parallel_loop3A_550 : i32 to vector<16xi32>
        %parallel_loop3A_552 = arith.addi %parallel_loop3A_494, %parallel_loop3A_551 : vector<16xi32>
        %parallel_loop3A_553 = tpu.vector_load_idx %arg5[%parallel_loop3A_552] : memref<6912xf32, #tpu.memory_space<vmem>>[vector<16xi32>], vector<16xf32>,
        %parallel_loop3A_554 = arith.constant 6 : i32
        %parallel_loop3A_555 = arith.index_cast %parallel_loop3A_554 : i32 to index
        %parallel_loop3A_556 = arith.index_cast %parallel_loop3A_492 : i32 to index
        %parallel_loop3A_557 = tpu.vector_load %arg8[%parallel_loop3A_555, %parallel_loop3A_556] {strides = array<i32>} : memref<8x4096xf32, #tpu.memory_space<vmem>>, vector<16xf32>,
        tpu.vector_store %arg8[%parallel_loop3A_555, %parallel_loop3A_556], %parallel_loop3A_553 {strides = array<i32>} : memref<8x4096xf32, #tpu.memory_space<vmem>>, vector<16xf32>,
        %parallel_loop3A_558 = arith.constant 756 : i32
        %parallel_loop3A_559 = arith.addi %mul3A_450, %parallel_loop3A_558 : i32
        %parallel_loop3A_560 = vector.broadcast %parallel_loop3A_559 : i32 to vector<16xi32>
        %parallel_loop3A_561 = arith.addi %parallel_loop3A_494, %parallel_loop3A_560 : vector<16xi32>
        %parallel_loop3A_562 = tpu.vector_load_idx %arg5[%parallel_loop3A_561] : memref<6912xf32, #tpu.memory_space<vmem>>[vector<16xi32>], vector<16xf32>,
        %parallel_loop3A_563 = arith.constant 7 : i32
        %parallel_loop3A_564 = arith.index_cast %parallel_loop3A_563 : i32 to index
        %parallel_loop3A_565 = arith.index_cast %parallel_loop3A_492 : i32 to index
        %parallel_loop3A_566 = tpu.vector_load %arg8[%parallel_loop3A_564, %parallel_loop3A_565] {strides = array<i32>} : memref<8x4096xf32, #tpu.memory_space<vmem>>, vector<16xf32>,
        tpu.vector_store %arg8[%parallel_loop3A_564, %parallel_loop3A_565], %parallel_loop3A_562 {strides = array<i32>} : memref<8x4096xf32, #tpu.memory_space<vmem>>, vector<16xf32>,
      } {sc.loop_unroll_factor = 8 : i64, sc.parallel_access}
      %mul3A_454 = arith.constant 50 : i32
      %mul3A_455 = arith.muli %add3A, %mul3A_454 : i32
      %add3A_456 = arith.addi %mul3A_455, %add3A_368 : i32
      %jit3A_457 = arith.constant 8 : i32
      %div3A_458 = arith.divsi %add3A_456, %jit3A_457 : i32
      %sign3A_459 = arith.constant 0 : i32
      %sign3A_460 = arith.cmpi sgt, %add3A_456, %sign3A_459 : i32
      %sign3A_461 = arith.extui %sign3A_460 : i1 to i32
      %sign3A_462 = arith.constant 0 : i32
      %sign3A_463 = arith.cmpi slt, %add3A_456, %sign3A_462 : i32
      %sign3A_464 = arith.extui %sign3A_463 : i1 to i32
      %sign3A_465 = arith.subi %sign3A_461, %sign3A_464 : i32
      %sign3A_466 = arith.constant 0 : i32
      %sign3A_467 = arith.cmpi sgt, %jit3A_457, %sign3A_466 : i32
      %sign3A_468 = arith.extui %sign3A_467 : i1 to i32
      %sign3A_469 = arith.constant 0 : i32
      %sign3A_470 = arith.cmpi slt, %jit3A_457, %sign3A_469 : i32
      %sign3A_471 = arith.extui %sign3A_470 : i1 to i32
      %sign3A_472 = arith.subi %sign3A_468, %sign3A_471 : i32
      %ne3A_473 = arith.cmpi ne, %sign3A_465, %sign3A_472 : i32
      %rem3A_474 = arith.remsi %add3A_456, %jit3A_457 : i32
      %ne3A_475 = arith.constant 0 : i32
      %ne3A_476 = arith.cmpi ne, %rem3A_474, %ne3A_475 : i32
      %and3A_477 = arith.andi %ne3A_473, %ne3A_476 : i1
      %sub3A_478 = arith.constant 1 : i32
      %sub3A_479 = arith.subi %div3A_458, %sub3A_478 : i32
      %select_n3A_480 = arith.select %and3A_477, %sub3A_479, %div3A_458 : i32
      %mul3A_481 = arith.constant 8 : i32
      %mul3A_482 = arith.muli %select_n3A_480, %mul3A_481 : i32
      %sub3A_483 = arith.subi %add3A_456, %mul3A_482 : i32
      %mul3A_484 = arith.constant 8 : i32
      %mul3A_485 = arith.muli %mul3A_484, %sub3A_483 : i32
      %dma_start3A_486 = arith.constant 0 : i32
      %dma_start3A_487 = tpu.memref_slice %arg4[%select_n3A_480, %mul3A_485, %dma_start3A_486] : memref<200x64x4096xf32, #tpu.memory_space<hbm>> -> memref<1x8x4096xf32, #tpu.memory_space<hbm>>
      %dma_start3A_488 = tpu.memref_squeeze %dma_start3A_487 : memref<1x8x4096xf32, #tpu.memory_space<hbm>> -> memref<8x4096xf32, #tpu.memory_space<hbm>>
      %dma_start3A_489 = arith.constant 0 : i32
      %dma_start3A_490 = tpu.memref_slice %arg4[%select_n3A_480, %mul3A_485, %dma_start3A_489] : memref<200x64x4096xf32, #tpu.memory_space<hbm>> -> memref<1x8x4096xf32, #tpu.memory_space<hbm>>
      %dma_start3A_491 = tpu.memref_squeeze %dma_start3A_490 : memref<1x8x4096xf32, #tpu.memory_space<hbm>> -> memref<8x4096xf32, #tpu.memory_space<hbm>>
      tpu.enqueue_dma source(%arg8 : memref<8x4096xf32, #tpu.memory_space<vmem>>) target(%dma_start3A_491 : memref<8x4096xf32, #tpu.memory_space<hbm>>) target_semaphore(%arg10 : memref<!tpu.dma_semaphore, #tpu.memory_space<semaphore_mem>>)
    }
    %scan3A_159 = arith.constant 24 : i32
    %mul3A_160 = arith.constant 50 : i32
    %mul3A_161 = arith.muli %add3A, %mul3A_160 : i32
    %add3A_162 = arith.constant 48 : i32
    %add3A_163 = arith.addi %mul3A_161, %add3A_162 : i32
    %jit3A_164 = arith.constant 8 : i32
    %div3A_165 = arith.divsi %add3A_163, %jit3A_164 : i32
    %sign3A_166 = arith.constant 0 : i32
    %sign3A_167 = arith.cmpi sgt, %add3A_163, %sign3A_166 : i32
    %sign3A_168 = arith.extui %sign3A_167 : i1 to i32
    %sign3A_169 = arith.constant 0 : i32
    %sign3A_170 = arith.cmpi slt, %add3A_163, %sign3A_169 : i32
    %sign3A_171 = arith.extui %sign3A_170 : i1 to i32
    %sign3A_172 = arith.subi %sign3A_168, %sign3A_171 : i32
    %sign3A_173 = arith.constant 0 : i32
    %sign3A_174 = arith.cmpi sgt, %jit3A_164, %sign3A_173 : i32
    %sign3A_175 = arith.extui %sign3A_174 : i1 to i32
    %sign3A_176 = arith.constant 0 : i32
    %sign3A_177 = arith.cmpi slt, %jit3A_164, %sign3A_176 : i32
    %sign3A_178 = arith.extui %sign3A_177 : i1 to i32
    %sign3A_179 = arith.subi %sign3A_175, %sign3A_178 : i32
    %ne3A_180 = arith.cmpi ne, %sign3A_172, %sign3A_179 : i32
    %rem3A_181 = arith.remsi %add3A_163, %jit3A_164 : i32
    %ne3A_182 = arith.constant 0 : i32
    %ne3A_183 = arith.cmpi ne, %rem3A_181, %ne3A_182 : i32
    %and3A_184 = arith.andi %ne3A_180, %ne3A_183 : i1
    %sub3A_185 = arith.constant 1 : i32
    %sub3A_186 = arith.subi %div3A_165, %sub3A_185 : i32
    %select_n3A_187 = arith.select %and3A_184, %sub3A_186, %div3A_165 : i32
    %mul3A_188 = arith.constant 8 : i32
    %mul3A_189 = arith.muli %select_n3A_187, %mul3A_188 : i32
    %sub3A_190 = arith.subi %add3A_163, %mul3A_189 : i32
    %mul3A_191 = arith.constant 8 : i32
    %mul3A_192 = arith.muli %mul3A_191, %sub3A_190 : i32
    %dma_wait3A = arith.constant 0 : i32
    %dma_wait3A_193 = tpu.memref_slice %arg4[%select_n3A_187, %mul3A_192, %dma_wait3A] : memref<200x64x4096xf32, #tpu.memory_space<hbm>> -> memref<1x8x4096xf32, #tpu.memory_space<hbm>>
    %dma_wait3A_194 = tpu.memref_squeeze %dma_wait3A_193 : memref<1x8x4096xf32, #tpu.memory_space<hbm>> -> memref<8x4096xf32, #tpu.memory_space<hbm>>
    %dma_wait3A_195 = arith.constant 0 : i32
    %dma_wait3A_196 = tpu.memref_slice %arg4[%select_n3A_187, %mul3A_192, %dma_wait3A_195] : memref<200x64x4096xf32, #tpu.memory_space<hbm>> -> memref<1x8x4096xf32, #tpu.memory_space<hbm>>
    %dma_wait3A_197 = tpu.memref_squeeze %dma_wait3A_196 : memref<1x8x4096xf32, #tpu.memory_space<hbm>> -> memref<8x4096xf32, #tpu.memory_space<hbm>>
    tpu.wait_dma2 semaphore(%arg9 : memref<!tpu.dma_semaphore, #tpu.memory_space<semaphore_mem>>) src(%arg7 : memref<8x4096xf32, #tpu.memory_space<vmem>>) dst(%dma_wait3A_197 : memref<8x4096xf32, #tpu.memory_space<hbm>>)
    %mul3A_198 = arith.constant 50 : i32
    %mul3A_199 = arith.muli %add3A, %mul3A_198 : i32
    %add3A_200 = arith.constant 49 : i32
    %add3A_201 = arith.addi %mul3A_199, %add3A_200 : i32
    %jit3A_202 = arith.constant 8 : i32
    %div3A_203 = arith.divsi %add3A_201, %jit3A_202 : i32
    %sign3A_204 = arith.constant 0 : i32
    %sign3A_205 = arith.cmpi sgt, %add3A_201, %sign3A_204 : i32
    %sign3A_206 = arith.extui %sign3A_205 : i1 to i32
    %sign3A_207 = arith.constant 0 : i32
    %sign3A_208 = arith.cmpi slt, %add3A_201, %sign3A_207 : i32
    %sign3A_209 = arith.extui %sign3A_208 : i1 to i32
    %sign3A_210 = arith.subi %sign3A_206, %sign3A_209 : i32
    %sign3A_211 = arith.constant 0 : i32
    %sign3A_212 = arith.cmpi sgt, %jit3A_202, %sign3A_211 : i32
    %sign3A_213 = arith.extui %sign3A_212 : i1 to i32
    %sign3A_214 = arith.constant 0 : i32
    %sign3A_215 = arith.cmpi slt, %jit3A_202, %sign3A_214 : i32
    %sign3A_216 = arith.extui %sign3A_215 : i1 to i32
    %sign3A_217 = arith.subi %sign3A_213, %sign3A_216 : i32
    %ne3A_218 = arith.cmpi ne, %sign3A_210, %sign3A_217 : i32
    %rem3A_219 = arith.remsi %add3A_201, %jit3A_202 : i32
    %ne3A_220 = arith.constant 0 : i32
    %ne3A_221 = arith.cmpi ne, %rem3A_219, %ne3A_220 : i32
    %and3A_222 = arith.andi %ne3A_218, %ne3A_221 : i1
    %sub3A_223 = arith.constant 1 : i32
    %sub3A_224 = arith.subi %div3A_203, %sub3A_223 : i32
    %select_n3A_225 = arith.select %and3A_222, %sub3A_224, %div3A_203 : i32
    %mul3A_226 = arith.constant 8 : i32
    %mul3A_227 = arith.muli %select_n3A_225, %mul3A_226 : i32
    %sub3A_228 = arith.subi %add3A_201, %mul3A_227 : i32
    %mul3A_229 = arith.constant 8 : i32
    %mul3A_230 = arith.muli %mul3A_229, %sub3A_228 : i32
    %dma_wait3A_231 = arith.constant 0 : i32
    %dma_wait3A_232 = tpu.memref_slice %arg4[%select_n3A_225, %mul3A_230, %dma_wait3A_231] : memref<200x64x4096xf32, #tpu.memory_space<hbm>> -> memref<1x8x4096xf32, #tpu.memory_space<hbm>>
    %dma_wait3A_233 = tpu.memref_squeeze %dma_wait3A_232 : memref<1x8x4096xf32, #tpu.memory_space<hbm>> -> memref<8x4096xf32, #tpu.memory_space<hbm>>
    %dma_wait3A_234 = arith.constant 0 : i32
    %dma_wait3A_235 = tpu.memref_slice %arg4[%select_n3A_225, %mul3A_230, %dma_wait3A_234] : memref<200x64x4096xf32, #tpu.memory_space<hbm>> -> memref<1x8x4096xf32, #tpu.memory_space<hbm>>
    %dma_wait3A_236 = tpu.memref_squeeze %dma_wait3A_235 : memref<1x8x4096xf32, #tpu.memory_space<hbm>> -> memref<8x4096xf32, #tpu.memory_space<hbm>>
    tpu.wait_dma2 semaphore(%arg10 : memref<!tpu.dma_semaphore, #tpu.memory_space<semaphore_mem>>) src(%arg8 : memref<8x4096xf32, #tpu.memory_space<vmem>>) dst(%dma_wait3A_236 : memref<8x4096xf32, #tpu.memory_space<hbm>>)
    return
  }
}

</mosaic_0001>

<sc_bundles>
// kernel: kernel.3.cloned.1.call-start
scs
__scs_entry_jumppad:
0x0: {  	(pc) =	sbr.rel $0x88, $3  }
0x1: {  	(tag) =	ssettag $0x0;
	lr =	simm.s32 $0x1  }
0x2: {  	[smem:$0x3F9F] =	sst lr;
	_ =	strace $0xD0000000  }
0x3: {  	_ = 	snop  }
0x4: {  	_ = 	snop  }
0x5: {  	_ = 	snop  }
0x6: {  	_ = 	snop  }
0x7: {  	_ = 	snop  }
__scs_overlays_trampoline_lowered:
0x8: {  	[smem:$0x3FAE] =	sst s0  }
0x9: {  	[smem:$0x3FAF] =	sst s1  }
0xa: {  	[smem:$0x3FB0] =	sst s2  }
0xb: {  	[smem:$0x3FB1] =	sst s3  }
0xc: {  	[smem:$0x3FB2] =	sst s4  }
0xd: {  	[smem:$0x3FB3] =	sst s5  }
0xe: {  	[smem:$0x3FB4] =	sst s6  }
0xf: {  	[smem:$0x3FB5] =	sst s7  }
0x10: {  	[smem:$0x3FB6] =	sst s8  }
0x11: {  	[smem:$0x3FB7] =	sst s9;
	s0 =	simm.s32 @!p0 $0x0  }
0x12: {  	s1 =	sld [smem:$0x3F9D];
	s0 =	simm.s32 @p0 $0x1  }
0x13: {  	[smem:$0x3FB8] =	sst s0;
	s0 =	simm.s32 @!p1 $0x0  }
0x14: {  	s2 =	sld [smem:$0x3F9C];
	s0 =	simm.s32 @p1 $0x1  }
0x15: {  	[smem:$0x3FB9] =	sst s0;
	s0 =	simm.s32 @!p2 $0x0  }
0x16: {  	s3 =	sld [smem:$0x3FDB];
	s0 =	simm.s32 @p2 $0x1  }
0x17: {  	s4 =	simm.s32 $0x1BF5;
	[smem:$0x3FBB] =	sst s0  }
0x18: {  	s0 =	sld [smem:$0x3F9E];
	_ =	swait.ge [sflag:s4], $0x0  }
0x19: {  	s7 =	sld [smem:$0x3F9F]  }
0x1a: {  	s8 =	sadd.s32 $0xFFFFE003, lr  }
0x1b: {  	s9 =	sadd.s32 $0xFFFFFEF7, lr;
	s5 =	simm.s32 $0xFFFFFFFF;
	p2 =	slt.u32 s8, $0xFFFFF086  }
0x1c: {  	p1 =	slt.u32 s9, $0xF7A;
	s5 =	simm.s32 @!p2 $0x0  }
0x1d: {  	s5 =	simm.s32 @p1 $0x1;
	p0 =	seq.s32 s7, s2  }
0x1e: {  	s7 =	smul.u32 @!p0 $0xF7A, s2;
	p2 =	seq.s32 @!p0 s5, $0x0  }
0x1f: {  	s9 =	smul.u32 $0xF7A, s1;
	s8 =	simm.s32 @!p0 $0x1BF5;
	p2 =	por !p2, p0  }
0x20: {  	[sflag:s8] =	ssyncset.s32 @!p0 $0xFFFFF086;
	s6 =	sadd.s32 @!p0 s3, s7;
	s7 =	simm.s32 @!p0 $0x108  }
0x21: {  	s3 =	sadd.s32 s3, s9;
	s6 =	sadd.s32 @!p0 $0x88, s6;
	s7 =	simm.s32 @p2 $0x1082  }
0x22: {  	[simem:s7], [sflag:s8] =	dma.local @!p0 [hbm:s6], $0xF7A  }
0x23: {  	s9 =	sor.u32 $0xD0000000, s2;
	s6 =	simm.s32 $0x108;
	_ =	swait.ge @!p0 [sflag:s8], $0x0  }
0x24: {  	s3 =	sadd.s32 $0x88, s3;
	s6 =	simm.s32 @!p1 $0x1082;
	[sflag:s4] =	ssyncset.s32 $0xFFFFF086  }
0x25: {  	[simem:s6], [sflag:s4] =	dma.local [hbm:s3], $0xF7A  }
0x26: {  	[smem:$0x3F9F] =	sst s1;
	(tag) =	ssettag s2;
	_ =	strace s9  }
0x27: {  	s1 =	sld [smem:$0x3FAF]  }
0x28: {  	s2 =	sld [smem:$0x3FB0]  }
0x29: {  	s4 =	sld [smem:$0x3FB2]  }
0x2a: {  	p0 =	seq.s32 s5, $0x0;
	s5 =	sld [smem:$0x3FB3]  }
0x2b: {  	s6 =	sld [smem:$0x3FB4]  }
0x2c: {  	s7 =	sld [smem:$0x3FB5]  }
0x2d: {  	s3 =	simm.s32 $0x108;
	s8 =	sld [smem:$0x3FB6]  }
0x2e: {  	s3 =	simm.s32 @!p0 $0x1082;
	s9 =	sld [smem:$0x3FB7]  }
0x2f: {  	lr =	sadd.s32 s0, s3;
	s0 =	sld [smem:$0x3FAE]  }
0x30: {  	s3 =	sld [smem:$0x3FB1]  }
0x31: {  	[smem:$0x3FBA] =	sst s10  }
0x32: {  	s10 =	sld [smem:$0x3FB8];
	_ =	sdelay $0x3  }
0x33: {  	p0 =	seq.s32 s10, $0x1;
	s10 =	sld [smem:$0x3FBA];
	_ =	sdelay $0x3  }
0x34: {  	[smem:$0x3FBA] =	sst s10  }
0x35: {  	s10 =	sld [smem:$0x3FB9];
	_ =	sdelay $0x3  }
0x36: {  	p1 =	seq.s32 s10, $0x1;
	s10 =	sld [smem:$0x3FBA];
	_ =	sdelay $0x3  }
0x37: {  	[smem:$0x3FBA] =	sst s10  }
0x38: {  	s10 =	sld [smem:$0x3FBB]  }
0x39: {  	_ = 	snop;
	(pc) =	sbr.ind lr, $3  }
0x3a: {  	_ = 	snop  }
0x3b: {  	_ = 	snop  }
0x3c: {  	p2 =	seq.s32 s10, $0x1;
	s10 =	sld [smem:$0x3FBA]  }
0x3d: {  	_ =	shalt  }
0x3e: {  	_ =	shalt  }
0x3f: {  	_ =	shalt  }
0x40: {  	_ =	shalt  }
0x41: {  	_ =	shalt  }
0x42: {  	_ =	shalt  }
0x43: {  	_ =	shalt  }
0x44: {  	_ =	shalt  }
0x45: {  	_ =	shalt  }
0x46: {  	_ =	shalt  }
0x47: {  	_ =	shalt  }
0x48: {  	_ =	shalt  }
0x49: {  	_ =	shalt  }
0x4a: {  	_ =	shalt  }
0x4b: {  	_ =	shalt  }
0x4c: {  	_ =	shalt  }
0x4d: {  	_ =	shalt  }
0x4e: {  	_ =	shalt  }
0x4f: {  	_ =	shalt  }
0x50: {  	_ =	shalt  }
0x51: {  	_ =	shalt  }
0x52: {  	_ =	shalt  }
0x53: {  	_ =	shalt  }
0x54: {  	_ =	shalt  }
0x55: {  	_ =	shalt  }
0x56: {  	_ =	shalt  }
0x57: {  	_ =	shalt  }
0x58: {  	_ =	shalt  }
0x59: {  	_ =	shalt  }
0x5a: {  	_ =	shalt  }
0x5b: {  	_ =	shalt  }
0x5c: {  	_ =	shalt  }
0x5d: {  	_ =	shalt  }
0x5e: {  	_ =	shalt  }
0x5f: {  	_ =	shalt  }
0x60: {  	_ =	shalt  }
0x61: {  	_ =	shalt  }
0x62: {  	_ =	shalt  }
0x63: {  	_ =	shalt  }
0x64: {  	_ =	shalt  }
0x65: {  	_ =	shalt  }
0x66: {  	_ =	shalt  }
0x67: {  	_ =	shalt  }
0x68: {  	_ =	shalt  }
0x69: {  	_ =	shalt  }
0x6a: {  	_ =	shalt  }
0x6b: {  	_ =	shalt  }
0x6c: {  	_ =	shalt  }
0x6d: {  	_ =	shalt  }
0x6e: {  	_ =	shalt  }
0x6f: {  	_ =	shalt  }
0x70: {  	_ =	shalt  }
0x71: {  	_ =	shalt  }
0x72: {  	_ =	shalt  }
0x73: {  	_ =	shalt  }
0x74: {  	_ =	shalt  }
0x75: {  	_ =	shalt  }
0x76: {  	_ =	shalt  }
0x77: {  	_ =	shalt  }
0x78: {  	_ =	shalt  }
0x79: {  	_ =	shalt  }
0x7a: {  	_ =	shalt  }
0x7b: {  	_ =	shalt  }
0x7c: {  	_ =	shalt  }
0x7d: {  	_ =	shalt  }
0x7e: {  	_ =	shalt  }
0x7f: {  	_ =	shalt  }
0x80: {  	_ =	shalt  }
0x81: {  	_ =	shalt  }
0x82: {  	_ =	shalt  }
0x83: {  	_ =	shalt  }
0x84: {  	_ =	shalt  }
0x85: {  	_ =	shalt  }
0x86: {  	_ =	shalt  }
0x87: {  	_ =	shalt  }
.Lfunc_end0:
.L_simem_size_0:
called_computation_lowered:
.L_overlay_start_0:
0x88: {  	s2 =	sld [smem:$0x3FD9]  }
0x89: {  	s3 =	sld [smem:$0x3FFE];
	_ =	sdelay $0x1  }
0x8a: {  	s1 =	srdreg.scid  }
0x8b: {  	s0 =	sand.u32 $0x1, s1  }
0x8c: {  	s17 =	sshll.u32 s0, $0xA;
	s2 =	sadd.s32 s3, s2  }
0x8d: {  	s2 =	sadd.s32 s2, s17  }
0x8e: {  	[smem:$0x3FC6] =	sst s2  }
0x8f: {  	_ = 	snop  }
0x90: {  	s2 =	sld [smem:$0x3FC9]  }
0x91: {  	s18 =	sld [smem:$0x3FD0];
	(tm) =	ssettm $0x1  }
0x92: {  	s4 =	sld [smem:$0x3FFB];
	_ =	sdelay $0x3  }
0x93: {  	_ =	strace s4  }
0x94: {  	s4 =	sld [smem:$0x3FFC];
	_ =	sdelay $0x3  }
0x95: {  	_ =	strace s4  }
0x96: {  	s4 =	sld [smem:$0x3FFD];
	_ =	sdelay $0x3  }
0x97: {  	_ =	strace s4  }
0x98: {  	_ =	strace $0x8FFFFFFF  }
0x99: {  	s19 =	sld [smem:$0x3FDB];
	_ =	sdelay $0x1  }
0x9a: {  	s5 =	simm.s32 $_scs_section_size  }
0x9b: {  	s6 =	simm.s32 $_size__tile_overlayer_lowered;
	s7 =	simm.s32 $_tile_overlayer_lowered  }
0x9c: {  	s22 =	simm.s32 $0x1BFF;
	s21 =	sshll.u32 s7, $0x1;
	s4 =	sadd.s32 s5, s19  }
0x9d: {  	s8 =	simm.s32 $0x0;
	s20 =	sshll.u32 s6, $0x1;
	s6 =	sadd.s32 s21, s4  }
0x9e: {  	[timem:s8], [sflag:s22] =	dma.local [hbm:s6], s20  }
0x9f: {  	_ =	swait.ge [sflag:s22], s20  }
0xa0: {  	s5 =	ssub.s32 $0x0, s20;
	[sflag:s22] =	ssyncset.done $0x0  }
0xa1: {  	[sflag:s22] =	ssyncadd.s32 s5;
	_ =	sdelay $0x1  }
0xa2: {  	s23 =	simm.s32 $0x1B8B  }
0xa3: {  	_ =	swait.ge [sflag:s23], $0x1  }
0xa4: {  	[sflag:s23] =	ssyncset.done $0x0  }
0xa5: {  	s25 =	simm.s32 $0x1B8E;
	s24 =	sld [smem:$0x3FFE];
	[sflag:s23] =	ssyncadd.s32 $0xFFFFFFFF  }
0xa6: {  	s26 =	simm.s32 $execute0_lowered;
	[smem:$0x3FD2] =	sst s25  }
0xa7: {  	s6 =	sshll.u32 s26, $0x1;
	_ =	strace $0x80000046;
	[dreg:$0x1] =	wrdreg $0xFFFFFFFF  }
0xa8: {  	s28 =	simm.s32 $_size_execute0_lowered;
	s4 =	sadd.s32 s4, s6;
	[dreg:$0x0] =	wrdreg $0x0  }
0xa9: {  	s6 =	sshll.u32 s28, $0x1;
	[dreg:$0x2] =	wrdreg s4  }
0xaa: {  	[dreg:$0x3] =	wrdreg s6  }
0xab: {  	[dreg:$0x4] =	wrdreg $0xC0  }
0xac: {  	_ =	task [dreg:s8], $0x5FFFF  }
0xad: {  	[dreg:$0x1] =	wrdreg $0xFFFFFFFF  }
0xae: {  	[dreg:$0x0] =	wrdreg $0x60  }
0xaf: {  	[dreg:$0x2] =	wrdreg s2  }
0xb0: {  	[dreg:$0x3] =	wrdreg s24  }
0xb1: {  	[dreg:$0x4] =	wrdreg s18  }
0xb2: {  	[dreg:$0x5] =	wrdreg $0x9  }
0xb3: {  	_ =	task.clear_ibuf [dreg:s8], $0x6FFFF;
	_ =	strace $0x90000046  }
0xb4: {  	s29 =	simm.s32 $0x9;
	_ =	strace $0x80000048  }
0xb5: {  	_ =	swait.ge [sflag:s29], $0x1  }
0xb6: {  	[sflag:s29] =	ssyncadd.s32 $0xFFFFFFFF  }
0xb7: {  	_ =	strace $0x90000048  }
0xb8: {  	_ =	sfence  }
0xb9: {  	s30 =	sld [smem:$0x0];
	_ =	sdelay $0x2  }
0xba: {  	s31 =	sshll.u32 s1, $0xD;
	s1 =	sshrl.u32 s1, $0x2  }
0xbb: {  	s3 =	sand.u32 $0x4000, s31;
	s1 =	sadd.s32 s1, s30  }
0xbc: {  	s0 =	sor.u32 s3, s0;
	s1 =	sshll.u32 s1, $0x11  }
0xbd: {  	s0 =	sor.u32 s1, s0  }
0xbe: {  	s0 =	sadd.s32 $0x8F2B, s0  }
0xbf: {  	[sflag:s0] =	ssyncadd.remote.s32 $0x1  }
0xc0: {  	_ =	sfence.sel $0xFFFF  }
0xc1: {  	[dreg:$0x0] =	wrdreg $0xFFFFFFFF;
	(pc) =	sbr.abs _section_cstart, $3  }
0xc2: {  	[dreg:$0x1] =	wrdreg $0xFFFFFFFF  }
0xc3: {  	_ =	task.clear_ibuf [dreg:s8], $0x2FFFF;
	_ =	strace $0x9FFFFFFF  }
0xc4: {  	(tm) =	ssettm $0x7FFFFFFF  }
0xc5: {  	_ =	shalt  }
tec
execute0_lowered:
.L_overlay_start_1:
0x0: {  	(tag) =	ssettag $0x1  }
0x1: {  	s2 =	srdreg.scid;
	s0 =	stileid.u32  }
0x2: {  	s7 =	sand.u32 $0x1, s2;
	s23 =	sshll.u32 s0, $0x1  }
0x3: {  	s8 =	sor.u32 s7, s23  }
0x4: {  	s5 =	smul.u32 $0x32, s8  }
0x5: {  	s1 =	rddreg [dreg:$0x0]  }
0x6: {  	s6 =	rddreg [dreg:$0x1];
	s11 =	sand.u32 $0x6, s5  }
0x7: {  	s3 =	rddreg [dreg:$0x2];
	s13 =	smul.u32 $0x360, s11  }
0x8: {  	s4 =	simm.s32 $0x0;
	s2 =	rddreg [dreg:$0x3]  }
0x9: {  	[smem:$0x7FF] =	sst s4;
	s6 =	sadd.s32 $0x400, s6;
	s24 =	sadd.s32 $0x6C, s13;
	v7 =	vmov s13  }
0xa: {  	s7 =	ssub.s32 $0x2, s7;
	_ =	strace $0x80000047;
	s29 =	sadd.s32 $0xD8, s13;
	v8 =	vmov s24;
	[tilespmem:$0x1FF70] =	vst v7  }
0xb: {  	s9 =	sshrl.u32 s7, $0x1;
	s21 =	smul.u32 $0x190000, s8;
	s30 =	sadd.s32 $0x144, s13;
	v9 =	vmov s29;
	[tilespmem:$0x1FF80] =	vst v8  }
0xc: {  	s14 =	ssub.s32 s7, s9;
	s10 =	sshll.u32 s5, $0x1;
	s15 =	sadd.s32 $0x1B0, s13;
	v10 =	vmov s30;
	[tilespmem:$0x1FF90] =	vst v9  }
0xd: {  	s16 =	sor.u32 $0x1, s5;
	s17 =	sand.u32 $0x7F8, s5;
	s18 =	sadd.s32 $0x21C, s13;
	v11 =	vmov s15;
	[tilespmem:$0x1FFA0] =	vst v10  }
0xe: {  	s31 =	sshll.u32 s5, $0xC;
	s16 =	ssub.s32 s16, s17;
	s19 =	sadd.s32 $0x288, s13;
	v12 =	vmov s18;
	[tilespmem:$0x1FFB0] =	vst v11  }
0xf: {  	s11 =	sshll.u32 s11, $0xC;
	s20 =	smul.u32 $0x360, s16;
	s22 =	sadd.s32 $0x2F4, s13;
	v13 =	vmov s19;
	[tilespmem:$0x1FFC0] =	vst v12  }
0x10: {  	s12 =	sshll.u32 s5, $0x6;
	s17 =	sand.u32 $0x7F8000, s31;
	s11 =	sadd.s32 s3, s11;
	v14 =	vmov s22;
	[tilespmem:$0x1FFD0] =	vst v13  }
0x11: {  	s21 =	sand.u32 $0x3FC0000, s21;
	s8 =	sadd.s32 s17, s11;
	s17 =	sadd.s32 $0x6C, s20;
	v15 =	vmov s20;
	[tilespmem:$0x1FFE0] =	vst v14  }
0x12: {  	s10 =	sand.u32 $0x70, s10;
	s12 =	sand.u32 $0x1F000, s12;
	s25 =	sadd.s32 $0xD8, s20;
	v0 =	vmov s17;
	[tilespmem:$0x1FFF0] =	vst v15  }
0x13: {  	s10 =	sadd.s32 s1, s10;
	s16 =	sshll.u32 s16, $0xF;
	s23 =	sadd.s32 $0x144, s20;
	v58 =	vmov s25;
	[tilespmem:$0x1FF00] =	vst v0  }
0x14: {  	s7 =	sadd.s32 s12, s10;
	s26 =	sadd.s32 s21, s16;
	s28 =	sadd.s32 $0x1B0, s20;
	v59 =	vmov s23;
	[tilespmem:$0x1FF10] =	vst v58  }
0x15: {  	s10 =	smax.u32 s14, $0x1;
	s11 =	simm.s32 $0x3;
	s29 =	sadd.s32 $0x21C, s20;
	v60 =	vmov s28;
	[tilespmem:$0x1FF20] =	vst v59  }
0x16: {  	s12 =	simm.s32 $0x80;
	s13 =	simm.s32 $0x400;
	s24 =	sadd.s32 $0x288, s20;
	v61 =	vmov s29;
	[tilespmem:$0x1FF30] =	vst v60  }
0x17: {  	s14 =	simm.s32 $0x1B00;
	s16 =	simm.s32 $0xAB00;
	s31 =	sadd.s32 $0x2F4, s20;
	v62 =	vmov s24;
	[tilespmem:$0x1FF40] =	vst v61  }
0x18: {  	s30 =	sshrl.u32 s26, $0x3;
	s15 =	simm.s32 $0x2B00;
	s18 =	simm.s32 $0x2;
	v63 =	vmov s31;
	[tilespmem:$0x1FF50] =	vst v62  }
0x19: {  	s19 =	simm.s32 $0x0;
	s9 =	sadd.s32 s3, s30;
	s17 =	simm.s32 $0x1;
	[tilespmem:$0x1FF60] =	vst v63  }
.LBB2_1:
0x1a: {  	[tilespmem:s4], [sflag:$0x3] =	stream.linear.gather [hbm4b:s6+s4], $0x1B00, $0x38;
	[tilespmem:$0x12B00] =	vst v63  }
0x1b: {  	_ =	swait.ge [sflag:s11], $0x1B00  }
0x1c: {  	[sflag:s11] =	ssyncset.done $0x0  }
0x1d: {  	[sflag:s11] =	ssyncadd.s32 $0xFFFFE500  }
0x1e: {  	[tilespmem:s14], [sflag:$0x3] =	stream.strided.gather [hbm4b:s7+s12], $0x1000, s13, s12, $0x38;
	[tilespmem:$0x12B00] =	vst v63  }
0x1f: {  	_ =	swait.ge [sflag:s11], $0x1000  }
0x20: {  	[sflag:s11] =	ssyncset.done $0x0  }
0x21: {  	s20 =	simm.s32 $0x1B40;
	[sflag:s11] =	ssyncadd.s32 $0xFFFFF000  }
0x22: {  	v23 =	vld [tilespmem:s20+$0x30]  }
0x23: {  	v21 =	vld [tilespmem:s20+$0xFFFFFFD0]  }
0x24: {  	v20 =	vld [tilespmem:s20+$0xFFFFFFE0]  }
0x25: {  	v19 =	vld [tilespmem:s20+$0xFFFFFFF0]  }
0x26: {  	v18 =	vld [tilespmem:s20+$0x0]  }
0x27: {  	v16 =	vld [tilespmem:s20+$0x10];
	v24 =	vadd.s32 v7, v23  }
0x28: {  	v17 =	vld [tilespmem:s20+$0x20];
	v25 =	vadd.s32 v7, v21  }
0x29: {  	v22 =	vld [tilespmem:s20+$0xFFFFFFC0];
	v26 =	vadd.s32 v7, v20  }
0x2a: {  	v27 =	vadd.s32 v7, v19  }
0x2b: {  	v28 =	vadd.s32 v7, v18  }
0x2c: {  	v29 =	vadd.s32 v7, v16;
	v24 =	vld.idx.msk [tilespmem:v24+s4+$0x0], $0xffff  }
0x2d: {  	v30 =	vadd.s32 v7, v17;
	v25 =	vld.idx.msk [tilespmem:v25+s4+$0x0], $0xffff  }
0x2e: {  	v32 =	vadd.s32 v7, v22;
	v26 =	vld.idx.msk [tilespmem:v26+s4+$0x0], $0xffff  }
0x2f: {  	v31 =	vadd.s32 v8, v23;
	v27 =	vld.idx.msk [tilespmem:v27+s4+$0x0], $0xffff  }
0x30: {  	v33 =	vadd.s32 v8, v21;
	v28 =	vld.idx.msk [tilespmem:v28+s4+$0x0], $0xffff  }
0x31: {  	s20 =	simm.s32 $0x2D00;
	v34 =	vadd.s32 v8, v20;
	v29 =	vld.idx.msk [tilespmem:v29+s4+$0x0], $0xffff  }
0x32: {  	v35 =	vadd.s32 v8, v19;
	v30 =	vld.idx.msk [tilespmem:v30+s4+$0x0], $0xffff;
	[tilespmem:s20+$0xFFFFFE70] =	vst v24  }
0x33: {  	v36 =	vadd.s32 v8, v16;
	[tilespmem:s20+$0xFFFFFE10] =	vst v25;
	v25 =	vld.idx.msk [tilespmem:v32+s4+$0x0], $0xffff  }
0x34: {  	v24 =	vadd.s32 v8, v18;
	[tilespmem:s20+$0xFFFFFE20] =	vst v26;
	v31 =	vld.idx.msk [tilespmem:v31+s4+$0x0], $0xffff  }
0x35: {  	v1 =	vadd.s32 v8, v22;
	[tilespmem:s20+$0xFFFFFE30] =	vst v27;
	v26 =	vld.idx.msk [tilespmem:v33+s4+$0x0], $0xffff  }
0x36: {  	v2 =	vadd.s32 v8, v17;
	[tilespmem:s20+$0xFFFFFE40] =	vst v28;
	v27 =	vld.idx.msk [tilespmem:v34+s4+$0x0], $0xffff  }
0x37: {  	v0 =	vadd.s32 v9, v23;
	[tilespmem:s20+$0xFFFFFE50] =	vst v29;
	v3 =	vld.idx.msk [tilespmem:v35+s4+$0x0], $0xffff  }
0x38: {  	v40 =	vadd.s32 v9, v21;
	[tilespmem:s20+$0xFFFFFE60] =	vst v30;
	v36 =	vld.idx.msk [tilespmem:v36+s4+$0x0], $0xffff  }
0x39: {  	v41 =	vadd.s32 v9, v20;
	v24 =	vld.idx.msk [tilespmem:v24+s4+$0x0], $0xffff;
	[tilespmem:s20+$0xFFFFFE00] =	vst v25  }
0x3a: {  	v42 =	vadd.s32 v9, v19;
	[tilespmem:s20+$0xFFFFFEF0] =	vst v31;
	v44 =	vld.idx.msk [tilespmem:v1+s4+$0x0], $0xffff  }
0x3b: {  	v43 =	vadd.s32 v9, v18;
	[tilespmem:s20+$0xFFFFFE90] =	vst v26;
	v26 =	vld.idx.msk [tilespmem:v2+s4+$0x0], $0xffff  }
0x3c: {  	v47 =	vadd.s32 v9, v16;
	[tilespmem:s20+$0xFFFFFEA0] =	vst v27;
	v25 =	vld.idx.msk [tilespmem:v0+s4+$0x0], $0xffff  }
0x3d: {  	v46 =	vadd.s32 v9, v22;
	[tilespmem:s20+$0xFFFFFEB0] =	vst v3;
	v27 =	vld.idx.msk [tilespmem:v40+s4+$0x0], $0xffff  }
0x3e: {  	v49 =	vadd.s32 v9, v17;
	[tilespmem:s20+$0xFFFFFED0] =	vst v36;
	v48 =	vld.idx.msk [tilespmem:v41+s4+$0x0], $0xffff  }
0x3f: {  	v45 =	vadd.s32 v10, v23;
	[tilespmem:s20+$0xFFFFFEC0] =	vst v24;
	v24 =	vld.idx.msk [tilespmem:v42+s4+$0x0], $0xffff  }
0x40: {  	v50 =	vadd.s32 v10, v21;
	v32 =	vld.idx.msk [tilespmem:v43+s4+$0x0], $0xffff;
	[tilespmem:s20+$0xFFFFFE80] =	vst v44  }
0x41: {  	v52 =	vadd.s32 v10, v19;
	[tilespmem:s20+$0xFFFFFEE0] =	vst v26;
	v26 =	vld.idx.msk [tilespmem:v47+s4+$0x0], $0xffff  }
0x42: {  	[tilespmem:s20+$0xFFFFFF70] =	vst v25;
	v25 =	vadd.s32 v10, v20;
	v34 =	vld.idx.msk [tilespmem:v46+s4+$0x0], $0xffff  }
0x43: {  	v55 =	vadd.s32 v10, v18;
	[tilespmem:s20+$0xFFFFFF10] =	vst v27;
	v27 =	vld.idx.msk [tilespmem:v49+s4+$0x0], $0xffff  }
0x44: {  	v57 =	vadd.s32 v10, v16;
	[tilespmem:s20+$0xFFFFFF20] =	vst v48;
	v51 =	vld.idx.msk [tilespmem:v45+s4+$0x0], $0xffff  }
0x45: {  	v54 =	vadd.s32 v10, v22;
	v56 =	vld.idx.msk [tilespmem:v50+s4+$0x0], $0xffff;
	[tilespmem:s20+$0xFFFFFF30] =	vst v24  }
0x46: {  	v53 =	vadd.s32 v11, v23;
	v33 =	vld.idx.msk [tilespmem:v52+s4+$0x0], $0xffff;
	[tilespmem:s20+$0xFFFFFF40] =	vst v32  }
0x47: {  	[tilespmem:s20+$0xFFFFFF50] =	vst v26;
	v24 =	vld.idx.msk [tilespmem:v25+s4+$0x0], $0xffff;
	v25 =	vadd.s32 v10, v17  }
0x48: {  	v58 =	vadd.s32 v11, v21;
	[tilespmem:s20+$0xFFFFFF00] =	vst v34;
	v26 =	vld.idx.msk [tilespmem:v55+s4+$0x0], $0xffff  }
0x49: {  	v0 =	vadd.s32 v11, v19;
	[tilespmem:s20+$0xFFFFFF60] =	vst v27;
	v27 =	vld.idx.msk [tilespmem:v57+s4+$0x0], $0xffff  }
0x4a: {  	v60 =	vadd.s32 v11, v20;
	[tilespmem:s20+$0xFFFFFFF0] =	vst v51;
	v61 =	vld.idx.msk [tilespmem:v54+s4+$0x0], $0xffff  }
0x4b: {  	v1 =	vadd.s32 v11, v18;
	[tilespmem:s20+$0xFFFFFF90] =	vst v56;
	v59 =	vld.idx.msk [tilespmem:v53+s4+$0x0], $0xffff  }
0x4c: {  	v63 =	vadd.s32 v11, v22;
	[tilespmem:s20+$0xFFFFFFB0] =	vst v33;
	v25 =	vld.idx.msk [tilespmem:v25+s4+$0x0], $0xffff  }
0x4d: {  	v62 =	vadd.s32 v12, v23;
	[tilespmem:s20+$0xFFFFFFA0] =	vst v24;
	v24 =	vld.idx.msk [tilespmem:v58+s4+$0x0], $0xffff  }
0x4e: {  	v2 =	vadd.s32 v11, v16;
	[tilespmem:s20+$0xFFFFFFC0] =	vst v26;
	v26 =	vld.idx.msk [tilespmem:v0+s4+$0x0], $0xffff  }
0x4f: {  	v3 =	vadd.s32 v11, v17;
	[tilespmem:s20+$0xFFFFFFD0] =	vst v27;
	v35 =	vld.idx.msk [tilespmem:v60+s4+$0x0], $0xffff  }
0x50: {  	v40 =	vadd.s32 v12, v21;
	[tilespmem:s20+$0xFFFFFF80] =	vst v61;
	v27 =	vld.idx.msk [tilespmem:v1+s4+$0x0], $0xffff  }
0x51: {  	v45 =	vadd.s32 v12, v19;
	[tilespmem:s20+$0x70] =	vst v59;
	v41 =	vld.idx.msk [tilespmem:v63+s4+$0x0], $0xffff  }
0x52: {  	v44 =	vadd.s32 v12, v20;
	v29 =	vld.idx.msk [tilespmem:v62+s4+$0x0], $0xffff;
	[tilespmem:s20+$0xFFFFFFE0] =	vst v25  }
0x53: {  	v43 =	vadd.s32 v12, v22;
	v25 =	vld.idx.msk [tilespmem:v2+s4+$0x0], $0xffff;
	[tilespmem:s20+$0x10] =	vst v24  }
0x54: {  	v42 =	vadd.s32 v13, v23;
	[tilespmem:s20+$0x30] =	vst v26;
	v24 =	vld.idx.msk [tilespmem:v3+s4+$0x0], $0xffff  }
0x55: {  	v46 =	vadd.s32 v12, v18;
	v32 =	vld.idx.msk [tilespmem:v40+s4+$0x0], $0xffff;
	[tilespmem:s20+$0x20] =	vst v35  }
0x56: {  	v47 =	vadd.s32 v12, v16;
	[tilespmem:s20+$0x40] =	vst v27;
	v27 =	vld.idx.msk [tilespmem:v45+s4+$0x0], $0xffff  }
0x57: {  	v48 =	vadd.s32 v12, v17;
	[tilespmem:s20+$0x0] =	vst v41;
	v26 =	vld.idx.msk [tilespmem:v44+s4+$0x0], $0xffff  }
0x58: {  	v51 =	vadd.s32 v13, v21;
	[tilespmem:s20+$0xF0] =	vst v29;
	v49 =	vld.idx.msk [tilespmem:v43+s4+$0x0], $0xffff  }
0x59: {  	v52 =	vadd.s32 v13, v20;
	v31 =	vld.idx.msk [tilespmem:v42+s4+$0x0], $0xffff;
	[tilespmem:s20+$0x50] =	vst v25  }
0x5a: {  	v50 =	vadd.s32 v13, v22;
	v25 =	vld.idx.msk [tilespmem:v46+s4+$0x0], $0xffff;
	[tilespmem:s20+$0x60] =	vst v24  }
0x5b: {  	v23 =	vadd.s32 v14, v23;
	v24 =	vld.idx.msk [tilespmem:v47+s4+$0x0], $0xffff;
	[tilespmem:s20+$0x90] =	vst v32  }
0x5c: {  	v53 =	vadd.s32 v13, v19;
	[tilespmem:s20+$0xB0] =	vst v27;
	v33 =	vld.idx.msk [tilespmem:v48+s4+$0x0], $0xffff  }
0x5d: {  	v54 =	vadd.s32 v13, v18;
	[tilespmem:s20+$0xA0] =	vst v26;
	v26 =	vld.idx.msk [tilespmem:v51+s4+$0x0], $0xffff  }
0x5e: {  	v56 =	vadd.s32 v13, v17;
	[tilespmem:s20+$0x80] =	vst v49;
	v27 =	vld.idx.msk [tilespmem:v52+s4+$0x0], $0xffff  }
0x5f: {  	v21 =	vadd.s32 v14, v21;
	[tilespmem:s20+$0x170] =	vst v31;
	v28 =	vld.idx.msk [tilespmem:v50+s4+$0x0], $0xffff  }
0x60: {  	v55 =	vld.idx.msk [tilespmem:v23+s4+$0x0], $0xffff;
	[tilespmem:s20+$0xC0] =	vst v25  }
0x61: {  	v20 =	vadd.s32 v14, v20;
	v25 =	vld.idx.msk [tilespmem:v53+s4+$0x0], $0xffff;
	[tilespmem:s20+$0xD0] =	vst v24  }
0x62: {  	v24 =	vld.idx.msk [tilespmem:v54+s4+$0x0], $0xffff;
	[tilespmem:s20+$0xE0] =	vst v33  }
0x63: {  	v23 =	vadd.s32 v13, v16;
	[tilespmem:s20+$0x110] =	vst v26;
	v58 =	vld.idx.msk [tilespmem:v56+s4+$0x0], $0xffff  }
0x64: {  	s21 =	simm.s32 $0x1BC0;
	v22 =	vadd.s32 v14, v22;
	v26 =	vld.idx.msk [tilespmem:v21+s4+$0x0], $0xffff  }
0x65: {  	[tilespmem:s20+$0x120] =	vst v27;
	v21 =	vld [tilespmem:s21+$0xFFFFFFF0]  }
0x66: {  	v27 =	vld.idx.msk [tilespmem:v20+s4+$0x0], $0xffff  }
0x67: {  	v20 =	vld [tilespmem:s21+$0x0]  }
0x68: {  	v19 =	vadd.s32 v14, v19;
	[tilespmem:s20+$0x100] =	vst v28;
	v57 =	vld.idx.msk [tilespmem:v23+s4+$0x0], $0xffff  }
0x69: {  	v59 =	vld.idx.msk [tilespmem:v22+s4+$0x0], $0xffff  }
0x6a: {  	[tilespmem:s20+$0x130] =	vst v25;
	v25 =	vld [tilespmem:s21+$0x30]  }
0x6b: {  	v18 =	vadd.s32 v14, v18;
	v23 =	vld [tilespmem:s21+$0xFFFFFFD0]  }
0x6c: {  	v22 =	vld [tilespmem:s21+$0xFFFFFFE0]  }
0x6d: {  	v17 =	vadd.s32 v14, v17;
	v60 =	vld.idx.msk [tilespmem:v19+s4+$0x0], $0xffff  }
0x6e: {  	v16 =	vadd.s32 v14, v16;
	v19 =	vld [tilespmem:s21+$0x20]  }
0x6f: {  	[tilespmem:s20+$0x140] =	vst v24;
	v24 =	vld [tilespmem:s21+$0xFFFFFFC0];
	v1 =	vadd.s32 v7, v21  }
0x70: {  	v61 =	vld.idx.msk [tilespmem:v18+s4+$0x0], $0xffff;
	v2 =	vadd.s32 v7, v20  }
0x71: {  	v18 =	vld [tilespmem:s21+$0x10];
	[tilespmem:s20+$0x160] =	vst v58;
	v62 =	vadd.s32 v7, v25  }
0x72: {  	v17 =	vld.idx.msk [tilespmem:v17+s4+$0x0], $0xffff;
	v63 =	vadd.s32 v7, v23;
	[tilespmem:s20+$0x150] =	vst v57  }
0x73: {  	v0 =	vadd.s32 v7, v22;
	v16 =	vld.idx.msk [tilespmem:v16+s4+$0x0], $0xffff  }
0x74: {  	[tilespmem:s20+$0x1F0] =	vst v55;
	v41 =	vadd.s32 v7, v19;
	v28 =	vld.idx.msk [tilespmem:v1+s4+$0x0], $0xffff  }
0x75: {  	[tilespmem:s20+$0x1A0] =	vst v27;
	v27 =	vadd.s32 v7, v24;
	v36 =	vld.idx.msk [tilespmem:v2+s4+$0x0], $0xffff  }
0x76: {  	[tilespmem:s20+$0x190] =	vst v26;
	v3 =	vadd.s32 v7, v18;
	v33 =	vld.idx.msk [tilespmem:v62+s4+$0x0], $0xffff  }
0x77: {  	v37 =	vadd.s32 v8, v21;
	[tilespmem:s20+$0x180] =	vst v59;
	v40 =	vld.idx.msk [tilespmem:v63+s4+$0x0], $0xffff  }
0x78: {  	s21 =	simm.s32 $0x3100;
	v45 =	vadd.s32 v8, v20;
	[tilespmem:s20+$0x1B0] =	vst v60;
	v26 =	vld.idx.msk [tilespmem:v0+s4+$0x0], $0xffff  }
0x79: {  	v43 =	vadd.s32 v8, v23;
	v34 =	vld.idx.msk [tilespmem:v41+s4+$0x0], $0xffff;
	[tilespmem:s21+$0xFFFFFE30] =	vst v28  }
0x7a: {  	v42 =	vadd.s32 v8, v25;
	v27 =	vld.idx.msk [tilespmem:v27+s4+$0x0], $0xffff;
	[tilespmem:s21+$0xFFFFFE40] =	vst v36  }
0x7b: {  	v44 =	vadd.s32 v8, v22;
	v35 =	vld.idx.msk [tilespmem:v3+s4+$0x0], $0xffff;
	[tilespmem:s21+$0xFFFFFE70] =	vst v33  }
0x7c: {  	v48 =	vadd.s32 v8, v24;
	v37 =	vld.idx.msk [tilespmem:v37+s4+$0x0], $0xffff;
	[tilespmem:s21+$0xFFFFFE10] =	vst v40  }
0x7d: {  	v46 =	vadd.s32 v8, v18;
	[tilespmem:s21+$0xFFFFFE20] =	vst v26;
	v33 =	vld.idx.msk [tilespmem:v45+s4+$0x0], $0xffff  }
0x7e: {  	v49 =	vadd.s32 v8, v19;
	v26 =	vld.idx.msk [tilespmem:v43+s4+$0x0], $0xffff;
	[tilespmem:s21+$0xFFFFFE60] =	vst v34  }
0x7f: {  	v52 =	vadd.s32 v9, v21;
	v29 =	vld.idx.msk [tilespmem:v42+s4+$0x0], $0xffff;
	[tilespmem:s21+$0xFFFFFE00] =	vst v27  }
0x80: {  	v53 =	vadd.s32 v9, v20;
	v32 =	vld.idx.msk [tilespmem:v44+s4+$0x0], $0xffff;
	[tilespmem:s21+$0xFFFFFE50] =	vst v35  }
0x81: {  	v47 =	vadd.s32 v9, v25;
	v31 =	vld.idx.msk [tilespmem:v48+s4+$0x0], $0xffff;
	[tilespmem:s21+$0xFFFFFEB0] =	vst v37  }
0x82: {  	v50 =	vadd.s32 v9, v23;
	v30 =	vld.idx.msk [tilespmem:v46+s4+$0x0], $0xffff;
	[tilespmem:s21+$0xFFFFFEC0] =	vst v33  }
0x83: {  	v51 =	vadd.s32 v9, v22;
	[tilespmem:s21+$0xFFFFFE90] =	vst v26;
	v26 =	vld.idx.msk [tilespmem:v49+s4+$0x0], $0xffff  }
0x84: {  	v55 =	vadd.s32 v9, v24;
	[tilespmem:s21+$0xFFFFFEF0] =	vst v29;
	v29 =	vld.idx.msk [tilespmem:v52+s4+$0x0], $0xffff  }
0x85: {  	[tilespmem:s20+$0x1C0] =	vst v61;
	v56 =	vadd.s32 v9, v18;
	v28 =	vld.idx.msk [tilespmem:v53+s4+$0x0], $0xffff  }
0x86: {  	v57 =	vadd.s32 v9, v19;
	[tilespmem:s21+$0xFFFFFEA0] =	vst v32;
	v27 =	vld.idx.msk [tilespmem:v47+s4+$0x0], $0xffff  }
0x87: {  	v60 =	vadd.s32 v10, v21;
	v35 =	vld.idx.msk [tilespmem:v50+s4+$0x0], $0xffff;
	[tilespmem:s21+$0xFFFFFE80] =	vst v31  }
0x88: {  	v54 =	vadd.s32 v10, v25;
	v34 =	vld.idx.msk [tilespmem:v51+s4+$0x0], $0xffff;
	[tilespmem:s21+$0xFFFFFED0] =	vst v30  }
0x89: {  	v58 =	vadd.s32 v10, v23;
	v36 =	vld.idx.msk [tilespmem:v55+s4+$0x0], $0xffff;
	[tilespmem:s21+$0xFFFFFEE0] =	vst v26  }
0x8a: {  	v62 =	vadd.s32 v10, v24;
	v26 =	vld.idx.msk [tilespmem:v56+s4+$0x0], $0xffff;
	[tilespmem:s21+$0xFFFFFF30] =	vst v29  }
0x8b: {  	v63 =	vadd.s32 v10, v20;
	[tilespmem:s21+$0xFFFFFF40] =	vst v28;
	v33 =	vld.idx.msk [tilespmem:v57+s4+$0x0], $0xffff  }
0x8c: {  	[tilespmem:s21+$0xFFFFFF70] =	vst v27;
	v27 =	vadd.s32 v10, v22;
	v32 =	vld.idx.msk [tilespmem:v60+s4+$0x0], $0xffff  }
0x8d: {  	v0 =	vadd.s32 v10, v18;
	[tilespmem:s21+$0xFFFFFF10] =	vst v35;
	v59 =	vld.idx.msk [tilespmem:v54+s4+$0x0], $0xffff  }
0x8e: {  	v61 =	vadd.s32 v11, v25;
	v30 =	vld.idx.msk [tilespmem:v58+s4+$0x0], $0xffff;
	[tilespmem:s21+$0xFFFFFF00] =	vst v36  }
0x8f: {  	v2 =	vadd.s32 v11, v23;
	[tilespmem:s21+$0xFFFFFF20] =	vst v34;
	v37 =	vld.idx.msk [tilespmem:v62+s4+$0x0], $0xffff  }
0x90: {  	v41 =	vadd.s32 v11, v24;
	[tilespmem:s21+$0xFFFFFF50] =	vst v26;
	v26 =	vld.idx.msk [tilespmem:v63+s4+$0x0], $0xffff  }
0x91: {  	v42 =	vadd.s32 v11, v21;
	v27 =	vld.idx.msk [tilespmem:v27+s4+$0x0], $0xffff;
	[tilespmem:s21+$0xFFFFFF60] =	vst v33  }
0x92: {  	v1 =	vadd.s32 v10, v19;
	v29 =	vld.idx.msk [tilespmem:v0+s4+$0x0], $0xffff;
	[tilespmem:s21+$0xFFFFFFF0] =	vst v59  }
0x93: {  	v43 =	vadd.s32 v11, v20;
	[tilespmem:s21+$0xFFFFFF90] =	vst v30;
	v35 =	vld.idx.msk [tilespmem:v61+s4+$0x0], $0xffff  }
0x94: {  	v3 =	vadd.s32 v11, v22;
	v31 =	vld.idx.msk [tilespmem:v2+s4+$0x0], $0xffff;
	[tilespmem:s21+$0xFFFFFF80] =	vst v37  }
0x95: {  	v44 =	vadd.s32 v11, v18;
	[tilespmem:s21+$0xFFFFFFB0] =	vst v32;
	v34 =	vld.idx.msk [tilespmem:v41+s4+$0x0], $0xffff  }
0x96: {  	v40 =	vadd.s32 v12, v25;
	[tilespmem:s21+$0xFFFFFFC0] =	vst v26;
	v26 =	vld.idx.msk [tilespmem:v42+s4+$0x0], $0xffff  }
0x97: {  	v46 =	vadd.s32 v12, v23;
	[tilespmem:s21+$0xFFFFFFA0] =	vst v27;
	v27 =	vld.idx.msk [tilespmem:v1+s4+$0x0], $0xffff  }
0x98: {  	v48 =	vadd.s32 v12, v24;
	[tilespmem:s21+$0xFFFFFFD0] =	vst v29;
	v28 =	vld.idx.msk [tilespmem:v43+s4+$0x0], $0xffff  }
0x99: {  	v50 =	vadd.s32 v12, v21;
	v36 =	vld.idx.msk [tilespmem:v3+s4+$0x0], $0xffff;
	[tilespmem:s21+$0x70] =	vst v35  }
0x9a: {  	v45 =	vadd.s32 v11, v19;
	v49 =	vld.idx.msk [tilespmem:v44+s4+$0x0], $0xffff;
	[tilespmem:s21+$0x10] =	vst v31  }
0x9b: {  	v51 =	vadd.s32 v12, v20;
	v33 =	vld.idx.msk [tilespmem:v40+s4+$0x0], $0xffff;
	[tilespmem:s21+$0x0] =	vst v34  }
0x9c: {  	v47 =	vadd.s32 v13, v25;
	v37 =	vld.idx.msk [tilespmem:v46+s4+$0x0], $0xffff;
	[tilespmem:s21+$0x30] =	vst v26  }
0x9d: {  	v52 =	vadd.s32 v12, v18;
	v30 =	vld.idx.msk [tilespmem:v48+s4+$0x0], $0xffff;
	[tilespmem:s21+$0xFFFFFFE0] =	vst v27  }
0x9e: {  	v27 =	vadd.s32 v12, v22;
	[tilespmem:s21+$0x40] =	vst v28;
	v54 =	vld.idx.msk [tilespmem:v50+s4+$0x0], $0xffff  }
0x9f: {  	v55 =	vadd.s32 v13, v23;
	[tilespmem:s21+$0x20] =	vst v36;
	v35 =	vld.idx.msk [tilespmem:v45+s4+$0x0], $0xffff  }
0xa0: {  	v58 =	vadd.s32 v13, v21;
	v56 =	vld.idx.msk [tilespmem:v51+s4+$0x0], $0xffff;
	[tilespmem:s21+$0xF0] =	vst v33  }
0xa1: {  	v53 =	vadd.s32 v12, v19;
	[tilespmem:s21+$0x50] =	vst v49;
	v29 =	vld.idx.msk [tilespmem:v47+s4+$0x0], $0xffff  }
0xa2: {  	v25 =	vadd.s32 v14, v25;
	[tilespmem:s21+$0x90] =	vst v37;
	v33 =	vld.idx.msk [tilespmem:v52+s4+$0x0], $0xffff  }
0xa3: {  	[tilespmem:s21+$0x80] =	vst v30;
	v26 =	vld.idx.msk [tilespmem:v27+s4+$0x0], $0xffff;
	v27 =	vadd.s32 v13, v24  }
0xa4: {  	v59 =	vadd.s32 v13, v20;
	v31 =	vld.idx.msk [tilespmem:v55+s4+$0x0], $0xffff;
	[tilespmem:s21+$0xB0] =	vst v54  }
0xa5: {  	v57 =	vadd.s32 v13, v22;
	[tilespmem:s21+$0x60] =	vst v35;
	v62 =	vld.idx.msk [tilespmem:v58+s4+$0x0], $0xffff  }
0xa6: {  	v60 =	vadd.s32 v13, v18;
	v34 =	vld.idx.msk [tilespmem:v53+s4+$0x0], $0xffff;
	[tilespmem:s21+$0x170] =	vst v29  }
0xa7: {  	v23 =	vadd.s32 v14, v23;
	[tilespmem:s21+$0xC0] =	vst v56;
	v25 =	vld.idx.msk [tilespmem:v25+s4+$0x0], $0xffff  }
0xa8: {  	v27 =	vld.idx.msk [tilespmem:v27+s4+$0x0], $0xffff;
	[tilespmem:s21+$0xA0] =	vst v26;
	v26 =	vadd.s32 v13, v19  }
0xa9: {  	v61 =	vadd.s32 v14, v24;
	[tilespmem:s21+$0xD0] =	vst v33;
	v29 =	vld.idx.msk [tilespmem:v59+s4+$0x0], $0xffff  }
0xaa: {  	v21 =	vadd.s32 v14, v21;
	[tilespmem:s21+$0x110] =	vst v31;
	v35 =	vld.idx.msk [tilespmem:v57+s4+$0x0], $0xffff  }
0xab: {  	v63 =	vadd.s32 v14, v22;
	v30 =	vld.idx.msk [tilespmem:v60+s4+$0x0], $0xffff;
	[tilespmem:s21+$0xE0] =	vst v34  }
0xac: {  	v23 =	vld.idx.msk [tilespmem:v23+s4+$0x0], $0xffff;
	[tilespmem:s21+$0x1F0] =	vst v25;
	v25 =	vadd.s32 v14, v20  }
0xad: {  	[tilespmem:s21+$0x100] =	vst v27;
	v24 =	vld.idx.msk [tilespmem:v26+s4+$0x0], $0xffff  }
0xae: {  	[tilespmem:s21+$0x130] =	vst v62;
	v22 =	vld.idx.msk [tilespmem:v61+s4+$0x0], $0xffff  }
0xaf: {  	v21 =	vld.idx.msk [tilespmem:v21+s4+$0x0], $0xffff;
	[tilespmem:s21+$0x120] =	vst v35  }
0xb0: {  	[tilespmem:s21+$0x140] =	vst v29;
	v26 =	vld.idx.msk [tilespmem:v63+s4+$0x0], $0xffff  }
0xb1: {  	s22 =	simm.s32 $0x80;
	s23 =	simm.s32 $0x1C40;
	v19 =	vadd.s32 v14, v19;
	[tilespmem:s21+$0x150] =	vst v30;
	v20 =	vadd.s32 v14, v18;
	v25 =	vld.idx.msk [tilespmem:v25+s4+$0x0], $0xffff  }
.LBB2_2:
0xb2: {  	v18 =	vld [tilespmem:s23+$0x30];
	s22 =	sadd.s32 $0x80, s22;
	[tilespmem:s21+$0x160] =	vst v24  }
0xb3: {  	v29 =	vld [tilespmem:s23+$0xFFFFFFD0];
	p0 =	slt.u32 s22, $0xF80;
	[tilespmem:s21+$0x180] =	vst v22  }
0xb4: {  	v33 =	vld [tilespmem:s23+$0xFFFFFFE0];
	[tilespmem:s21+$0x190] =	vst v23  }
0xb5: {  	v34 =	vld [tilespmem:s23+$0xFFFFFFF0];
	[tilespmem:s21+$0x1A0] =	vst v26  }
0xb6: {  	v35 =	vld [tilespmem:s23+$0x0];
	[tilespmem:s21+$0x1B0] =	vst v21  }
0xb7: {  	v36 =	vld [tilespmem:s23+$0x10];
	v21 =	vadd.s32 v7, v18;
	[tilespmem:s21+$0x1C0] =	vst v25  }
0xb8: {  	v22 =	vadd.s32 v7, v29;
	v23 =	vadd.s32 v8, v29;
	v25 =	vadd.s32 v9, v29;
	v37 =	vld [tilespmem:s23+$0x20];
	[tilespmem:s20+$0x1D0] =	vst v16  }
0xb9: {  	v28 =	vld [tilespmem:s23+$0xFFFFFFC0];
	v24 =	vadd.s32 v7, v33;
	v26 =	vadd.s32 v8, v33;
	v38 =	vadd.s32 v9, v33;
	[tilespmem:s20+$0x1E0] =	vst v17;
	s20 =	smov.u32 s21  }
0xba: {  	v27 =	vadd.s32 v7, v34;
	v30 =	vadd.s32 v8, v34;
	v39 =	vadd.s32 v9, v34;
	v16 =	vld.idx.msk [tilespmem:v20+s4+$0x0], $0xffff  }
0xbb: {  	v20 =	vadd.s32 v7, v35;
	v31 =	vadd.s32 v8, v35;
	v40 =	vadd.s32 v9, v35;
	v17 =	vld.idx.msk [tilespmem:v19+s4+$0x0], $0xffff  }
0xbc: {  	v19 =	vadd.s32 v7, v36;
	v32 =	vadd.s32 v8, v36;
	v41 =	vadd.s32 v9, v36;
	v21 =	vld.idx.msk [tilespmem:v21+s4+$0x0], $0xffff  }
0xbd: {  	v22 =	vld.idx.msk [tilespmem:v22+s4+$0x0], $0xffff;
	v42 =	vadd.s32 v7, v37;
	v43 =	vadd.s32 v8, v37;
	v44 =	vadd.s32 v9, v37  }
0xbe: {  	v47 =	vadd.s32 v8, v18;
	v45 =	vadd.s32 v7, v28;
	v46 =	vadd.s32 v8, v28;
	v24 =	vld.idx.msk [tilespmem:v24+s4+$0x0], $0xffff  }
0xbf: {  	v50 =	vadd.s32 v10, v29;
	v48 =	vadd.s32 v9, v28;
	v49 =	vadd.s32 v10, v28;
	v27 =	vld.idx.msk [tilespmem:v27+s4+$0x0], $0xffff  }
0xc0: {  	v51 =	vadd.s32 v10, v33;
	v52 =	vadd.s32 v10, v34;
	v53 =	vadd.s32 v10, v35;
	v20 =	vld.idx.msk [tilespmem:v20+s4+$0x0], $0xffff  }
0xc1: {  	s21 =	sadd.s32 $0x400, s21;
	v55 =	vadd.s32 v10, v36;
	v56 =	vadd.s32 v10, v37;
	v54 =	vadd.s32 v11, v28;
	v19 =	vld.idx.msk [tilespmem:v19+s4+$0x0], $0xffff  }
0xc2: {  	v57 =	vadd.s32 v11, v29;
	v58 =	vadd.s32 v11, v33;
	v42 =	vld.idx.msk [tilespmem:v42+s4+$0x0], $0xffff;
	[tilespmem:s21+$0xFFFFFE70] =	vst v21  }
0xc3: {  	v59 =	vadd.s32 v11, v34;
	v60 =	vadd.s32 v11, v35;
	[tilespmem:s21+$0xFFFFFE10] =	vst v22;
	v21 =	vld.idx.msk [tilespmem:v47+s4+$0x0], $0xffff  }
0xc4: {  	v61 =	vadd.s32 v11, v37;
	v47 =	vadd.s32 v11, v36;
	v45 =	vld.idx.msk [tilespmem:v45+s4+$0x0], $0xffff;
	[tilespmem:s21+$0xFFFFFE20] =	vst v24  }
0xc5: {  	v62 =	vadd.s32 v12, v28;
	v23 =	vld.idx.msk [tilespmem:v23+s4+$0x0], $0xffff;
	[tilespmem:s21+$0xFFFFFE30] =	vst v27;
	v27 =	vadd.s32 v9, v18  }
0xc6: {  	v63 =	vadd.s32 v12, v29;
	v1 =	vadd.s32 v12, v33;
	v0 =	vld.idx.msk [tilespmem:v26+s4+$0x0], $0xffff;
	[tilespmem:s21+$0xFFFFFE40] =	vst v20  }
0xc7: {  	v2 =	vadd.s32 v12, v34;
	v3 =	vadd.s32 v12, v35;
	v20 =	vld.idx.msk [tilespmem:v30+s4+$0x0], $0xffff;
	[tilespmem:s21+$0xFFFFFE50] =	vst v19  }
0xc8: {  	v4 =	vadd.s32 v12, v36;
	v19 =	vld.idx.msk [tilespmem:v31+s4+$0x0], $0xffff;
	[tilespmem:s21+$0xFFFFFE60] =	vst v42;
	v42 =	vadd.s32 v12, v37  }
0xc9: {  	v22 =	vadd.s32 v13, v29;
	v30 =	vadd.s32 v13, v28;
	v5 =	vld.idx.msk [tilespmem:v32+s4+$0x0], $0xffff;
	[tilespmem:s21+$0xFFFFFEF0] =	vst v21  }
0xca: {  	v24 =	vadd.s32 v13, v34;
	v31 =	vadd.s32 v13, v33;
	[tilespmem:s21+$0xFFFFFE00] =	vst v45;
	v45 =	vld.idx.msk [tilespmem:v27+s4+$0x0], $0xffff  }
0xcb: {  	v26 =	vadd.s32 v13, v36;
	v32 =	vadd.s32 v13, v35;
	v46 =	vld.idx.msk [tilespmem:v46+s4+$0x0], $0xffff;
	[tilespmem:s21+$0xFFFFFE90] =	vst v23  }
0xcc: {  	v27 =	vadd.s32 v13, v37;
	[tilespmem:s21+$0xFFFFFEA0] =	vst v0;
	v0 =	vld.idx.msk [tilespmem:v43+s4+$0x0], $0xffff;
	v43 =	vadd.s32 v10, v18  }
0xcd: {  	v28 =	vadd.s32 v14, v28;
	v23 =	vadd.s32 v14, v29;
	v6 =	vld.idx.msk [tilespmem:v25+s4+$0x0], $0xffff;
	[tilespmem:s21+$0xFFFFFEB0] =	vst v20  }
0xce: {  	v21 =	vadd.s32 v14, v34;
	v29 =	vadd.s32 v14, v33;
	v38 =	vld.idx.msk [tilespmem:v38+s4+$0x0], $0xffff;
	[tilespmem:s21+$0xFFFFFEC0] =	vst v19  }
0xcf: {  	v25 =	vadd.s32 v14, v35;
	v20 =	vadd.s32 v14, v36;
	v33 =	vld.idx.msk [tilespmem:v39+s4+$0x0], $0xffff;
	[tilespmem:s21+$0xFFFFFED0] =	vst v5  }
0xd0: {  	v19 =	vadd.s32 v14, v37;
	v5 =	vld.idx.msk [tilespmem:v40+s4+$0x0], $0xffff;
	[tilespmem:s21+$0xFFFFFF70] =	vst v45  }
0xd1: {  	[tilespmem:s21+$0xFFFFFE80] =	vst v46;
	v34 =	vld.idx.msk [tilespmem:v43+s4+$0x0], $0xffff  }
0xd2: {  	v35 =	vld.idx.msk [tilespmem:v48+s4+$0x0], $0xffff;
	[tilespmem:s21+$0xFFFFFEE0] =	vst v0  }
0xd3: {  	[tilespmem:s21+$0xFFFFFF10] =	vst v6;
	v0 =	vld.idx.msk [tilespmem:v41+s4+$0x0], $0xffff;
	v6 =	vadd.s32 v11, v18  }
0xd4: {  	[tilespmem:s21+$0xFFFFFF20] =	vst v38;
	v36 =	vld.idx.msk [tilespmem:v44+s4+$0x0], $0xffff  }
0xd5: {  	v37 =	vld.idx.msk [tilespmem:v50+s4+$0x0], $0xffff;
	[tilespmem:s21+$0xFFFFFF30] =	vst v33  }
0xd6: {  	v33 =	vld.idx.msk [tilespmem:v51+s4+$0x0], $0xffff;
	[tilespmem:s21+$0xFFFFFF40] =	vst v5  }
0xd7: {  	v5 =	vld.idx.msk [tilespmem:v52+s4+$0x0], $0xffff;
	[tilespmem:s21+$0xFFFFFFF0] =	vst v34  }
0xd8: {  	[tilespmem:s21+$0xFFFFFF00] =	vst v35;
	v6 =	vld.idx.msk [tilespmem:v6+s4+$0x0], $0xffff  }
0xd9: {  	v34 =	vld.idx.msk [tilespmem:v49+s4+$0x0], $0xffff;
	[tilespmem:s21+$0xFFFFFF50] =	vst v0  }
0xda: {  	v35 =	vadd.s32 v12, v18;
	v0 =	vld.idx.msk [tilespmem:v53+s4+$0x0], $0xffff;
	[tilespmem:s21+$0xFFFFFF60] =	vst v36  }
0xdb: {  	[tilespmem:s21+$0xFFFFFF90] =	vst v37;
	v36 =	vld.idx.msk [tilespmem:v55+s4+$0x0], $0xffff  }
0xdc: {  	[tilespmem:s21+$0xFFFFFFA0] =	vst v33;
	v33 =	vld.idx.msk [tilespmem:v56+s4+$0x0], $0xffff  }
0xdd: {  	v37 =	vld.idx.msk [tilespmem:v57+s4+$0x0], $0xffff;
	[tilespmem:s21+$0xFFFFFFB0] =	vst v5  }
0xde: {  	v5 =	vld.idx.msk [tilespmem:v58+s4+$0x0], $0xffff;
	[tilespmem:s21+$0x70] =	vst v6  }
0xdf: {  	[tilespmem:s21+$0xFFFFFF80] =	vst v34;
	v6 =	vld.idx.msk [tilespmem:v35+s4+$0x0], $0xffff  }
0xe0: {  	v34 =	vld.idx.msk [tilespmem:v54+s4+$0x0], $0xffff;
	[tilespmem:s21+$0xFFFFFFC0] =	vst v0  }
0xe1: {  	v35 =	vadd.s32 v13, v18;
	v0 =	vld.idx.msk [tilespmem:v59+s4+$0x0], $0xffff;
	[tilespmem:s21+$0xFFFFFFD0] =	vst v36  }
0xe2: {  	v36 =	vld.idx.msk [tilespmem:v60+s4+$0x0], $0xffff;
	[tilespmem:s21+$0xFFFFFFE0] =	vst v33  }
0xe3: {  	[tilespmem:s21+$0x10] =	vst v37;
	v33 =	vld.idx.msk [tilespmem:v47+s4+$0x0], $0xffff  }
0xe4: {  	[tilespmem:s21+$0x20] =	vst v5;
	v5 =	vld.idx.msk [tilespmem:v61+s4+$0x0], $0xffff  }
0xe5: {  	v37 =	vld.idx.msk [tilespmem:v63+s4+$0x0], $0xffff;
	[tilespmem:s21+$0xF0] =	vst v6  }
0xe6: {  	[tilespmem:s21+$0x0] =	vst v34;
	v6 =	vld.idx.msk [tilespmem:v35+s4+$0x0], $0xffff  }
0xe7: {  	v34 =	vld.idx.msk [tilespmem:v62+s4+$0x0], $0xffff;
	[tilespmem:s21+$0x30] =	vst v0  }
0xe8: {  	v0 =	vld.idx.msk [tilespmem:v1+s4+$0x0], $0xffff;
	[tilespmem:s21+$0x40] =	vst v36;
	v1 =	vadd.s32 v14, v18  }
0xe9: {  	v2 =	vld.idx.msk [tilespmem:v2+s4+$0x0], $0xffff;
	[tilespmem:s21+$0x50] =	vst v33  }
0xea: {  	v3 =	vld.idx.msk [tilespmem:v3+s4+$0x0], $0xffff;
	[tilespmem:s21+$0x60] =	vst v5  }
0xeb: {  	[tilespmem:s21+$0x90] =	vst v37;
	v4 =	vld.idx.msk [tilespmem:v4+s4+$0x0], $0xffff  }
0xec: {  	v5 =	vld.idx.msk [tilespmem:v42+s4+$0x0], $0xffff;
	[tilespmem:s21+$0x170] =	vst v6  }
0xed: {  	[tilespmem:s21+$0x80] =	vst v34;
	v1 =	vld.idx.msk [tilespmem:v1+s4+$0x0], $0xffff  }
0xee: {  	v6 =	vld.idx.msk [tilespmem:v30+s4+$0x0], $0xffff;
	[tilespmem:s21+$0xA0] =	vst v0  }
0xef: {  	v0 =	vld.idx.msk [tilespmem:v22+s4+$0x0], $0xffff;
	[tilespmem:s21+$0xB0] =	vst v2  }
0xf0: {  	v2 =	vld.idx.msk [tilespmem:v31+s4+$0x0], $0xffff;
	[tilespmem:s21+$0xC0] =	vst v3  }
0xf1: {  	v3 =	vld.idx.msk [tilespmem:v24+s4+$0x0], $0xffff;
	[tilespmem:s21+$0xD0] =	vst v4  }
0xf2: {  	v4 =	vld.idx.msk [tilespmem:v32+s4+$0x0], $0xffff;
	[tilespmem:s21+$0xE0] =	vst v5  }
0xf3: {  	v5 =	vld.idx.msk [tilespmem:v26+s4+$0x0], $0xffff;
	[tilespmem:s21+$0x1F0] =	vst v1  }
0xf4: {  	[tilespmem:s21+$0x100] =	vst v6;
	v24 =	vld.idx.msk [tilespmem:v27+s4+$0x0], $0xffff  }
.Ltmp0:
0xf5: {  	v22 =	vld.idx.msk [tilespmem:v28+s4+$0x0], $0xffff;
	[tilespmem:s21+$0x110] =	vst v0;
	(pc) =	sbr.rel @p0 .LBB2_2-.Ltmp0, $4  }
0xf6: {  	v23 =	vld.idx.msk [tilespmem:v23+s4+$0x0], $0xffff;
	[tilespmem:s21+$0x120] =	vst v2  }
0xf7: {  	v26 =	vld.idx.msk [tilespmem:v29+s4+$0x0], $0xffff;
	[tilespmem:s21+$0x130] =	vst v3  }
0xf8: {  	v21 =	vld.idx.msk [tilespmem:v21+s4+$0x0], $0xffff;
	[tilespmem:s21+$0x140] =	vst v4  }
0xf9: {  	s23 =	sadd.s32 $0x80, s23;
	v25 =	vld.idx.msk [tilespmem:v25+s4+$0x0], $0xffff;
	[tilespmem:s21+$0x150] =	vst v5  }
0xfa: {  	_ = 	snop  }
0xfb: {  	[tilespmem:s21+$0x160] =	vst v24  }
0xfc: {  	[tilespmem:s21+$0x180] =	vst v22  }
0xfd: {  	[tilespmem:s20+$0x1D0] =	vst v16  }
0xfe: {  	v0 =	vld.idx.msk [tilespmem:v20+s4+$0x0], $0xffff;
	[tilespmem:s20+$0x1E0] =	vst v17  }
0xff: {  	[tilespmem:s21+$0x190] =	vst v23;
	v1 =	vld.idx.msk [tilespmem:v19+s4+$0x0], $0xffff  }
0x100: {  	[tilespmem:s21+$0x1A0] =	vst v26  }
0x101: {  	[tilespmem:s21+$0x1B0] =	vst v21  }
0x102: {  	[tilespmem:s21+$0x1C0] =	vst v25  }
0x103: {  	[tilespmem:s21+$0x1D0] =	vst v0  }
0x104: {  	s30 =	simm.s32 $0x1B40;
	[tilespmem:s21+$0x1E0] =	vst v1  }
0x105: {  	[hbm4b:s8+s4] =	stream.linear.scatter [tilespmem:s15], [sflag:$0x1], $0x8000, $0x38;
	[tilespmem:$0x12B00] =	vst v63  }
0x106: {  	v23 =	vld [tilespmem:s30+$0x30]  }
0x107: {  	v21 =	vld [tilespmem:s30+$0xFFFFFFD0]  }
0x108: {  	v20 =	vld [tilespmem:s30+$0xFFFFFFE0]  }
0x109: {  	v19 =	vld [tilespmem:s30+$0xFFFFFFF0]  }
0x10a: {  	v18 =	vld [tilespmem:s30+$0x0]  }
0x10b: {  	v16 =	vld [tilespmem:s30+$0x10];
	v47 =	vadd.s32 v15, v23  }
0x10c: {  	v17 =	vld [tilespmem:s30+$0x20];
	v48 =	vadd.s32 v15, v21  }
0x10d: {  	v22 =	vld [tilespmem:s30+$0xFFFFFFC0];
	v2 =	vadd.s32 v15, v20  }
0x10e: {  	v7 =	vld [tilespmem:$0x1FF00];
	v3 =	vadd.s32 v15, v19  }
0x10f: {  	v4 =	vadd.s32 v15, v18  }
0x110: {  	v5 =	vadd.s32 v15, v16;
	v0 =	vld.idx.msk [tilespmem:v47+s4+$0x0], $0xffff  }
0x111: {  	v6 =	vadd.s32 v15, v17;
	v1 =	vld.idx.msk [tilespmem:v48+s4+$0x0], $0xffff  }
0x112: {  	v25 =	vadd.s32 v15, v22;
	v2 =	vld.idx.msk [tilespmem:v2+s4+$0x0], $0xffff  }
0x113: {  	v24 =	vadd.s32 v7, v23;
	v3 =	vld.idx.msk [tilespmem:v3+s4+$0x0], $0xffff  }
0x114: {  	v4 =	vld.idx.msk [tilespmem:v4+s4+$0x0], $0xffff  }
0x115: {  	s20 =	simm.s32 $0xAD00;
	v26 =	vadd.s32 v7, v21;
	v5 =	vld.idx.msk [tilespmem:v5+s4+$0x0], $0xffff  }
0x116: {  	v6 =	vld.idx.msk [tilespmem:v6+s4+$0x0], $0xffff;
	[tilespmem:s20+$0xFFFFFE70] =	vst v0  }
0x117: {  	v27 =	vadd.s32 v7, v20;
	v50 =	vld.idx.msk [tilespmem:v25+s4+$0x0], $0xffff;
	[tilespmem:s20+$0xFFFFFE10] =	vst v1  }
0x118: {  	v28 =	vadd.s32 v7, v19;
	[tilespmem:s20+$0xFFFFFE20] =	vst v2;
	v24 =	vld.idx.msk [tilespmem:v24+s4+$0x0], $0xffff  }
0x119: {  	v49 =	vadd.s32 v7, v18;
	v8 =	vld [tilespmem:$0x1FF10];
	[tilespmem:s20+$0xFFFFFE30] =	vst v3  }
0x11a: {  	v29 =	vadd.s32 v7, v16;
	v51 =	vld.idx.msk [tilespmem:v26+s4+$0x0], $0xffff;
	[tilespmem:s20+$0xFFFFFE40] =	vst v4  }
0x11b: {  	[tilespmem:s20+$0xFFFFFE50] =	vst v5  }
0x11c: {  	v26 =	vadd.s32 v7, v22;
	v52 =	vld.idx.msk [tilespmem:v27+s4+$0x0], $0xffff;
	[tilespmem:s20+$0xFFFFFE00] =	vst v50  }
0x11d: {  	v27 =	vadd.s32 v7, v17;
	[tilespmem:s20+$0xFFFFFE60] =	vst v6;
	v4 =	vld.idx.msk [tilespmem:v28+s4+$0x0], $0xffff  }
0x11e: {  	v0 =	vld.idx.msk [tilespmem:v49+s4+$0x0], $0xffff;
	v25 =	vadd.s32 v8, v23;
	[tilespmem:s20+$0xFFFFFEF0] =	vst v24  }
0x11f: {  	v29 =	vld.idx.msk [tilespmem:v29+s4+$0x0], $0xffff;
	v53 =	vadd.s32 v8, v21;
	[tilespmem:s20+$0xFFFFFE90] =	vst v51  }
0x120: {  	v5 =	vadd.s32 v8, v20;
	v9 =	vld [tilespmem:$0x1FF20]  }
0x121: {  	v24 =	vadd.s32 v8, v19;
	v6 =	vld.idx.msk [tilespmem:v26+s4+$0x0], $0xffff  }
0x122: {  	v55 =	vld.idx.msk [tilespmem:v27+s4+$0x0], $0xffff;
	v57 =	vadd.s32 v8, v16  }
0x123: {  	v27 =	vadd.s32 v8, v22;
	v54 =	vld.idx.msk [tilespmem:v25+s4+$0x0], $0xffff  }
0x124: {  	[tilespmem:s20+$0xFFFFFEA0] =	vst v52;
	v25 =	vadd.s32 v8, v18;
	v56 =	vld.idx.msk [tilespmem:v53+s4+$0x0], $0xffff  }
0x125: {  	[tilespmem:s20+$0xFFFFFEB0] =	vst v4;
	v4 =	vld.idx.msk [tilespmem:v5+s4+$0x0], $0xffff;
	v26 =	vadd.s32 v9, v23  }
0x126: {  	[tilespmem:s20+$0xFFFFFED0] =	vst v29;
	v58 =	vld.idx.msk [tilespmem:v24+s4+$0x0], $0xffff  }
0x127: {  	v5 =	vadd.s32 v8, v17;
	[tilespmem:s20+$0xFFFFFE80] =	vst v6;
	v60 =	vld.idx.msk [tilespmem:v57+s4+$0x0], $0xffff  }
0x128: {  	[tilespmem:s20+$0xFFFFFEC0] =	vst v0;
	v24 =	vadd.s32 v9, v21;
	v27 =	vld.idx.msk [tilespmem:v27+s4+$0x0], $0xffff  }
0x129: {  	v59 =	vadd.s32 v9, v20;
	v25 =	vld.idx.msk [tilespmem:v25+s4+$0x0], $0xffff;
	[tilespmem:s20+$0xFFFFFF70] =	vst v54  }
0x12a: {  	[tilespmem:s20+$0xFFFFFEE0] =	vst v55;
	v62 =	vadd.s32 v9, v22;
	v6 =	vld.idx.msk [tilespmem:v26+s4+$0x0], $0xffff  }
0x12b: {  	v26 =	vadd.s32 v9, v19;
	v10 =	vld [tilespmem:$0x1FF30];
	[tilespmem:s20+$0xFFFFFF10] =	vst v56  }
0x12c: {  	v63 =	vld.idx.msk [tilespmem:v5+s4+$0x0], $0xffff;
	v5 =	vadd.s32 v9, v18;
	[tilespmem:s20+$0xFFFFFF20] =	vst v4  }
0x12d: {  	[tilespmem:s20+$0xFFFFFF30] =	vst v58;
	v4 =	vld.idx.msk [tilespmem:v24+s4+$0x0], $0xffff  }
0x12e: {  	[tilespmem:s20+$0xFFFFFF00] =	vst v27;
	v24 =	vadd.s32 v9, v16;
	v32 =	vld.idx.msk [tilespmem:v59+s4+$0x0], $0xffff  }
0x12f: {  	v33 =	vadd.s32 v9, v17;
	[tilespmem:s20+$0xFFFFFF40] =	vst v25;
	v25 =	vld.idx.msk [tilespmem:v62+s4+$0x0], $0xffff  }
0x130: {  	[tilespmem:s20+$0xFFFFFF50] =	vst v60;
	v61 =	vadd.s32 v10, v23;
	v26 =	vld.idx.msk [tilespmem:v26+s4+$0x0], $0xffff  }
0x131: {  	[tilespmem:s20+$0xFFFFFFF0] =	vst v6;
	v6 =	vadd.s32 v10, v21;
	v35 =	vld.idx.msk [tilespmem:v5+s4+$0x0], $0xffff  }
0x132: {  	v34 =	vadd.s32 v10, v20;
	v11 =	vld [tilespmem:$0x1FF40]  }
0x133: {  	v36 =	vadd.s32 v10, v22;
	[tilespmem:s20+$0xFFFFFF60] =	vst v63;
	v37 =	vld.idx.msk [tilespmem:v24+s4+$0x0], $0xffff  }
0x134: {  	v24 =	vadd.s32 v10, v19;
	v1 =	vld.idx.msk [tilespmem:v33+s4+$0x0], $0xffff  }
0x135: {  	[tilespmem:s20+$0xFFFFFF90] =	vst v4;
	v4 =	vadd.s32 v10, v18;
	v27 =	vld.idx.msk [tilespmem:v61+s4+$0x0], $0xffff  }
0x136: {  	[tilespmem:s20+$0xFFFFFFA0] =	vst v32;
	v38 =	vld.idx.msk [tilespmem:v6+s4+$0x0], $0xffff  }
0x137: {  	[tilespmem:s20+$0xFFFFFF80] =	vst v25;
	v28 =	vld.idx.msk [tilespmem:v34+s4+$0x0], $0xffff;
	v5 =	vadd.s32 v11, v23  }
0x138: {  	v6 =	vadd.s32 v10, v16;
	[tilespmem:s20+$0xFFFFFFB0] =	vst v26;
	v26 =	vld.idx.msk [tilespmem:v36+s4+$0x0], $0xffff  }
0x139: {  	[tilespmem:s20+$0xFFFFFFC0] =	vst v35;
	v25 =	vadd.s32 v11, v21;
	v39 =	vld.idx.msk [tilespmem:v24+s4+$0x0], $0xffff  }
0x13a: {  	v41 =	vld.idx.msk [tilespmem:v4+s4+$0x0], $0xffff;
	[tilespmem:s20+$0x70] =	vst v27;
	v27 =	vadd.s32 v10, v17  }
0x13b: {  	v40 =	vadd.s32 v11, v22;
	v12 =	vld [tilespmem:$0x1FF50];
	[tilespmem:s20+$0xFFFFFFD0] =	vst v37  }
0x13c: {  	v4 =	vadd.s32 v11, v20;
	v5 =	vld.idx.msk [tilespmem:v5+s4+$0x0], $0xffff;
	[tilespmem:s20+$0xFFFFFFE0] =	vst v1  }
0x13d: {  	[tilespmem:s20+$0x10] =	vst v38;
	v42 =	vld.idx.msk [tilespmem:v6+s4+$0x0], $0xffff  }
0x13e: {  	[tilespmem:s20+$0x0] =	vst v26;
	v6 =	vadd.s32 v11, v19;
	v25 =	vld.idx.msk [tilespmem:v25+s4+$0x0], $0xffff  }
0x13f: {  	[tilespmem:s20+$0x20] =	vst v28;
	v43 =	vld.idx.msk [tilespmem:v27+s4+$0x0], $0xffff;
	v27 =	vadd.s32 v11, v18  }
0x140: {  	[tilespmem:s20+$0x30] =	vst v39;
	v44 =	vld.idx.msk [tilespmem:v40+s4+$0x0], $0xffff;
	v24 =	vadd.s32 v12, v23  }
0x141: {  	v45 =	vld.idx.msk [tilespmem:v4+s4+$0x0], $0xffff;
	[tilespmem:s20+$0xF0] =	vst v5;
	v5 =	vadd.s32 v11, v16  }
0x142: {  	v26 =	vadd.s32 v11, v17;
	v13 =	vld [tilespmem:$0x1FF60]  }
0x143: {  	[tilespmem:s20+$0x40] =	vst v41;
	v46 =	vld.idx.msk [tilespmem:v6+s4+$0x0], $0xffff;
	v6 =	vadd.s32 v12, v21  }
0x144: {  	v47 =	vld.idx.msk [tilespmem:v27+s4+$0x0], $0xffff  }
0x145: {  	[tilespmem:s20+$0x50] =	vst v42;
	v27 =	vadd.s32 v12, v20;
	v24 =	vld.idx.msk [tilespmem:v24+s4+$0x0], $0xffff  }
0x146: {  	[tilespmem:s20+$0x60] =	vst v43;
	v48 =	vld.idx.msk [tilespmem:v5+s4+$0x0], $0xffff;
	v5 =	vadd.s32 v12, v19  }
0x147: {  	[tilespmem:s20+$0x90] =	vst v25;
	v26 =	vld.idx.msk [tilespmem:v26+s4+$0x0], $0xffff  }
0x148: {  	s31 =	simm.s32 $0x1BC0;
	v4 =	vadd.s32 v13, v23;
	v50 =	vld.idx.msk [tilespmem:v6+s4+$0x0], $0xffff  }
0x149: {  	[tilespmem:s20+$0xA0] =	vst v45;
	v23 =	vadd.s32 v12, v22;
	v6 =	vadd.s32 v13, v22;
	v22 =	vld [tilespmem:s31+$0xFFFFFFE0]  }
0x14a: {  	v25 =	vadd.s32 v12, v17;
	[tilespmem:s20+$0xB0] =	vst v46;
	v51 =	vld.idx.msk [tilespmem:v27+s4+$0x0], $0xffff  }
0x14b: {  	v52 =	vld.idx.msk [tilespmem:v5+s4+$0x0], $0xffff  }
0x14c: {  	v21 =	vadd.s32 v13, v21;
	[tilespmem:s20+$0x170] =	vst v24;
	v5 =	vadd.s32 v13, v20;
	v20 =	vld [tilespmem:s31+$0x0]  }
0x14d: {  	[tilespmem:s20+$0x80] =	vst v44;
	v4 =	vld.idx.msk [tilespmem:v4+s4+$0x0], $0xffff  }
0x14e: {  	v24 =	vadd.s32 v12, v18;
	[tilespmem:s20+$0xE0] =	vst v26;
	v23 =	vld.idx.msk [tilespmem:v23+s4+$0x0], $0xffff  }
0x14f: {  	v49 =	vadd.s32 v12, v16;
	v26 =	vld.idx.msk [tilespmem:v25+s4+$0x0], $0xffff  }
0x150: {  	[tilespmem:s20+$0x110] =	vst v50;
	v25 =	vld [tilespmem:s31+$0x30]  }
0x151: {  	v19 =	vadd.s32 v13, v19;
	v2 =	vld.idx.msk [tilespmem:v21+s4+$0x0], $0xffff  }
0x152: {  	[tilespmem:s20+$0xC0] =	vst v47;
	v21 =	vld [tilespmem:s31+$0xFFFFFFF0]  }
0x153: {  	[tilespmem:s20+$0xD0] =	vst v48;
	v53 =	vld.idx.msk [tilespmem:v24+s4+$0x0], $0xffff  }
0x154: {  	v55 =	vadd.s32 v15, v22;
	[tilespmem:s20+$0x120] =	vst v51;
	v24 =	vld.idx.msk [tilespmem:v49+s4+$0x0], $0xffff  }
0x155: {  	v3 =	vld.idx.msk [tilespmem:v5+s4+$0x0], $0xffff;
	[tilespmem:s20+$0x130] =	vst v52  }
0x156: {  	v1 =	vld.idx.msk [tilespmem:v19+s4+$0x0], $0xffff  }
0x157: {  	v18 =	vadd.s32 v13, v18;
	[tilespmem:s20+$0x100] =	vst v23;
	v23 =	vld [tilespmem:s31+$0xFFFFFFD0]  }
0x158: {  	v19 =	vld [tilespmem:s31+$0x20]  }
0x159: {  	v5 =	vadd.s32 v13, v16;
	[tilespmem:s20+$0x160] =	vst v26;
	v57 =	vld.idx.msk [tilespmem:v55+s4+$0x0], $0xffff  }
0x15a: {  	v17 =	vadd.s32 v13, v17;
	v6 =	vld.idx.msk [tilespmem:v6+s4+$0x0], $0xffff;
	[tilespmem:s20+$0x140] =	vst v53  }
0x15b: {  	v26 =	vadd.s32 v15, v21;
	[tilespmem:s20+$0x150] =	vst v24;
	v24 =	vld [tilespmem:s31+$0xFFFFFFC0]  }
0x15c: {  	v27 =	vadd.s32 v15, v25;
	v0 =	vld.idx.msk [tilespmem:v18+s4+$0x0], $0xffff  }
0x15d: {  	v18 =	vld [tilespmem:s31+$0x10];
	v54 =	vadd.s32 v15, v23  }
0x15e: {  	v16 =	vld.idx.msk [tilespmem:v5+s4+$0x0], $0xffff;
	v5 =	vadd.s32 v15, v20  }
0x15f: {  	[tilespmem:s20+$0x1F0] =	vst v4;
	v17 =	vld.idx.msk [tilespmem:v17+s4+$0x0], $0xffff;
	v56 =	vadd.s32 v15, v19  }
0x160: {  	v61 =	vadd.s32 v7, v22;
	[tilespmem:s20+$0x190] =	vst v2;
	v26 =	vld.idx.msk [tilespmem:v26+s4+$0x0], $0xffff  }
0x161: {  	v30 =	vadd.s32 v7, v21;
	[tilespmem:s20+$0x1A0] =	vst v3;
	v27 =	vld.idx.msk [tilespmem:v27+s4+$0x0], $0xffff  }
0x162: {  	s21 =	simm.s32 $0xB100;
	[tilespmem:s20+$0x180] =	vst v6;
	v59 =	vadd.s32 v15, v24;
	v6 =	vld.idx.msk [tilespmem:v54+s4+$0x0], $0xffff  }
0x163: {  	[tilespmem:s21+$0xFFFFFE20] =	vst v57;
	v4 =	vadd.s32 v15, v18;
	v5 =	vld.idx.msk [tilespmem:v5+s4+$0x0], $0xffff  }
0x164: {  	v58 =	vadd.s32 v7, v25;
	[tilespmem:s20+$0x1C0] =	vst v0;
	v28 =	vld.idx.msk [tilespmem:v56+s4+$0x0], $0xffff  }
0x165: {  	v60 =	vadd.s32 v7, v23;
	v0 =	vld.idx.msk [tilespmem:v61+s4+$0x0], $0xffff;
	[tilespmem:s21+$0xFFFFFE30] =	vst v26  }
0x166: {  	[tilespmem:s21+$0xFFFFFE70] =	vst v27;
	v27 =	vadd.s32 v7, v20;
	v30 =	vld.idx.msk [tilespmem:v30+s4+$0x0], $0xffff  }
0x167: {  	v33 =	vadd.s32 v8, v22;
	[tilespmem:s20+$0x1B0] =	vst v1;
	v3 =	vld.idx.msk [tilespmem:v59+s4+$0x0], $0xffff  }
0x168: {  	v26 =	vadd.s32 v7, v24;
	v4 =	vld.idx.msk [tilespmem:v4+s4+$0x0], $0xffff;
	[tilespmem:s21+$0xFFFFFE10] =	vst v6  }
0x169: {  	v6 =	vld.idx.msk [tilespmem:v58+s4+$0x0], $0xffff;
	[tilespmem:s21+$0xFFFFFE40] =	vst v5;
	v5 =	vadd.s32 v7, v19  }
0x16a: {  	v62 =	vadd.s32 v7, v18;
	[tilespmem:s21+$0xFFFFFE60] =	vst v28;
	v1 =	vld.idx.msk [tilespmem:v60+s4+$0x0], $0xffff  }
0x16b: {  	v63 =	vadd.s32 v8, v25;
	[tilespmem:s21+$0xFFFFFEA0] =	vst v0;
	v27 =	vld.idx.msk [tilespmem:v27+s4+$0x0], $0xffff  }
0x16c: {  	v34 =	vadd.s32 v8, v20;
	v28 =	vld.idx.msk [tilespmem:v33+s4+$0x0], $0xffff;
	[tilespmem:s21+$0xFFFFFE00] =	vst v3  }
0x16d: {  	[tilespmem:s21+$0xFFFFFE50] =	vst v4;
	v4 =	vadd.s32 v8, v23;
	v26 =	vld.idx.msk [tilespmem:v26+s4+$0x0], $0xffff  }
0x16e: {  	[tilespmem:s21+$0xFFFFFEF0] =	vst v6;
	v6 =	vadd.s32 v8, v21;
	v35 =	vld.idx.msk [tilespmem:v5+s4+$0x0], $0xffff  }
0x16f: {  	[tilespmem:s21+$0xFFFFFEB0] =	vst v30;
	v5 =	vadd.s32 v8, v24;
	v29 =	vld.idx.msk [tilespmem:v62+s4+$0x0], $0xffff  }
0x170: {  	v2 =	vld.idx.msk [tilespmem:v63+s4+$0x0], $0xffff;
	[tilespmem:s21+$0xFFFFFEC0] =	vst v27;
	v27 =	vadd.s32 v8, v19  }
0x171: {  	v39 =	vadd.s32 v9, v22;
	[tilespmem:s21+$0xFFFFFE90] =	vst v1;
	v3 =	vld.idx.msk [tilespmem:v34+s4+$0x0], $0xffff  }
0x172: {  	v36 =	vadd.s32 v9, v25;
	[tilespmem:s21+$0xFFFFFF20] =	vst v28;
	v4 =	vld.idx.msk [tilespmem:v4+s4+$0x0], $0xffff  }
0x173: {  	v42 =	vadd.s32 v9, v20;
	v6 =	vld.idx.msk [tilespmem:v6+s4+$0x0], $0xffff;
	[tilespmem:s21+$0xFFFFFE80] =	vst v26  }
0x174: {  	v37 =	vadd.s32 v8, v18;
	[tilespmem:s21+$0xFFFFFEE0] =	vst v35;
	v5 =	vld.idx.msk [tilespmem:v5+s4+$0x0], $0xffff  }
0x175: {  	v38 =	vadd.s32 v9, v23;
	[tilespmem:s21+$0xFFFFFED0] =	vst v29;
	v27 =	vld.idx.msk [tilespmem:v27+s4+$0x0], $0xffff  }
0x176: {  	v26 =	vadd.s32 v9, v21;
	[tilespmem:s21+$0xFFFFFF70] =	vst v2;
	v2 =	vld.idx.msk [tilespmem:v39+s4+$0x0], $0xffff  }
0x177: {  	v41 =	vadd.s32 v9, v24;
	v1 =	vld.idx.msk [tilespmem:v36+s4+$0x0], $0xffff;
	[tilespmem:s21+$0xFFFFFF40] =	vst v3  }
0x178: {  	v43 =	vadd.s32 v9, v19;
	v45 =	vld.idx.msk [tilespmem:v42+s4+$0x0], $0xffff;
	[tilespmem:s21+$0xFFFFFF10] =	vst v4  }
0x179: {  	v49 =	vadd.s32 v10, v20;
	v40 =	vld.idx.msk [tilespmem:v37+s4+$0x0], $0xffff;
	[tilespmem:s21+$0xFFFFFF30] =	vst v6  }
0x17a: {  	v4 =	vadd.s32 v10, v25;
	v29 =	vld.idx.msk [tilespmem:v38+s4+$0x0], $0xffff;
	[tilespmem:s21+$0xFFFFFF00] =	vst v5  }
0x17b: {  	v6 =	vadd.s32 v9, v18;
	v26 =	vld.idx.msk [tilespmem:v26+s4+$0x0], $0xffff;
	[tilespmem:s21+$0xFFFFFF60] =	vst v27  }
0x17c: {  	v5 =	vadd.s32 v10, v22;
	[tilespmem:s21+$0xFFFFFFA0] =	vst v2;
	v30 =	vld.idx.msk [tilespmem:v41+s4+$0x0], $0xffff  }
0x17d: {  	v46 =	vadd.s32 v10, v24;
	v48 =	vld.idx.msk [tilespmem:v43+s4+$0x0], $0xffff;
	[tilespmem:s21+$0xFFFFFFC0] =	vst v45  }
0x17e: {  	v44 =	vadd.s32 v10, v23;
	[tilespmem:s21+$0xFFFFFFF0] =	vst v1;
	v3 =	vld.idx.msk [tilespmem:v49+s4+$0x0], $0xffff  }
0x17f: {  	v47 =	vadd.s32 v10, v21;
	[tilespmem:s21+$0xFFFFFF50] =	vst v40;
	v4 =	vld.idx.msk [tilespmem:v4+s4+$0x0], $0xffff  }
0x180: {  	v27 =	vadd.s32 v11, v25;
	v6 =	vld.idx.msk [tilespmem:v6+s4+$0x0], $0xffff;
	[tilespmem:s21+$0xFFFFFFB0] =	vst v26  }
0x181: {  	v26 =	vadd.s32 v10, v18;
	v5 =	vld.idx.msk [tilespmem:v5+s4+$0x0], $0xffff;
	[tilespmem:s21+$0xFFFFFF80] =	vst v30  }
0x182: {  	v53 =	vadd.s32 v11, v22;
	[tilespmem:s21+$0xFFFFFF90] =	vst v29;
	v28 =	vld.idx.msk [tilespmem:v46+s4+$0x0], $0xffff  }
0x183: {  	v52 =	vadd.s32 v11, v24;
	v1 =	vld.idx.msk [tilespmem:v44+s4+$0x0], $0xffff;
	[tilespmem:s21+$0xFFFFFFE0] =	vst v48  }
0x184: {  	v51 =	vld.idx.msk [tilespmem:v47+s4+$0x0], $0xffff;
	[tilespmem:s21+$0x70] =	vst v4;
	v4 =	vadd.s32 v10, v19  }
0x185: {  	v50 =	vadd.s32 v11, v23;
	[tilespmem:s21+$0xFFFFFFD0] =	vst v6;
	v27 =	vld.idx.msk [tilespmem:v27+s4+$0x0], $0xffff  }
0x186: {  	v54 =	vld.idx.msk [tilespmem:v26+s4+$0x0], $0xffff;
	v26 =	vadd.s32 v11, v21;
	[tilespmem:s21+$0x20] =	vst v5  }
0x187: {  	v6 =	vadd.s32 v12, v25;
	v56 =	vld.idx.msk [tilespmem:v53+s4+$0x0], $0xffff;
	[tilespmem:s21+$0x0] =	vst v28  }
0x188: {  	v5 =	vadd.s32 v11, v20;
	[tilespmem:s21+$0x10] =	vst v1;
	v29 =	vld.idx.msk [tilespmem:v52+s4+$0x0], $0xffff  }
0x189: {  	v58 =	vadd.s32 v12, v24;
	[tilespmem:s21+$0x30] =	vst v51;
	v4 =	vld.idx.msk [tilespmem:v4+s4+$0x0], $0xffff  }
0x18a: {  	v30 =	vld.idx.msk [tilespmem:v50+s4+$0x0], $0xffff;
	[tilespmem:s21+$0xF0] =	vst v27;
	v27 =	vadd.s32 v11, v18  }
0x18b: {  	v57 =	vadd.s32 v13, v25;
	v59 =	vadd.s32 v12, v23;
	[tilespmem:s21+$0x40] =	vst v3;
	v25 =	vld.idx.msk [tilespmem:v26+s4+$0x0], $0xffff  }
0x18c: {  	v55 =	vadd.s32 v11, v19;
	[tilespmem:s21+$0x50] =	vst v54;
	v6 =	vld.idx.msk [tilespmem:v6+s4+$0x0], $0xffff  }
0x18d: {  	v5 =	vld.idx.msk [tilespmem:v5+s4+$0x0], $0xffff;
	[tilespmem:s21+$0x80] =	vst v29  }
0x18e: {  	[tilespmem:s21+$0x60] =	vst v4;
	v4 =	vadd.s32 v12, v22;
	v3 =	vld.idx.msk [tilespmem:v58+s4+$0x0], $0xffff  }
0x18f: {  	[tilespmem:s21+$0x90] =	vst v30;
	v26 =	vld.idx.msk [tilespmem:v27+s4+$0x0], $0xffff;
	v27 =	vadd.s32 v12, v21  }
0x190: {  	v1 =	vld.idx.msk [tilespmem:v59+s4+$0x0], $0xffff;
	[tilespmem:s21+$0xB0] =	vst v25;
	v25 =	vadd.s32 v13, v24  }
0x191: {  	v28 =	vld.idx.msk [tilespmem:v55+s4+$0x0], $0xffff;
	[tilespmem:s21+$0x170] =	vst v6;
	v6 =	vadd.s32 v12, v20  }
0x192: {  	v60 =	vadd.s32 v12, v18;
	[tilespmem:s21+$0xA0] =	vst v56;
	v2 =	vld.idx.msk [tilespmem:v57+s4+$0x0], $0xffff  }
0x193: {  	v61 =	vadd.s32 v12, v19;
	[tilespmem:s21+$0xC0] =	vst v5;
	v4 =	vld.idx.msk [tilespmem:v4+s4+$0x0], $0xffff  }
0x194: {  	v5 =	vadd.s32 v13, v23;
	[tilespmem:s21+$0x100] =	vst v3;
	v27 =	vld.idx.msk [tilespmem:v27+s4+$0x0], $0xffff  }
0x195: {  	[tilespmem:s21+$0xD0] =	vst v26;
	v26 =	vadd.s32 v13, v22;
	v22 =	vld.idx.msk [tilespmem:v25+s4+$0x0], $0xffff  }
0x196: {  	v21 =	vadd.s32 v13, v21;
	[tilespmem:s21+$0x110] =	vst v1;
	v6 =	vld.idx.msk [tilespmem:v6+s4+$0x0], $0xffff  }
0x197: {  	v63 =	vadd.s32 v13, v20;
	[tilespmem:s21+$0xE0] =	vst v28;
	v62 =	vld.idx.msk [tilespmem:v60+s4+$0x0], $0xffff  }
0x198: {  	v24 =	vld.idx.msk [tilespmem:v61+s4+$0x0], $0xffff;
	[tilespmem:s21+$0x1F0] =	vst v2  }
0x199: {  	v23 =	vld.idx.msk [tilespmem:v5+s4+$0x0], $0xffff;
	[tilespmem:s21+$0x120] =	vst v4  }
0x19a: {  	v26 =	vld.idx.msk [tilespmem:v26+s4+$0x0], $0xffff;
	[tilespmem:s21+$0x130] =	vst v27  }
0x19b: {  	v21 =	vld.idx.msk [tilespmem:v21+s4+$0x0], $0xffff;
	[tilespmem:s21+$0x140] =	vst v6  }
0x19c: {  	s22 =	simm.s32 $0x80;
	s23 =	simm.s32 $0x1C40;
	v19 =	vadd.s32 v13, v19;
	v20 =	vadd.s32 v13, v18;
	[tilespmem:s21+$0x150] =	vst v62;
	v25 =	vld.idx.msk [tilespmem:v63+s4+$0x0], $0xffff  }
.LBB2_4:
0x19d: {  	v18 =	vld [tilespmem:s23+$0x30];
	s22 =	sadd.s32 $0x80, s22;
	[tilespmem:s21+$0x160] =	vst v24  }
0x19e: {  	v0 =	vld [tilespmem:s23+$0xFFFFFFD0];
	p0 =	slt.u32 s22, $0xF80;
	[tilespmem:s21+$0x180] =	vst v22  }
0x19f: {  	v1 =	vld [tilespmem:s23+$0xFFFFFFE0];
	[tilespmem:s21+$0x190] =	vst v23  }
0x1a0: {  	v2 =	vld [tilespmem:s23+$0xFFFFFFF0];
	[tilespmem:s21+$0x1A0] =	vst v26  }
0x1a1: {  	v3 =	vld [tilespmem:s23+$0x0];
	[tilespmem:s21+$0x1B0] =	vst v21  }
0x1a2: {  	v4 =	vld [tilespmem:s23+$0x10];
	v5 =	vadd.s32 v15, v18;
	[tilespmem:s21+$0x1C0] =	vst v25  }
0x1a3: {  	v6 =	vadd.s32 v15, v0;
	v21 =	vadd.s32 v7, v0;
	v23 =	vadd.s32 v8, v0;
	v33 =	vld [tilespmem:s23+$0x20];
	[tilespmem:s20+$0x1D0] =	vst v16  }
0x1a4: {  	v25 =	vld [tilespmem:s23+$0xFFFFFFC0];
	v22 =	vadd.s32 v15, v1;
	v24 =	vadd.s32 v7, v1;
	v29 =	vadd.s32 v8, v1;
	[tilespmem:s20+$0x1E0] =	vst v17;
	s20 =	smov.u32 s21  }
0x1a5: {  	v26 =	vadd.s32 v15, v2;
	v27 =	vadd.s32 v7, v2;
	v34 =	vadd.s32 v8, v2;
	v16 =	vld.idx.msk [tilespmem:v20+s4+$0x0], $0xffff  }
0x1a6: {  	v20 =	vadd.s32 v15, v3;
	v28 =	vadd.s32 v7, v3;
	v35 =	vadd.s32 v8, v3;
	v17 =	vld.idx.msk [tilespmem:v19+s4+$0x0], $0xffff  }
0x1a7: {  	v19 =	vadd.s32 v15, v4;
	v31 =	vadd.s32 v7, v4;
	v36 =	vadd.s32 v8, v4;
	v5 =	vld.idx.msk [tilespmem:v5+s4+$0x0], $0xffff  }
0x1a8: {  	v6 =	vld.idx.msk [tilespmem:v6+s4+$0x0], $0xffff;
	v30 =	vadd.s32 v15, v33;
	v37 =	vadd.s32 v7, v33;
	v38 =	vadd.s32 v8, v33  }
0x1a9: {  	v40 =	vadd.s32 v7, v18;
	v32 =	vadd.s32 v15, v25;
	v39 =	vadd.s32 v7, v25;
	v22 =	vld.idx.msk [tilespmem:v22+s4+$0x0], $0xffff  }
0x1aa: {  	v43 =	vadd.s32 v9, v0;
	v41 =	vadd.s32 v8, v25;
	v42 =	vadd.s32 v9, v25;
	v26 =	vld.idx.msk [tilespmem:v26+s4+$0x0], $0xffff  }
0x1ab: {  	v44 =	vadd.s32 v9, v1;
	v45 =	vadd.s32 v9, v2;
	v46 =	vadd.s32 v9, v3;
	v20 =	vld.idx.msk [tilespmem:v20+s4+$0x0], $0xffff  }
0x1ac: {  	s21 =	sadd.s32 $0x400, s21;
	v48 =	vadd.s32 v9, v4;
	v49 =	vadd.s32 v9, v33;
	v47 =	vadd.s32 v10, v25;
	v19 =	vld.idx.msk [tilespmem:v19+s4+$0x0], $0xffff  }
0x1ad: {  	v50 =	vadd.s32 v10, v0;
	v51 =	vadd.s32 v10, v1;
	v30 =	vld.idx.msk [tilespmem:v30+s4+$0x0], $0xffff;
	[tilespmem:s21+$0xFFFFFE70] =	vst v5  }
0x1ae: {  	v5 =	vadd.s32 v10, v2;
	[tilespmem:s21+$0xFFFFFE10] =	vst v6;
	v6 =	vadd.s32 v10, v3;
	v40 =	vld.idx.msk [tilespmem:v40+s4+$0x0], $0xffff  }
0x1af: {  	v52 =	vadd.s32 v10, v4;
	v53 =	vadd.s32 v10, v33;
	v32 =	vld.idx.msk [tilespmem:v32+s4+$0x0], $0xffff;
	[tilespmem:s21+$0xFFFFFE20] =	vst v22  }
0x1b0: {  	v54 =	vadd.s32 v11, v25;
	v21 =	vld.idx.msk [tilespmem:v21+s4+$0x0], $0xffff;
	[tilespmem:s21+$0xFFFFFE30] =	vst v26;
	v26 =	vadd.s32 v8, v18  }
0x1b1: {  	v55 =	vadd.s32 v11, v0;
	v57 =	vadd.s32 v11, v1;
	v56 =	vld.idx.msk [tilespmem:v24+s4+$0x0], $0xffff;
	[tilespmem:s21+$0xFFFFFE40] =	vst v20  }
0x1b2: {  	v58 =	vadd.s32 v11, v2;
	v59 =	vadd.s32 v11, v3;
	v20 =	vld.idx.msk [tilespmem:v27+s4+$0x0], $0xffff;
	[tilespmem:s21+$0xFFFFFE50] =	vst v19  }
0x1b3: {  	v60 =	vadd.s32 v11, v4;
	v61 =	vadd.s32 v11, v33;
	v19 =	vld.idx.msk [tilespmem:v28+s4+$0x0], $0xffff;
	[tilespmem:s21+$0xFFFFFE60] =	vst v30  }
0x1b4: {  	v22 =	vadd.s32 v12, v0;
	v30 =	vadd.s32 v12, v25;
	v62 =	vld.idx.msk [tilespmem:v31+s4+$0x0], $0xffff;
	[tilespmem:s21+$0xFFFFFEF0] =	vst v40  }
0x1b5: {  	v24 =	vadd.s32 v12, v2;
	v31 =	vadd.s32 v12, v1;
	[tilespmem:s21+$0xFFFFFE00] =	vst v32;
	v40 =	vld.idx.msk [tilespmem:v26+s4+$0x0], $0xffff  }
0x1b6: {  	v32 =	vadd.s32 v12, v3;
	v26 =	vadd.s32 v12, v4;
	v39 =	vld.idx.msk [tilespmem:v39+s4+$0x0], $0xffff;
	[tilespmem:s21+$0xFFFFFE90] =	vst v21  }
0x1b7: {  	v27 =	vadd.s32 v12, v33;
	[tilespmem:s21+$0xFFFFFEA0] =	vst v56;
	v37 =	vld.idx.msk [tilespmem:v37+s4+$0x0], $0xffff;
	v56 =	vadd.s32 v9, v18  }
0x1b8: {  	v28 =	vadd.s32 v13, v25;
	v63 =	vld.idx.msk [tilespmem:v23+s4+$0x0], $0xffff;
	v23 =	vadd.s32 v13, v0;
	[tilespmem:s21+$0xFFFFFEB0] =	vst v20  }
0x1b9: {  	v21 =	vadd.s32 v13, v2;
	v0 =	vld.idx.msk [tilespmem:v29+s4+$0x0], $0xffff;
	v29 =	vadd.s32 v13, v1;
	[tilespmem:s21+$0xFFFFFEC0] =	vst v19  }
0x1ba: {  	v25 =	vadd.s32 v13, v3;
	v20 =	vadd.s32 v13, v4;
	v1 =	vld.idx.msk [tilespmem:v34+s4+$0x0], $0xffff;
	[tilespmem:s21+$0xFFFFFED0] =	vst v62  }
0x1bb: {  	v19 =	vadd.s32 v13, v33;
	v2 =	vld.idx.msk [tilespmem:v35+s4+$0x0], $0xffff;
	[tilespmem:s21+$0xFFFFFF70] =	vst v40  }
0x1bc: {  	[tilespmem:s21+$0xFFFFFE80] =	vst v39;
	v3 =	vld.idx.msk [tilespmem:v56+s4+$0x0], $0xffff  }
0x1bd: {  	v4 =	vld.idx.msk [tilespmem:v41+s4+$0x0], $0xffff;
	[tilespmem:s21+$0xFFFFFEE0] =	vst v37  }
0x1be: {  	v34 =	vadd.s32 v10, v18;
	[tilespmem:s21+$0xFFFFFF10] =	vst v63;
	v33 =	vld.idx.msk [tilespmem:v36+s4+$0x0], $0xffff  }
0x1bf: {  	[tilespmem:s21+$0xFFFFFF20] =	vst v0;
	v0 =	vld.idx.msk [tilespmem:v38+s4+$0x0], $0xffff  }
0x1c0: {  	v35 =	vld.idx.msk [tilespmem:v43+s4+$0x0], $0xffff;
	[tilespmem:s21+$0xFFFFFF30] =	vst v1  }
0x1c1: {  	v1 =	vld.idx.msk [tilespmem:v44+s4+$0x0], $0xffff;
	[tilespmem:s21+$0xFFFFFF40] =	vst v2  }
0x1c2: {  	v2 =	vld.idx.msk [tilespmem:v45+s4+$0x0], $0xffff;
	[tilespmem:s21+$0xFFFFFFF0] =	vst v3  }
0x1c3: {  	[tilespmem:s21+$0xFFFFFF00] =	vst v4;
	v3 =	vld.idx.msk [tilespmem:v34+s4+$0x0], $0xffff  }
0x1c4: {  	v4 =	vld.idx.msk [tilespmem:v42+s4+$0x0], $0xffff;
	[tilespmem:s21+$0xFFFFFF50] =	vst v33  }
0x1c5: {  	v33 =	vld.idx.msk [tilespmem:v46+s4+$0x0], $0xffff;
	[tilespmem:s21+$0xFFFFFF60] =	vst v0;
	v0 =	vadd.s32 v11, v18  }
0x1c6: {  	[tilespmem:s21+$0xFFFFFF90] =	vst v35;
	v34 =	vld.idx.msk [tilespmem:v48+s4+$0x0], $0xffff  }
0x1c7: {  	[tilespmem:s21+$0xFFFFFFA0] =	vst v1;
	v1 =	vld.idx.msk [tilespmem:v49+s4+$0x0], $0xffff  }
0x1c8: {  	v35 =	vld.idx.msk [tilespmem:v50+s4+$0x0], $0xffff;
	[tilespmem:s21+$0xFFFFFFB0] =	vst v2  }
0x1c9: {  	v2 =	vld.idx.msk [tilespmem:v51+s4+$0x0], $0xffff;
	[tilespmem:s21+$0x70] =	vst v3  }
0x1ca: {  	[tilespmem:s21+$0xFFFFFF80] =	vst v4;
	v0 =	vld.idx.msk [tilespmem:v0+s4+$0x0], $0xffff  }
0x1cb: {  	v3 =	vld.idx.msk [tilespmem:v47+s4+$0x0], $0xffff;
	[tilespmem:s21+$0xFFFFFFC0] =	vst v33  }
0x1cc: {  	v4 =	vld.idx.msk [tilespmem:v5+s4+$0x0], $0xffff;
	[tilespmem:s21+$0xFFFFFFD0] =	vst v34;
	v5 =	vadd.s32 v12, v18  }
0x1cd: {  	v6 =	vld.idx.msk [tilespmem:v6+s4+$0x0], $0xffff;
	[tilespmem:s21+$0xFFFFFFE0] =	vst v1  }
0x1ce: {  	[tilespmem:s21+$0x10] =	vst v35;
	v1 =	vld.idx.msk [tilespmem:v52+s4+$0x0], $0xffff  }
0x1cf: {  	[tilespmem:s21+$0x20] =	vst v2;
	v2 =	vld.idx.msk [tilespmem:v53+s4+$0x0], $0xffff  }
0x1d0: {  	v33 =	vld.idx.msk [tilespmem:v55+s4+$0x0], $0xffff;
	[tilespmem:s21+$0xF0] =	vst v0  }
0x1d1: {  	[tilespmem:s21+$0x0] =	vst v3;
	v0 =	vld.idx.msk [tilespmem:v5+s4+$0x0], $0xffff  }
0x1d2: {  	v3 =	vld.idx.msk [tilespmem:v54+s4+$0x0], $0xffff;
	[tilespmem:s21+$0x30] =	vst v4  }
0x1d3: {  	v5 =	vadd.s32 v13, v18;
	v4 =	vld.idx.msk [tilespmem:v57+s4+$0x0], $0xffff;
	[tilespmem:s21+$0x40] =	vst v6  }
0x1d4: {  	v6 =	vld.idx.msk [tilespmem:v58+s4+$0x0], $0xffff;
	[tilespmem:s21+$0x50] =	vst v1  }
0x1d5: {  	v1 =	vld.idx.msk [tilespmem:v59+s4+$0x0], $0xffff;
	[tilespmem:s21+$0x60] =	vst v2  }
0x1d6: {  	[tilespmem:s21+$0x90] =	vst v33;
	v2 =	vld.idx.msk [tilespmem:v60+s4+$0x0], $0xffff  }
0x1d7: {  	v18 =	vld.idx.msk [tilespmem:v61+s4+$0x0], $0xffff;
	[tilespmem:s21+$0x170] =	vst v0  }
0x1d8: {  	[tilespmem:s21+$0x80] =	vst v3;
	v0 =	vld.idx.msk [tilespmem:v5+s4+$0x0], $0xffff  }
0x1d9: {  	v3 =	vld.idx.msk [tilespmem:v30+s4+$0x0], $0xffff;
	[tilespmem:s21+$0xA0] =	vst v4  }
0x1da: {  	v4 =	vld.idx.msk [tilespmem:v22+s4+$0x0], $0xffff;
	[tilespmem:s21+$0xB0] =	vst v6  }
0x1db: {  	v5 =	vld.idx.msk [tilespmem:v31+s4+$0x0], $0xffff;
	[tilespmem:s21+$0xC0] =	vst v1  }
0x1dc: {  	v1 =	vld.idx.msk [tilespmem:v24+s4+$0x0], $0xffff;
	[tilespmem:s21+$0xD0] =	vst v2  }
0x1dd: {  	v2 =	vld.idx.msk [tilespmem:v32+s4+$0x0], $0xffff;
	[tilespmem:s21+$0xE0] =	vst v18  }
0x1de: {  	v6 =	vld.idx.msk [tilespmem:v26+s4+$0x0], $0xffff;
	[tilespmem:s21+$0x1F0] =	vst v0  }
0x1df: {  	[tilespmem:s21+$0x100] =	vst v3;
	v24 =	vld.idx.msk [tilespmem:v27+s4+$0x0], $0xffff  }
.Ltmp1:
0x1e0: {  	v22 =	vld.idx.msk [tilespmem:v28+s4+$0x0], $0xffff;
	[tilespmem:s21+$0x110] =	vst v4;
	(pc) =	sbr.rel @p0 .LBB2_4-.Ltmp1, $4  }
0x1e1: {  	v23 =	vld.idx.msk [tilespmem:v23+s4+$0x0], $0xffff;
	[tilespmem:s21+$0x120] =	vst v5  }
0x1e2: {  	v26 =	vld.idx.msk [tilespmem:v29+s4+$0x0], $0xffff;
	[tilespmem:s21+$0x130] =	vst v1  }
0x1e3: {  	v21 =	vld.idx.msk [tilespmem:v21+s4+$0x0], $0xffff;
	[tilespmem:s21+$0x140] =	vst v2  }
0x1e4: {  	s23 =	sadd.s32 $0x80, s23;
	v25 =	vld.idx.msk [tilespmem:v25+s4+$0x0], $0xffff;
	[tilespmem:s21+$0x150] =	vst v6  }
0x1e5: {  	_ = 	snop  }
0x1e6: {  	[tilespmem:s21+$0x160] =	vst v24  }
0x1e7: {  	[tilespmem:s21+$0x180] =	vst v22  }
0x1e8: {  	[tilespmem:s20+$0x1D0] =	vst v16  }
0x1e9: {  	v0 =	vld.idx.msk [tilespmem:v20+s4+$0x0], $0xffff;
	[tilespmem:s20+$0x1E0] =	vst v17  }
0x1ea: {  	[tilespmem:s21+$0x190] =	vst v23;
	v1 =	vld.idx.msk [tilespmem:v19+s4+$0x0], $0xffff  }
0x1eb: {  	[tilespmem:s21+$0x1A0] =	vst v26  }
0x1ec: {  	[tilespmem:s21+$0x1B0] =	vst v21  }
0x1ed: {  	[tilespmem:s21+$0x1C0] =	vst v25  }
0x1ee: {  	[tilespmem:s21+$0x1D0] =	vst v0  }
0x1ef: {  	s20 =	simm.s32 $0x1;
	[tilespmem:s21+$0x1E0] =	vst v1  }
0x1f0: {  	[hbm4b:s9+s4] =	stream.linear.scatter [tilespmem:s16], [sflag:$0x2], $0x8000, $0x38;
	[tilespmem:$0x12B00] =	vst v63  }
.LBB2_6:
0x1f1: {  	s21 =	sshll.u32 s20, $0x1  }
0x1f2: {  	s22 =	sadd.s32 s5, s21  }
0x1f3: {  	s23 =	sand.u32 $0x6, s22  }
0x1f4: {  	_ =	swait.ge [sflag:s17], $0x8000;
	s22 =	sshrl.u32 s22, $0x3;
	p0 =	sne.s32 s23, $0x0  }
0x1f5: {  	[sflag:s17] =	ssyncset.done $0x0;
	s24 =	sshll.u32 @!p0 s22, $0x4  }
0x1f6: {  	[sflag:s17] =	ssyncadd.s32 $0xFFFF8000;
	s25 =	sshll.u32 @!p0 s22, $0x9;
	s24 =	sand.u32 @!p0 $0x70, s24  }
0x1f7: {  	s26 =	simm.s32 @!p0 $0x400;
	s25 =	sand.u32 @!p0 $0xFFFF000, s25;
	s24 =	sadd.s32 @!p0 s1, s24  }
0x1f8: {  	s28 =	simm.s32 @!p0 $0x1B00;
	s24 =	sadd.s32 @!p0 s25, s24;
	s25 =	simm.s32 @!p0 $0x80  }
0x1f9: {  	[tilespmem:s28], [sflag:$0x3] =	stream.strided.gather @!p0 [hbm4b:s24+s25], $0x1000, s26, s25, $0x38;
	[tilespmem:$0x12B00] =	vst v63  }
0x1fa: {  	s24 =	simm.s32 @!p0 $0x3  }
0x1fb: {  	_ =	swait.ge @!p0 [sflag:s24], $0x1000  }
0x1fc: {  	[sflag:s24] =	ssyncset.done @!p0 $0x0  }
0x1fd: {  	s31 =	simm.s32 $0x1B40;
	[sflag:s24] =	ssyncadd.s32 @!p0 $0xFFFFF000  }
0x1fe: {  	v31 =	vld [tilespmem:s31+$0x30]  }
0x1ff: {  	v29 =	vld [tilespmem:s31+$0xFFFFFFD0]  }
0x200: {  	s25 =	smul.u32 $0x360, s23;
	v28 =	vld [tilespmem:s31+$0xFFFFFFE0]  }
0x201: {  	v27 =	vld [tilespmem:s31+$0xFFFFFFF0]  }
0x202: {  	v16 =	vmov s25;
	v26 =	vld [tilespmem:s31+$0x0]  }
0x203: {  	v24 =	vld [tilespmem:s31+$0x10];
	v0 =	vadd.s32 v16, v31  }
0x204: {  	v25 =	vld [tilespmem:s31+$0x20];
	v1 =	vadd.s32 v16, v29  }
0x205: {  	v30 =	vld [tilespmem:s31+$0xFFFFFFC0];
	v2 =	vadd.s32 v16, v28  }
0x206: {  	v3 =	vadd.s32 v16, v27  }
0x207: {  	v4 =	vadd.s32 v16, v26  }
0x208: {  	v5 =	vadd.s32 v16, v24;
	v0 =	vld.idx.msk [tilespmem:v0+s4+$0x0], $0xffff  }
0x209: {  	s26 =	sadd.s32 $0x6C, s25;
	v6 =	vadd.s32 v16, v25;
	v1 =	vld.idx.msk [tilespmem:v1+s4+$0x0], $0xffff  }
0x20a: {  	v17 =	vmov s26;
	v19 =	vadd.s32 v16, v30;
	v2 =	vld.idx.msk [tilespmem:v2+s4+$0x0], $0xffff  }
0x20b: {  	v18 =	vadd.s32 v17, v31;
	v3 =	vld.idx.msk [tilespmem:v3+s4+$0x0], $0xffff  }
0x20c: {  	v20 =	vadd.s32 v17, v29;
	v4 =	vld.idx.msk [tilespmem:v4+s4+$0x0], $0xffff  }
0x20d: {  	s24 =	simm.s32 $0x2D00;
	v21 =	vadd.s32 v17, v28;
	v5 =	vld.idx.msk [tilespmem:v5+s4+$0x0], $0xffff  }
0x20e: {  	v22 =	vadd.s32 v17, v27;
	v6 =	vld.idx.msk [tilespmem:v6+s4+$0x0], $0xffff;
	[tilespmem:s24+$0xFFFFFE70] =	vst v0  }
0x20f: {  	v55 =	vadd.s32 v17, v26;
	v56 =	vld.idx.msk [tilespmem:v19+s4+$0x0], $0xffff;
	[tilespmem:s24+$0xFFFFFE10] =	vst v1  }
0x210: {  	v32 =	vadd.s32 v17, v24;
	[tilespmem:s24+$0xFFFFFE20] =	vst v2;
	v23 =	vld.idx.msk [tilespmem:v18+s4+$0x0], $0xffff  }
0x211: {  	s29 =	sadd.s32 $0xD8, s25;
	[tilespmem:s24+$0xFFFFFE30] =	vst v3;
	v57 =	vld.idx.msk [tilespmem:v20+s4+$0x0], $0xffff;
	v20 =	vadd.s32 v17, v30  }
0x212: {  	[tilespmem:s24+$0xFFFFFE40] =	vst v4;
	v18 =	vmov s29;
	v58 =	vld.idx.msk [tilespmem:v21+s4+$0x0], $0xffff;
	v21 =	vadd.s32 v17, v25  }
0x213: {  	[tilespmem:s24+$0xFFFFFE50] =	vst v5;
	v59 =	vld.idx.msk [tilespmem:v22+s4+$0x0], $0xffff;
	v19 =	vadd.s32 v18, v31  }
0x214: {  	[tilespmem:s24+$0xFFFFFE00] =	vst v56;
	v0 =	vld.idx.msk [tilespmem:v55+s4+$0x0], $0xffff;
	v22 =	vadd.s32 v18, v29  }
0x215: {  	[tilespmem:s24+$0xFFFFFE60] =	vst v6;
	v32 =	vld.idx.msk [tilespmem:v32+s4+$0x0], $0xffff;
	v60 =	vadd.s32 v18, v28  }
0x216: {  	v33 =	vadd.s32 v18, v26;
	[tilespmem:s24+$0xFFFFFEF0] =	vst v23;
	v62 =	vld.idx.msk [tilespmem:v20+s4+$0x0], $0xffff  }
0x217: {  	v23 =	vadd.s32 v18, v27;
	[tilespmem:s24+$0xFFFFFE90] =	vst v57;
	v63 =	vld.idx.msk [tilespmem:v21+s4+$0x0], $0xffff  }
0x218: {  	v21 =	vadd.s32 v18, v30;
	[tilespmem:s24+$0xFFFFFEA0] =	vst v58;
	v61 =	vld.idx.msk [tilespmem:v19+s4+$0x0], $0xffff  }
0x219: {  	s30 =	sadd.s32 $0x144, s25;
	[tilespmem:s24+$0xFFFFFEB0] =	vst v59;
	v9 =	vld.idx.msk [tilespmem:v22+s4+$0x0], $0xffff;
	v22 =	vadd.s32 v18, v24  }
0x21a: {  	v11 =	vadd.s32 v18, v25;
	[tilespmem:s24+$0xFFFFFEC0] =	vst v0;
	v19 =	vmov s30;
	v10 =	vld.idx.msk [tilespmem:v60+s4+$0x0], $0xffff  }
0x21b: {  	[tilespmem:s24+$0xFFFFFED0] =	vst v32;
	v33 =	vld.idx.msk [tilespmem:v33+s4+$0x0], $0xffff;
	v20 =	vadd.s32 v19, v31  }
0x21c: {  	v13 =	vadd.s32 v19, v28;
	v12 =	vld.idx.msk [tilespmem:v23+s4+$0x0], $0xffff;
	[tilespmem:s24+$0xFFFFFE80] =	vst v62  }
0x21d: {  	v39 =	vadd.s32 v19, v26;
	[tilespmem:s24+$0xFFFFFEE0] =	vst v63;
	v21 =	vld.idx.msk [tilespmem:v21+s4+$0x0], $0xffff  }
0x21e: {  	v23 =	vadd.s32 v19, v29;
	[tilespmem:s24+$0xFFFFFF70] =	vst v61;
	v36 =	vld.idx.msk [tilespmem:v22+s4+$0x0], $0xffff  }
0x21f: {  	v34 =	vadd.s32 v19, v27;
	[tilespmem:s24+$0xFFFFFF10] =	vst v9;
	v38 =	vld.idx.msk [tilespmem:v11+s4+$0x0], $0xffff  }
0x220: {  	s31 =	sadd.s32 $0x1B0, s25;
	v37 =	vadd.s32 v19, v30;
	[tilespmem:s24+$0xFFFFFF20] =	vst v10;
	v14 =	vld.idx.msk [tilespmem:v20+s4+$0x0], $0xffff  }
0x221: {  	v42 =	vadd.s32 v19, v25;
	[tilespmem:s24+$0xFFFFFF40] =	vst v33;
	v20 =	vmov s31;
	v41 =	vld.idx.msk [tilespmem:v13+s4+$0x0], $0xffff  }
0x222: {  	v44 =	vld.idx.msk [tilespmem:v39+s4+$0x0], $0xffff;
	v22 =	vadd.s32 v20, v31;
	[tilespmem:s24+$0xFFFFFF30] =	vst v12  }
0x223: {  	v35 =	vadd.s32 v20, v28;
	v40 =	vld.idx.msk [tilespmem:v23+s4+$0x0], $0xffff;
	[tilespmem:s24+$0xFFFFFF00] =	vst v21  }
0x224: {  	v48 =	vadd.s32 v20, v26;
	v34 =	vld.idx.msk [tilespmem:v34+s4+$0x0], $0xffff;
	[tilespmem:s24+$0xFFFFFF50] =	vst v36  }
0x225: {  	v23 =	vadd.s32 v19, v24;
	[tilespmem:s24+$0xFFFFFF60] =	vst v38;
	v32 =	vld.idx.msk [tilespmem:v37+s4+$0x0], $0xffff  }
0x226: {  	v43 =	vadd.s32 v20, v29;
	[tilespmem:s24+$0xFFFFFFF0] =	vst v14;
	v1 =	vld.idx.msk [tilespmem:v42+s4+$0x0], $0xffff  }
0x227: {  	s29 =	sadd.s32 $0x21C, s25;
	v46 =	vadd.s32 v20, v30;
	[tilespmem:s24+$0xFFFFFFA0] =	vst v41;
	v22 =	vld.idx.msk [tilespmem:v22+s4+$0x0], $0xffff  }
0x228: {  	v21 =	vmov s29;
	v36 =	vadd.s32 v20, v25;
	[tilespmem:s24+$0xFFFFFFC0] =	vst v44;
	v35 =	vld.idx.msk [tilespmem:v35+s4+$0x0], $0xffff  }
0x229: {  	v45 =	vadd.s32 v21, v31;
	v54 =	vld.idx.msk [tilespmem:v48+s4+$0x0], $0xffff  }
0x22a: {  	v55 =	vadd.s32 v21, v28;
	v47 =	vld.idx.msk [tilespmem:v23+s4+$0x0], $0xffff;
	[tilespmem:s24+$0xFFFFFF90] =	vst v40  }
0x22b: {  	v59 =	vadd.s32 v21, v26;
	v49 =	vld.idx.msk [tilespmem:v43+s4+$0x0], $0xffff;
	[tilespmem:s24+$0xFFFFFF80] =	vst v32  }
0x22c: {  	v23 =	vadd.s32 v20, v27;
	[tilespmem:s24+$0xFFFFFFE0] =	vst v1;
	v33 =	vld.idx.msk [tilespmem:v46+s4+$0x0], $0xffff  }
0x22d: {  	v50 =	vadd.s32 v20, v24;
	[tilespmem:s24+$0x70] =	vst v22;
	v58 =	vld.idx.msk [tilespmem:v36+s4+$0x0], $0xffff  }
0x22e: {  	v51 =	vadd.s32 v21, v29;
	[tilespmem:s24+$0x20] =	vst v35;
	v5 =	vld.idx.msk [tilespmem:v45+s4+$0x0], $0xffff  }
0x22f: {  	[tilespmem:s24+$0x40] =	vst v54;
	v62 =	vld.idx.msk [tilespmem:v55+s4+$0x0], $0xffff  }
0x230: {  	s30 =	sadd.s32 $0x288, s25;
	v53 =	vadd.s32 v21, v30;
	[tilespmem:s24+$0xFFFFFFB0] =	vst v34;
	v11 =	vld.idx.msk [tilespmem:v59+s4+$0x0], $0xffff  }
0x231: {  	v37 =	vadd.s32 v21, v25;
	v22 =	vmov s30;
	v52 =	vld.idx.msk [tilespmem:v23+s4+$0x0], $0xffff;
	[tilespmem:s24+$0xFFFFFFD0] =	vst v47  }
0x232: {  	v23 =	vadd.s32 v22, v31;
	v56 =	vld.idx.msk [tilespmem:v50+s4+$0x0], $0xffff;
	[tilespmem:s24+$0x10] =	vst v49  }
0x233: {  	s31 =	simm.s32 $0x1BC0;
	v12 =	vadd.s32 v22, v28;
	v32 =	vld.idx.msk [tilespmem:v51+s4+$0x0], $0xffff  }
0x234: {  	v41 =	vadd.s32 v22, v26;
	[tilespmem:s24+$0x0] =	vst v33;
	v33 =	vld [tilespmem:s31+$0x30]  }
0x235: {  	v57 =	vadd.s32 v21, v27;
	[tilespmem:s24+$0x60] =	vst v58;
	v34 =	vld.idx.msk [tilespmem:v53+s4+$0x0], $0xffff  }
0x236: {  	[tilespmem:s24+$0xF0] =	vst v5;
	v40 =	vld.idx.msk [tilespmem:v37+s4+$0x0], $0xffff  }
0x237: {  	[tilespmem:s24+$0xA0] =	vst v62;
	v61 =	vld.idx.msk [tilespmem:v23+s4+$0x0], $0xffff  }
0x238: {  	v60 =	vadd.s32 v21, v24;
	[tilespmem:s24+$0xC0] =	vst v11;
	v46 =	vld.idx.msk [tilespmem:v12+s4+$0x0], $0xffff  }
0x239: {  	s25 =	sadd.s32 $0x2F4, s25;
	[tilespmem:s24+$0x30] =	vst v52;
	v49 =	vld.idx.msk [tilespmem:v41+s4+$0x0], $0xffff  }
0x23a: {  	v10 =	vadd.s32 v22, v29;
	v43 =	vadd.s32 v22, v25;
	v23 =	vmov s25;
	v9 =	vld.idx.msk [tilespmem:v57+s4+$0x0], $0xffff  }
0x23b: {  	v63 =	vadd.s32 v23, v31;
	v31 =	vadd.s32 v22, v30;
	v45 =	vadd.s32 v23, v30;
	v30 =	vld [tilespmem:s31+$0xFFFFFFE0]  }
0x23c: {  	[tilespmem:s24+$0x50] =	vst v56;
	v48 =	vadd.s32 v23, v28;
	v28 =	vld [tilespmem:s31+$0x0]  }
0x23d: {  	v13 =	vld.idx.msk [tilespmem:v60+s4+$0x0], $0xffff  }
0x23e: {  	[tilespmem:s24+$0x90] =	vst v32;
	v32 =	vld [tilespmem:s31+$0xFFFFFFC0]  }
0x23f: {  	v26 =	vadd.s32 v23, v26;
	v44 =	vld.idx.msk [tilespmem:v10+s4+$0x0], $0xffff;
	[tilespmem:s24+$0xE0] =	vst v40  }
0x240: {  	[tilespmem:s24+$0x170] =	vst v61;
	v50 =	vld.idx.msk [tilespmem:v43+s4+$0x0], $0xffff  }
0x241: {  	v14 =	vadd.s32 v22, v27;
	[tilespmem:s24+$0x80] =	vst v34;
	v4 =	vld.idx.msk [tilespmem:v63+s4+$0x0], $0xffff  }
0x242: {  	v42 =	vadd.s32 v22, v24;
	[tilespmem:s24+$0x120] =	vst v46;
	v31 =	vld.idx.msk [tilespmem:v31+s4+$0x0], $0xffff  }
0x243: {  	v52 =	vadd.s32 v16, v33;
	[tilespmem:s24+$0x140] =	vst v49;
	v3 =	vld.idx.msk [tilespmem:v48+s4+$0x0], $0xffff  }
0x244: {  	v29 =	vadd.s32 v23, v29;
	v0 =	vld.idx.msk [tilespmem:v26+s4+$0x0], $0xffff  }
0x245: {  	[tilespmem:s24+$0xB0] =	vst v9;
	v26 =	vld [tilespmem:s31+$0x10]  }
0x246: {  	v47 =	vld.idx.msk [tilespmem:v14+s4+$0x0], $0xffff;
	[tilespmem:s24+$0xD0] =	vst v13  }
0x247: {  	v25 =	vadd.s32 v23, v25;
	v34 =	vld.idx.msk [tilespmem:v42+s4+$0x0], $0xffff  }
0x248: {  	v54 =	vadd.s32 v16, v30;
	[tilespmem:s24+$0x110] =	vst v44;
	v36 =	vld.idx.msk [tilespmem:v52+s4+$0x0], $0xffff  }
0x249: {  	v56 =	vadd.s32 v16, v28;
	v2 =	vld.idx.msk [tilespmem:v29+s4+$0x0], $0xffff  }
0x24a: {  	v29 =	vld [tilespmem:s31+$0xFFFFFFF0];
	[tilespmem:s24+$0x160] =	vst v50  }
0x24b: {  	v62 =	vadd.s32 v16, v32;
	[tilespmem:s24+$0x100] =	vst v31;
	v31 =	vld [tilespmem:s31+$0xFFFFFFD0]  }
0x24c: {  	v27 =	vadd.s32 v23, v27;
	v25 =	vld.idx.msk [tilespmem:v25+s4+$0x0], $0xffff  }
0x24d: {  	v60 =	vld.idx.msk [tilespmem:v54+s4+$0x0], $0xffff  }
0x24e: {  	v61 =	vadd.s32 v17, v33;
	[tilespmem:s24+$0x1F0] =	vst v4;
	v5 =	vld.idx.msk [tilespmem:v56+s4+$0x0], $0xffff  }
0x24f: {  	v51 =	vadd.s32 v23, v24;
	[tilespmem:s24+$0x1A0] =	vst v3;
	v6 =	vld.idx.msk [tilespmem:v45+s4+$0x0], $0xffff  }
0x250: {  	v57 =	vadd.s32 v16, v26;
	[tilespmem:s24+$0x130] =	vst v47;
	v3 =	vld.idx.msk [tilespmem:v62+s4+$0x0], $0xffff  }
0x251: {  	s25 =	simm.s32 $0x3100;
	v9 =	vadd.s32 v17, v30;
	[tilespmem:s24+$0x1C0] =	vst v0;
	v1 =	vld.idx.msk [tilespmem:v27+s4+$0x0], $0xffff  }
0x252: {  	v10 =	vadd.s32 v17, v28;
	v27 =	vld [tilespmem:s31+$0x20];
	[tilespmem:s25+$0xFFFFFE70] =	vst v36  }
0x253: {  	[tilespmem:s24+$0x150] =	vst v34;
	v55 =	vadd.s32 v16, v29;
	v11 =	vld.idx.msk [tilespmem:v61+s4+$0x0], $0xffff  }
0x254: {  	v13 =	vadd.s32 v18, v33;
	v24 =	vld.idx.msk [tilespmem:v51+s4+$0x0], $0xffff;
	[tilespmem:s24+$0x190] =	vst v2  }
0x255: {  	v53 =	vadd.s32 v16, v31;
	v4 =	vld.idx.msk [tilespmem:v57+s4+$0x0], $0xffff;
	[tilespmem:s25+$0xFFFFFE20] =	vst v60  }
0x256: {  	v12 =	vadd.s32 v17, v26;
	[tilespmem:s25+$0xFFFFFE40] =	vst v5;
	v0 =	vld.idx.msk [tilespmem:v9+s4+$0x0], $0xffff  }
0x257: {  	[tilespmem:s24+$0x180] =	vst v6;
	v36 =	vld.idx.msk [tilespmem:v10+s4+$0x0], $0xffff;
	v59 =	vadd.s32 v16, v27  }
0x258: {  	v44 =	vadd.s32 v18, v28;
	v35 =	vld.idx.msk [tilespmem:v55+s4+$0x0], $0xffff;
	[tilespmem:s25+$0xFFFFFEF0] =	vst v11  }
0x259: {  	v14 =	vadd.s32 v17, v32;
	[tilespmem:s25+$0xFFFFFE00] =	vst v3;
	v2 =	vld.idx.msk [tilespmem:v13+s4+$0x0], $0xffff  }
0x25a: {  	v38 =	vadd.s32 v17, v29;
	v58 =	vld.idx.msk [tilespmem:v53+s4+$0x0], $0xffff;
	[tilespmem:s25+$0xFFFFFE50] =	vst v4  }
0x25b: {  	v63 =	vadd.s32 v17, v31;
	[tilespmem:s24+$0x1B0] =	vst v1;
	v34 =	vld.idx.msk [tilespmem:v12+s4+$0x0], $0xffff  }
0x25c: {  	v42 =	vadd.s32 v18, v30;
	[tilespmem:s25+$0xFFFFFEC0] =	vst v36;
	v37 =	vld.idx.msk [tilespmem:v59+s4+$0x0], $0xffff  }
0x25d: {  	v48 =	vadd.s32 v18, v26;
	[tilespmem:s25+$0xFFFFFEA0] =	vst v0;
	v3 =	vld.idx.msk [tilespmem:v44+s4+$0x0], $0xffff  }
0x25e: {  	v40 =	vadd.s32 v17, v27;
	[tilespmem:s25+$0xFFFFFE30] =	vst v35;
	v35 =	vld.idx.msk [tilespmem:v14+s4+$0x0], $0xffff  }
0x25f: {  	v56 =	vadd.s32 v19, v28;
	v38 =	vld.idx.msk [tilespmem:v38+s4+$0x0], $0xffff;
	[tilespmem:s25+$0xFFFFFE10] =	vst v58  }
0x260: {  	v47 =	vadd.s32 v18, v32;
	v1 =	vld.idx.msk [tilespmem:v63+s4+$0x0], $0xffff;
	[tilespmem:s25+$0xFFFFFED0] =	vst v34  }
0x261: {  	v43 =	vadd.s32 v18, v29;
	[tilespmem:s25+$0xFFFFFE60] =	vst v37;
	v37 =	vld.idx.msk [tilespmem:v42+s4+$0x0], $0xffff  }
0x262: {  	v46 =	vadd.s32 v19, v33;
	[tilespmem:s25+$0xFFFFFF70] =	vst v2;
	v53 =	vld.idx.msk [tilespmem:v48+s4+$0x0], $0xffff  }
0x263: {  	v41 =	vadd.s32 v18, v31;
	[tilespmem:s25+$0xFFFFFF40] =	vst v3;
	v45 =	vld.idx.msk [tilespmem:v40+s4+$0x0], $0xffff  }
0x264: {  	v51 =	vadd.s32 v19, v30;
	[tilespmem:s25+$0xFFFFFE80] =	vst v35;
	v61 =	vld.idx.msk [tilespmem:v56+s4+$0x0], $0xffff  }
0x265: {  	v49 =	vadd.s32 v18, v27;
	[tilespmem:s25+$0xFFFFFEB0] =	vst v38;
	v5 =	vld.idx.msk [tilespmem:v47+s4+$0x0], $0xffff  }
0x266: {  	v10 =	vadd.s32 v20, v28;
	v6 =	vld.idx.msk [tilespmem:v43+s4+$0x0], $0xffff;
	[tilespmem:s25+$0xFFFFFE90] =	vst v1  }
0x267: {  	v55 =	vadd.s32 v19, v32;
	v1 =	vld.idx.msk [tilespmem:v46+s4+$0x0], $0xffff;
	[tilespmem:s25+$0xFFFFFF20] =	vst v37  }
0x268: {  	v57 =	vadd.s32 v19, v26;
	v4 =	vld.idx.msk [tilespmem:v41+s4+$0x0], $0xffff;
	[tilespmem:s25+$0xFFFFFF50] =	vst v53  }
0x269: {  	v52 =	vadd.s32 v19, v29;
	[tilespmem:s25+$0xFFFFFEE0] =	vst v45;
	v2 =	vld.idx.msk [tilespmem:v51+s4+$0x0], $0xffff  }
0x26a: {  	v54 =	vadd.s32 v20, v33;
	[tilespmem:s25+$0xFFFFFFC0] =	vst v61;
	v36 =	vld.idx.msk [tilespmem:v49+s4+$0x0], $0xffff  }
0x26b: {  	v50 =	vadd.s32 v19, v31;
	[tilespmem:s25+$0xFFFFFF00] =	vst v5;
	v3 =	vld.idx.msk [tilespmem:v10+s4+$0x0], $0xffff  }
0x26c: {  	v60 =	vadd.s32 v20, v30;
	[tilespmem:s25+$0xFFFFFF30] =	vst v6;
	v38 =	vld.idx.msk [tilespmem:v55+s4+$0x0], $0xffff  }
0x26d: {  	v58 =	vadd.s32 v19, v27;
	v6 =	vld.idx.msk [tilespmem:v57+s4+$0x0], $0xffff;
	[tilespmem:s25+$0xFFFFFFF0] =	vst v1  }
0x26e: {  	v63 =	vadd.s32 v20, v32;
	v35 =	vld.idx.msk [tilespmem:v52+s4+$0x0], $0xffff;
	[tilespmem:s25+$0xFFFFFF10] =	vst v4  }
0x26f: {  	v11 =	vadd.s32 v20, v26;
	v4 =	vld.idx.msk [tilespmem:v54+s4+$0x0], $0xffff;
	[tilespmem:s25+$0xFFFFFFA0] =	vst v2  }
0x270: {  	v8 =	vadd.s32 v20, v29;
	v34 =	vld.idx.msk [tilespmem:v50+s4+$0x0], $0xffff;
	[tilespmem:s25+$0xFFFFFF60] =	vst v36  }
0x271: {  	v62 =	vadd.s32 v21, v33;
	v5 =	vld.idx.msk [tilespmem:v60+s4+$0x0], $0xffff;
	[tilespmem:s25+$0x40] =	vst v3  }
0x272: {  	v59 =	vadd.s32 v20, v31;
	v9 =	vld.idx.msk [tilespmem:v58+s4+$0x0], $0xffff;
	[tilespmem:s25+$0xFFFFFF80] =	vst v38  }
0x273: {  	v45 =	vadd.s32 v21, v28;
	[tilespmem:s25+$0xFFFFFFD0] =	vst v6;
	v37 =	vld.idx.msk [tilespmem:v63+s4+$0x0], $0xffff  }
0x274: {  	v42 =	vadd.s32 v21, v30;
	[tilespmem:s25+$0xFFFFFFB0] =	vst v35;
	v43 =	vld.idx.msk [tilespmem:v11+s4+$0x0], $0xffff  }
0x275: {  	v12 =	vadd.s32 v20, v27;
	[tilespmem:s25+$0x70] =	vst v4;
	v14 =	vld.idx.msk [tilespmem:v8+s4+$0x0], $0xffff  }
0x276: {  	v41 =	vadd.s32 v21, v32;
	[tilespmem:s25+$0xFFFFFF90] =	vst v34;
	v36 =	vld.idx.msk [tilespmem:v62+s4+$0x0], $0xffff  }
0x277: {  	v46 =	vadd.s32 v21, v26;
	v1 =	vld.idx.msk [tilespmem:v59+s4+$0x0], $0xffff;
	[tilespmem:s25+$0x20] =	vst v5  }
0x278: {  	v44 =	vadd.s32 v21, v29;
	v5 =	vld.idx.msk [tilespmem:v45+s4+$0x0], $0xffff;
	[tilespmem:s25+$0xFFFFFFE0] =	vst v9  }
0x279: {  	v40 =	vadd.s32 v22, v33;
	v48 =	vld.idx.msk [tilespmem:v42+s4+$0x0], $0xffff;
	[tilespmem:s25+$0x0] =	vst v37  }
0x27a: {  	v13 =	vadd.s32 v21, v31;
	v4 =	vld.idx.msk [tilespmem:v12+s4+$0x0], $0xffff;
	[tilespmem:s25+$0x50] =	vst v43  }
0x27b: {  	v53 =	vadd.s32 v22, v30;
	v34 =	vld.idx.msk [tilespmem:v41+s4+$0x0], $0xffff;
	[tilespmem:s25+$0x30] =	vst v14  }
0x27c: {  	v47 =	vadd.s32 v21, v27;
	v54 =	vld.idx.msk [tilespmem:v46+s4+$0x0], $0xffff;
	[tilespmem:s25+$0xF0] =	vst v36  }
0x27d: {  	v50 =	vadd.s32 v22, v32;
	v51 =	vld.idx.msk [tilespmem:v44+s4+$0x0], $0xffff;
	[tilespmem:s25+$0x10] =	vst v1  }
0x27e: {  	v57 =	vadd.s32 v22, v26;
	v6 =	vld.idx.msk [tilespmem:v40+s4+$0x0], $0xffff;
	[tilespmem:s25+$0xC0] =	vst v5  }
0x27f: {  	v55 =	vadd.s32 v22, v29;
	v38 =	vld.idx.msk [tilespmem:v13+s4+$0x0], $0xffff;
	[tilespmem:s25+$0xA0] =	vst v48  }
0x280: {  	v52 =	vadd.s32 v22, v31;
	[tilespmem:s25+$0x60] =	vst v4;
	v4 =	vld.idx.msk [tilespmem:v53+s4+$0x0], $0xffff  }
0x281: {  	v56 =	vadd.s32 v22, v28;
	v37 =	vld.idx.msk [tilespmem:v47+s4+$0x0], $0xffff;
	[tilespmem:s25+$0x80] =	vst v34  }
0x282: {  	v49 =	vadd.s32 v23, v33;
	[tilespmem:s25+$0xD0] =	vst v54;
	v3 =	vld.idx.msk [tilespmem:v50+s4+$0x0], $0xffff  }
0x283: {  	v61 =	vadd.s32 v23, v30;
	[tilespmem:s25+$0xB0] =	vst v51;
	v62 =	vld.idx.msk [tilespmem:v57+s4+$0x0], $0xffff  }
0x284: {  	v58 =	vadd.s32 v22, v27;
	v36 =	vld.idx.msk [tilespmem:v55+s4+$0x0], $0xffff;
	[tilespmem:s25+$0x90] =	vst v38  }
0x285: {  	v59 =	vadd.s32 v23, v32;
	[tilespmem:s25+$0x170] =	vst v6;
	v1 =	vld.idx.msk [tilespmem:v52+s4+$0x0], $0xffff  }
0x286: {  	v60 =	vadd.s32 v23, v31;
	v6 =	vld.idx.msk [tilespmem:v56+s4+$0x0], $0xffff;
	[tilespmem:s25+$0x120] =	vst v4  }
0x287: {  	v29 =	vadd.s32 v23, v29;
	v2 =	vld.idx.msk [tilespmem:v49+s4+$0x0], $0xffff;
	[tilespmem:s25+$0xE0] =	vst v37  }
0x288: {  	v63 =	vadd.s32 v23, v28;
	v34 =	vld.idx.msk [tilespmem:v61+s4+$0x0], $0xffff;
	[tilespmem:s25+$0x100] =	vst v3  }
0x289: {  	v32 =	vld.idx.msk [tilespmem:v58+s4+$0x0], $0xffff;
	[tilespmem:s25+$0x150] =	vst v62  }
0x28a: {  	v30 =	vld.idx.msk [tilespmem:v59+s4+$0x0], $0xffff;
	[tilespmem:s25+$0x110] =	vst v1  }
0x28b: {  	[tilespmem:s25+$0x130] =	vst v36;
	v31 =	vld.idx.msk [tilespmem:v60+s4+$0x0], $0xffff  }
0x28c: {  	[tilespmem:s25+$0x140] =	vst v6;
	v29 =	vld.idx.msk [tilespmem:v29+s4+$0x0], $0xffff  }
0x28d: {  	s28 =	simm.s32 $0x1C40;
	s26 =	simm.s32 $0x80;
	v27 =	vadd.s32 v23, v27;
	v28 =	vadd.s32 v23, v26;
	[tilespmem:s25+$0x1F0] =	vst v2;
	v33 =	vld.idx.msk [tilespmem:v63+s4+$0x0], $0xffff  }
.LBB2_7:
0x28e: {  	v26 =	vld [tilespmem:s28+$0x30];
	s26 =	sadd.s32 $0x80, s26;
	[tilespmem:s25+$0x160] =	vst v32  }
0x28f: {  	v0 =	vld [tilespmem:s28+$0xFFFFFFD0];
	p0 =	slt.u32 s26, $0xF80;
	[tilespmem:s25+$0x180] =	vst v30  }
0x290: {  	v1 =	vld [tilespmem:s28+$0xFFFFFFE0];
	[tilespmem:s25+$0x190] =	vst v31  }
0x291: {  	v2 =	vld [tilespmem:s28+$0xFFFFFFF0];
	[tilespmem:s25+$0x1A0] =	vst v34  }
0x292: {  	v3 =	vld [tilespmem:s28+$0x0];
	[tilespmem:s25+$0x1B0] =	vst v29  }
0x293: {  	v4 =	vld [tilespmem:s28+$0x10];
	v5 =	vadd.s32 v16, v26;
	[tilespmem:s25+$0x1C0] =	vst v33  }
0x294: {  	v6 =	vadd.s32 v16, v0;
	v29 =	vadd.s32 v17, v0;
	v31 =	vadd.s32 v18, v0;
	v41 =	vld [tilespmem:s28+$0x20];
	[tilespmem:s24+$0x1D0] =	vst v24  }
0x295: {  	v33 =	vld [tilespmem:s28+$0xFFFFFFC0];
	v30 =	vadd.s32 v16, v1;
	v32 =	vadd.s32 v17, v1;
	v37 =	vadd.s32 v18, v1;
	[tilespmem:s24+$0x1E0] =	vst v25;
	s24 =	smov.u32 s25  }
0x296: {  	v34 =	vadd.s32 v16, v2;
	v35 =	vadd.s32 v17, v2;
	v42 =	vadd.s32 v18, v2;
	v24 =	vld.idx.msk [tilespmem:v28+s4+$0x0], $0xffff  }
0x297: {  	v28 =	vadd.s32 v16, v3;
	v36 =	vadd.s32 v17, v3;
	v43 =	vadd.s32 v18, v3;
	v25 =	vld.idx.msk [tilespmem:v27+s4+$0x0], $0xffff  }
0x298: {  	v27 =	vadd.s32 v16, v4;
	v39 =	vadd.s32 v17, v4;
	v44 =	vadd.s32 v18, v4;
	v5 =	vld.idx.msk [tilespmem:v5+s4+$0x0], $0xffff  }
0x299: {  	v6 =	vld.idx.msk [tilespmem:v6+s4+$0x0], $0xffff;
	v38 =	vadd.s32 v16, v41;
	v45 =	vadd.s32 v17, v41;
	v46 =	vadd.s32 v18, v41  }
0x29a: {  	v48 =	vadd.s32 v17, v26;
	v40 =	vadd.s32 v16, v33;
	v47 =	vadd.s32 v17, v33;
	v30 =	vld.idx.msk [tilespmem:v30+s4+$0x0], $0xffff  }
0x29b: {  	v51 =	vadd.s32 v19, v0;
	v49 =	vadd.s32 v18, v33;
	v50 =	vadd.s32 v19, v33;
	v34 =	vld.idx.msk [tilespmem:v34+s4+$0x0], $0xffff  }
0x29c: {  	v52 =	vadd.s32 v19, v1;
	v53 =	vadd.s32 v19, v2;
	v54 =	vadd.s32 v19, v3;
	v28 =	vld.idx.msk [tilespmem:v28+s4+$0x0], $0xffff  }
0x29d: {  	s25 =	sadd.s32 $0x400, s25;
	v56 =	vadd.s32 v19, v4;
	v57 =	vadd.s32 v19, v41;
	v55 =	vadd.s32 v20, v33;
	v27 =	vld.idx.msk [tilespmem:v27+s4+$0x0], $0xffff  }
0x29e: {  	v58 =	vadd.s32 v20, v0;
	v59 =	vadd.s32 v20, v1;
	v38 =	vld.idx.msk [tilespmem:v38+s4+$0x0], $0xffff;
	[tilespmem:s25+$0xFFFFFE70] =	vst v5  }
0x29f: {  	v5 =	vadd.s32 v20, v2;
	[tilespmem:s25+$0xFFFFFE10] =	vst v6;
	v6 =	vadd.s32 v20, v3;
	v48 =	vld.idx.msk [tilespmem:v48+s4+$0x0], $0xffff  }
0x2a0: {  	v60 =	vadd.s32 v20, v4;
	v61 =	vadd.s32 v20, v41;
	v40 =	vld.idx.msk [tilespmem:v40+s4+$0x0], $0xffff;
	[tilespmem:s25+$0xFFFFFE20] =	vst v30  }
0x2a1: {  	v62 =	vadd.s32 v21, v33;
	v29 =	vld.idx.msk [tilespmem:v29+s4+$0x0], $0xffff;
	[tilespmem:s25+$0xFFFFFE30] =	vst v34;
	v34 =	vadd.s32 v18, v26  }
0x2a2: {  	v63 =	vadd.s32 v21, v0;
	v8 =	vadd.s32 v21, v1;
	v7 =	vld.idx.msk [tilespmem:v32+s4+$0x0], $0xffff;
	[tilespmem:s25+$0xFFFFFE40] =	vst v28  }
0x2a3: {  	v9 =	vadd.s32 v21, v2;
	v10 =	vadd.s32 v21, v3;
	v28 =	vld.idx.msk [tilespmem:v35+s4+$0x0], $0xffff;
	[tilespmem:s25+$0xFFFFFE50] =	vst v27  }
0x2a4: {  	v11 =	vadd.s32 v21, v4;
	v12 =	vadd.s32 v21, v41;
	v27 =	vld.idx.msk [tilespmem:v36+s4+$0x0], $0xffff;
	[tilespmem:s25+$0xFFFFFE60] =	vst v38  }
0x2a5: {  	v30 =	vadd.s32 v22, v0;
	v38 =	vadd.s32 v22, v33;
	v13 =	vld.idx.msk [tilespmem:v39+s4+$0x0], $0xffff;
	[tilespmem:s25+$0xFFFFFEF0] =	vst v48  }
0x2a6: {  	v32 =	vadd.s32 v22, v2;
	v39 =	vadd.s32 v22, v1;
	[tilespmem:s25+$0xFFFFFE00] =	vst v40;
	v48 =	vld.idx.msk [tilespmem:v34+s4+$0x0], $0xffff  }
0x2a7: {  	v40 =	vadd.s32 v22, v3;
	v34 =	vadd.s32 v22, v4;
	v47 =	vld.idx.msk [tilespmem:v47+s4+$0x0], $0xffff;
	[tilespmem:s25+$0xFFFFFE90] =	vst v29  }
0x2a8: {  	v35 =	vadd.s32 v22, v41;
	[tilespmem:s25+$0xFFFFFEA0] =	vst v7;
	v7 =	vld.idx.msk [tilespmem:v45+s4+$0x0], $0xffff;
	v45 =	vadd.s32 v19, v26  }
0x2a9: {  	v36 =	vadd.s32 v23, v33;
	v14 =	vld.idx.msk [tilespmem:v31+s4+$0x0], $0xffff;
	v31 =	vadd.s32 v23, v0;
	[tilespmem:s25+$0xFFFFFEB0] =	vst v28  }
0x2aa: {  	v29 =	vadd.s32 v23, v2;
	v0 =	vld.idx.msk [tilespmem:v37+s4+$0x0], $0xffff;
	v37 =	vadd.s32 v23, v1;
	[tilespmem:s25+$0xFFFFFEC0] =	vst v27  }
0x2ab: {  	v33 =	vadd.s32 v23, v3;
	v28 =	vadd.s32 v23, v4;
	v1 =	vld.idx.msk [tilespmem:v42+s4+$0x0], $0xffff;
	[tilespmem:s25+$0xFFFFFED0] =	vst v13  }
0x2ac: {  	v27 =	vadd.s32 v23, v41;
	v2 =	vld.idx.msk [tilespmem:v43+s4+$0x0], $0xffff;
	[tilespmem:s25+$0xFFFFFF70] =	vst v48  }
0x2ad: {  	[tilespmem:s25+$0xFFFFFE80] =	vst v47;
	v3 =	vld.idx.msk [tilespmem:v45+s4+$0x0], $0xffff  }
0x2ae: {  	v4 =	vld.idx.msk [tilespmem:v49+s4+$0x0], $0xffff;
	[tilespmem:s25+$0xFFFFFEE0] =	vst v7  }
0x2af: {  	v13 =	vadd.s32 v20, v26;
	[tilespmem:s25+$0xFFFFFF10] =	vst v14;
	v7 =	vld.idx.msk [tilespmem:v44+s4+$0x0], $0xffff  }
0x2b0: {  	[tilespmem:s25+$0xFFFFFF20] =	vst v0;
	v0 =	vld.idx.msk [tilespmem:v46+s4+$0x0], $0xffff  }
0x2b1: {  	v14 =	vld.idx.msk [tilespmem:v51+s4+$0x0], $0xffff;
	[tilespmem:s25+$0xFFFFFF30] =	vst v1  }
0x2b2: {  	v1 =	vld.idx.msk [tilespmem:v52+s4+$0x0], $0xffff;
	[tilespmem:s25+$0xFFFFFF40] =	vst v2  }
0x2b3: {  	v2 =	vld.idx.msk [tilespmem:v53+s4+$0x0], $0xffff;
	[tilespmem:s25+$0xFFFFFFF0] =	vst v3  }
0x2b4: {  	[tilespmem:s25+$0xFFFFFF00] =	vst v4;
	v3 =	vld.idx.msk [tilespmem:v13+s4+$0x0], $0xffff  }
0x2b5: {  	v4 =	vld.idx.msk [tilespmem:v50+s4+$0x0], $0xffff;
	[tilespmem:s25+$0xFFFFFF50] =	vst v7  }
0x2b6: {  	v7 =	vld.idx.msk [tilespmem:v54+s4+$0x0], $0xffff;
	[tilespmem:s25+$0xFFFFFF60] =	vst v0;
	v0 =	vadd.s32 v21, v26  }
0x2b7: {  	[tilespmem:s25+$0xFFFFFF90] =	vst v14;
	v13 =	vld.idx.msk [tilespmem:v56+s4+$0x0], $0xffff  }
0x2b8: {  	[tilespmem:s25+$0xFFFFFFA0] =	vst v1;
	v1 =	vld.idx.msk [tilespmem:v57+s4+$0x0], $0xffff  }
0x2b9: {  	v14 =	vld.idx.msk [tilespmem:v58+s4+$0x0], $0xffff;
	[tilespmem:s25+$0xFFFFFFB0] =	vst v2  }
0x2ba: {  	v2 =	vld.idx.msk [tilespmem:v59+s4+$0x0], $0xffff;
	[tilespmem:s25+$0x70] =	vst v3  }
0x2bb: {  	[tilespmem:s25+$0xFFFFFF80] =	vst v4;
	v0 =	vld.idx.msk [tilespmem:v0+s4+$0x0], $0xffff  }
0x2bc: {  	v3 =	vld.idx.msk [tilespmem:v55+s4+$0x0], $0xffff;
	[tilespmem:s25+$0xFFFFFFC0] =	vst v7  }
0x2bd: {  	v4 =	vld.idx.msk [tilespmem:v5+s4+$0x0], $0xffff;
	[tilespmem:s25+$0xFFFFFFD0] =	vst v13;
	v5 =	vadd.s32 v22, v26  }
0x2be: {  	v6 =	vld.idx.msk [tilespmem:v6+s4+$0x0], $0xffff;
	[tilespmem:s25+$0xFFFFFFE0] =	vst v1  }
0x2bf: {  	[tilespmem:s25+$0x10] =	vst v14;
	v1 =	vld.idx.msk [tilespmem:v60+s4+$0x0], $0xffff  }
0x2c0: {  	[tilespmem:s25+$0x20] =	vst v2;
	v2 =	vld.idx.msk [tilespmem:v61+s4+$0x0], $0xffff  }
0x2c1: {  	v7 =	vld.idx.msk [tilespmem:v63+s4+$0x0], $0xffff;
	[tilespmem:s25+$0xF0] =	vst v0  }
0x2c2: {  	[tilespmem:s25+$0x0] =	vst v3;
	v0 =	vld.idx.msk [tilespmem:v5+s4+$0x0], $0xffff  }
0x2c3: {  	v3 =	vld.idx.msk [tilespmem:v62+s4+$0x0], $0xffff;
	[tilespmem:s25+$0x30] =	vst v4  }
0x2c4: {  	v5 =	vadd.s32 v23, v26;
	v4 =	vld.idx.msk [tilespmem:v8+s4+$0x0], $0xffff;
	[tilespmem:s25+$0x40] =	vst v6  }
0x2c5: {  	v6 =	vld.idx.msk [tilespmem:v9+s4+$0x0], $0xffff;
	[tilespmem:s25+$0x50] =	vst v1  }
0x2c6: {  	v1 =	vld.idx.msk [tilespmem:v10+s4+$0x0], $0xffff;
	[tilespmem:s25+$0x60] =	vst v2  }
0x2c7: {  	[tilespmem:s25+$0x90] =	vst v7;
	v2 =	vld.idx.msk [tilespmem:v11+s4+$0x0], $0xffff  }
0x2c8: {  	v7 =	vld.idx.msk [tilespmem:v12+s4+$0x0], $0xffff;
	[tilespmem:s25+$0x170] =	vst v0  }
0x2c9: {  	[tilespmem:s25+$0x80] =	vst v3;
	v0 =	vld.idx.msk [tilespmem:v5+s4+$0x0], $0xffff  }
0x2ca: {  	v3 =	vld.idx.msk [tilespmem:v38+s4+$0x0], $0xffff;
	[tilespmem:s25+$0xA0] =	vst v4  }
0x2cb: {  	v4 =	vld.idx.msk [tilespmem:v30+s4+$0x0], $0xffff;
	[tilespmem:s25+$0xB0] =	vst v6  }
0x2cc: {  	v5 =	vld.idx.msk [tilespmem:v39+s4+$0x0], $0xffff;
	[tilespmem:s25+$0xC0] =	vst v1  }
0x2cd: {  	v1 =	vld.idx.msk [tilespmem:v32+s4+$0x0], $0xffff;
	[tilespmem:s25+$0xD0] =	vst v2  }
0x2ce: {  	v2 =	vld.idx.msk [tilespmem:v40+s4+$0x0], $0xffff;
	[tilespmem:s25+$0xE0] =	vst v7  }
0x2cf: {  	v6 =	vld.idx.msk [tilespmem:v34+s4+$0x0], $0xffff;
	[tilespmem:s25+$0x1F0] =	vst v0  }
0x2d0: {  	[tilespmem:s25+$0x100] =	vst v3;
	v32 =	vld.idx.msk [tilespmem:v35+s4+$0x0], $0xffff  }
.Ltmp2:
0x2d1: {  	v30 =	vld.idx.msk [tilespmem:v36+s4+$0x0], $0xffff;
	[tilespmem:s25+$0x110] =	vst v4;
	(pc) =	sbr.rel @p0 .LBB2_7-.Ltmp2, $4  }
0x2d2: {  	v31 =	vld.idx.msk [tilespmem:v31+s4+$0x0], $0xffff;
	[tilespmem:s25+$0x120] =	vst v5  }
0x2d3: {  	v34 =	vld.idx.msk [tilespmem:v37+s4+$0x0], $0xffff;
	[tilespmem:s25+$0x130] =	vst v1  }
0x2d4: {  	v29 =	vld.idx.msk [tilespmem:v29+s4+$0x0], $0xffff;
	[tilespmem:s25+$0x140] =	vst v2  }
0x2d5: {  	s28 =	sadd.s32 $0x80, s28;
	v33 =	vld.idx.msk [tilespmem:v33+s4+$0x0], $0xffff;
	[tilespmem:s25+$0x150] =	vst v6  }
0x2d6: {  	_ = 	snop  }
0x2d7: {  	[tilespmem:s25+$0x160] =	vst v32  }
0x2d8: {  	[tilespmem:s25+$0x180] =	vst v30  }
0x2d9: {  	[tilespmem:s24+$0x1D0] =	vst v24  }
0x2da: {  	v0 =	vld.idx.msk [tilespmem:v28+s4+$0x0], $0xffff;
	[tilespmem:s24+$0x1E0] =	vst v25  }
0x2db: {  	[tilespmem:s25+$0x190] =	vst v31;
	v1 =	vld.idx.msk [tilespmem:v27+s4+$0x0], $0xffff  }
0x2dc: {  	[tilespmem:s25+$0x1A0] =	vst v34  }
0x2dd: {  	[tilespmem:s25+$0x1B0] =	vst v29  }
0x2de: {  	s23 =	sshll.u32 s23, $0xC;
	[tilespmem:s25+$0x1C0] =	vst v33  }
0x2df: {  	s22 =	sshll.u32 s22, $0xF;
	s23 =	sadd.s32 s3, s23;
	[tilespmem:s25+$0x1D0] =	vst v0  }
0x2e0: {  	s22 =	sadd.s32 s22, s23;
	[tilespmem:s25+$0x1E0] =	vst v1  }
0x2e1: {  	[hbm4b:s22+s4] =	stream.linear.scatter [tilespmem:s15], [sflag:$0x1], $0x8000, $0x38;
	[tilespmem:$0x12B00] =	vst v63  }
0x2e2: {  	_ =	swait.ge [sflag:s18], $0x8000  }
0x2e3: {  	[sflag:s18] =	ssyncset.done $0x0  }
0x2e4: {  	s21 =	sadd.s32 s21, s5;
	s30 =	simm.s32 $0x1B40;
	[sflag:s18] =	ssyncadd.s32 $0xFFFF8000  }
0x2e5: {  	s21 =	sadd.s32 $0x1, s21;
	v31 =	vld [tilespmem:s30+$0x30]  }
0x2e6: {  	s31 =	sand.u32 $0x7, s21;
	v29 =	vld [tilespmem:s30+$0xFFFFFFD0]  }
0x2e7: {  	s23 =	smul.u32 $0x360, s31;
	v28 =	vld [tilespmem:s30+$0xFFFFFFE0]  }
0x2e8: {  	v27 =	vld [tilespmem:s30+$0xFFFFFFF0]  }
0x2e9: {  	v16 =	vmov s23;
	v26 =	vld [tilespmem:s30+$0x0]  }
0x2ea: {  	v24 =	vld [tilespmem:s30+$0x10];
	v14 =	vadd.s32 v16, v31  }
0x2eb: {  	v25 =	vld [tilespmem:s30+$0x20];
	v33 =	vadd.s32 v16, v29  }
0x2ec: {  	v30 =	vld [tilespmem:s30+$0xFFFFFFC0];
	v2 =	vadd.s32 v16, v28  }
0x2ed: {  	v3 =	vadd.s32 v16, v27  }
0x2ee: {  	v4 =	vadd.s32 v16, v26  }
0x2ef: {  	v5 =	vadd.s32 v16, v24;
	v0 =	vld.idx.msk [tilespmem:v14+s4+$0x0], $0xffff  }
0x2f0: {  	s24 =	sadd.s32 $0x6C, s23;
	v6 =	vadd.s32 v16, v25;
	v1 =	vld.idx.msk [tilespmem:v33+s4+$0x0], $0xffff  }
0x2f1: {  	v17 =	vmov s24;
	v8 =	vadd.s32 v16, v30;
	v2 =	vld.idx.msk [tilespmem:v2+s4+$0x0], $0xffff  }
0x2f2: {  	v7 =	vadd.s32 v17, v31;
	v3 =	vld.idx.msk [tilespmem:v3+s4+$0x0], $0xffff  }
0x2f3: {  	v9 =	vadd.s32 v17, v29;
	v4 =	vld.idx.msk [tilespmem:v4+s4+$0x0], $0xffff  }
0x2f4: {  	v10 =	vadd.s32 v17, v28;
	v5 =	vld.idx.msk [tilespmem:v5+s4+$0x0], $0xffff  }
0x2f5: {  	s22 =	simm.s32 $0xAD00;
	v11 =	vadd.s32 v17, v27;
	v6 =	vld.idx.msk [tilespmem:v6+s4+$0x0], $0xffff  }
0x2f6: {  	v34 =	vadd.s32 v17, v26;
	v35 =	vld.idx.msk [tilespmem:v8+s4+$0x0], $0xffff;
	[tilespmem:s22+$0xFFFFFE70] =	vst v0  }
0x2f7: {  	v12 =	vadd.s32 v17, v24;
	[tilespmem:s22+$0xFFFFFE10] =	vst v1;
	v7 =	vld.idx.msk [tilespmem:v7+s4+$0x0], $0xffff  }
0x2f8: {  	s25 =	sadd.s32 $0xD8, s23;
	v38 =	vadd.s32 v17, v30;
	[tilespmem:s22+$0xFFFFFE20] =	vst v2;
	v36 =	vld.idx.msk [tilespmem:v9+s4+$0x0], $0xffff  }
0x2f9: {  	v18 =	vmov s25;
	v40 =	vadd.s32 v17, v25;
	[tilespmem:s22+$0xFFFFFE30] =	vst v3;
	v39 =	vld.idx.msk [tilespmem:v10+s4+$0x0], $0xffff  }
0x2fa: {  	v37 =	vadd.s32 v18, v31;
	[tilespmem:s22+$0xFFFFFE40] =	vst v4;
	v41 =	vld.idx.msk [tilespmem:v11+s4+$0x0], $0xffff  }
0x2fb: {  	v42 =	vadd.s32 v18, v29;
	[tilespmem:s22+$0xFFFFFE50] =	vst v5;
	v0 =	vld.idx.msk [tilespmem:v34+s4+$0x0], $0xffff  }
0x2fc: {  	v43 =	vadd.s32 v18, v28;
	[tilespmem:s22+$0xFFFFFE00] =	vst v35;
	v12 =	vld.idx.msk [tilespmem:v12+s4+$0x0], $0xffff  }
0x2fd: {  	v44 =	vadd.s32 v18, v27;
	[tilespmem:s22+$0xFFFFFE60] =	vst v6;
	v47 =	vld.idx.msk [tilespmem:v38+s4+$0x0], $0xffff  }
0x2fe: {  	v46 =	vadd.s32 v18, v26;
	v48 =	vld.idx.msk [tilespmem:v40+s4+$0x0], $0xffff;
	[tilespmem:s22+$0xFFFFFEF0] =	vst v7  }
0x2ff: {  	v50 =	vadd.s32 v18, v30;
	[tilespmem:s22+$0xFFFFFE90] =	vst v36;
	v45 =	vld.idx.msk [tilespmem:v37+s4+$0x0], $0xffff  }
0x300: {  	s26 =	sadd.s32 $0x144, s23;
	v52 =	vadd.s32 v18, v24;
	[tilespmem:s22+$0xFFFFFEA0] =	vst v39;
	v51 =	vld.idx.msk [tilespmem:v42+s4+$0x0], $0xffff  }
0x301: {  	v19 =	vmov s26;
	v54 =	vadd.s32 v18, v25;
	[tilespmem:s22+$0xFFFFFEB0] =	vst v41;
	v53 =	vld.idx.msk [tilespmem:v43+s4+$0x0], $0xffff  }
0x302: {  	v49 =	vadd.s32 v19, v31;
	[tilespmem:s22+$0xFFFFFEC0] =	vst v0;
	v55 =	vld.idx.msk [tilespmem:v44+s4+$0x0], $0xffff  }
0x303: {  	v56 =	vadd.s32 v19, v29;
	[tilespmem:s22+$0xFFFFFE80] =	vst v47;
	v8 =	vld.idx.msk [tilespmem:v46+s4+$0x0], $0xffff  }
0x304: {  	v57 =	vadd.s32 v19, v28;
	[tilespmem:s22+$0xFFFFFED0] =	vst v12;
	v10 =	vld.idx.msk [tilespmem:v50+s4+$0x0], $0xffff  }
0x305: {  	v59 =	vadd.s32 v19, v27;
	[tilespmem:s22+$0xFFFFFEE0] =	vst v48;
	v60 =	vld.idx.msk [tilespmem:v52+s4+$0x0], $0xffff  }
0x306: {  	v62 =	vadd.s32 v19, v30;
	v63 =	vld.idx.msk [tilespmem:v54+s4+$0x0], $0xffff;
	[tilespmem:s22+$0xFFFFFF70] =	vst v45  }
0x307: {  	v14 =	vadd.s32 v19, v26;
	[tilespmem:s22+$0xFFFFFF10] =	vst v51;
	v58 =	vld.idx.msk [tilespmem:v49+s4+$0x0], $0xffff  }
0x308: {  	v33 =	vadd.s32 v19, v24;
	[tilespmem:s22+$0xFFFFFF20] =	vst v53;
	v32 =	vld.idx.msk [tilespmem:v56+s4+$0x0], $0xffff  }
0x309: {  	s28 =	sadd.s32 $0x1B0, s23;
	v35 =	vadd.s32 v19, v25;
	[tilespmem:s22+$0xFFFFFF30] =	vst v55;
	v34 =	vld.idx.msk [tilespmem:v57+s4+$0x0], $0xffff  }
0x30a: {  	v20 =	vmov s28;
	[tilespmem:s22+$0xFFFFFF00] =	vst v10;
	v9 =	vld.idx.msk [tilespmem:v59+s4+$0x0], $0xffff  }
0x30b: {  	v61 =	vadd.s32 v20, v31;
	[tilespmem:s22+$0xFFFFFF40] =	vst v8;
	v39 =	vld.idx.msk [tilespmem:v62+s4+$0x0], $0xffff  }
0x30c: {  	s29 =	sadd.s32 $0x21C, s23;
	s30 =	sadd.s32 $0x288, s23;
	v36 =	vadd.s32 v20, v29;
	[tilespmem:s22+$0xFFFFFF50] =	vst v60;
	v40 =	vld.idx.msk [tilespmem:v14+s4+$0x0], $0xffff  }
0x30d: {  	v21 =	vmov s29;
	s23 =	sadd.s32 $0x2F4, s23;
	v22 =	vmov s30;
	v38 =	vadd.s32 v20, v28;
	[tilespmem:s22+$0xFFFFFF60] =	vst v63;
	v43 =	vld.idx.msk [tilespmem:v33+s4+$0x0], $0xffff  }
0x30e: {  	s31 =	simm.s32 $0x1BC0;
	v23 =	vmov s23;
	v41 =	vadd.s32 v21, v31;
	v42 =	vadd.s32 v20, v30;
	v1 =	vld.idx.msk [tilespmem:v35+s4+$0x0], $0xffff;
	[tilespmem:s22+$0xFFFFFFF0] =	vst v58  }
0x30f: {  	v44 =	vadd.s32 v20, v27;
	v52 =	vadd.s32 v22, v31;
	[tilespmem:s22+$0xFFFFFF90] =	vst v32;
	v32 =	vadd.s32 v23, v31;
	v31 =	vld [tilespmem:s31+$0xFFFFFFD0]  }
0x310: {  	v45 =	vadd.s32 v20, v26;
	v37 =	vld.idx.msk [tilespmem:v61+s4+$0x0], $0xffff  }
0x311: {  	v47 =	vadd.s32 v20, v24;
	[tilespmem:s22+$0xFFFFFFA0] =	vst v34;
	v46 =	vld.idx.msk [tilespmem:v36+s4+$0x0], $0xffff  }
0x312: {  	v48 =	vadd.s32 v20, v25;
	[tilespmem:s22+$0xFFFFFF80] =	vst v39;
	v11 =	vld.idx.msk [tilespmem:v38+s4+$0x0], $0xffff  }
0x313: {  	[tilespmem:s22+$0xFFFFFFB0] =	vst v9;
	v50 =	vld.idx.msk [tilespmem:v42+s4+$0x0], $0xffff  }
0x314: {  	[tilespmem:s22+$0xFFFFFFC0] =	vst v40;
	v51 =	vld.idx.msk [tilespmem:v44+s4+$0x0], $0xffff  }
0x315: {  	[tilespmem:s22+$0xFFFFFFD0] =	vst v43;
	v54 =	vld.idx.msk [tilespmem:v45+s4+$0x0], $0xffff  }
0x316: {  	[tilespmem:s22+$0xFFFFFFE0] =	vst v1;
	v56 =	vld.idx.msk [tilespmem:v47+s4+$0x0], $0xffff  }
0x317: {  	v49 =	vadd.s32 v21, v29;
	v58 =	vld.idx.msk [tilespmem:v48+s4+$0x0], $0xffff  }
0x318: {  	v53 =	vadd.s32 v21, v30;
	v33 =	vadd.s32 v22, v30;
	v45 =	vadd.s32 v23, v30;
	v30 =	vld [tilespmem:s31+$0xFFFFFFE0]  }
0x319: {  	v55 =	vadd.s32 v21, v28;
	v35 =	vadd.s32 v22, v29;
	v47 =	vadd.s32 v23, v29;
	v29 =	vld [tilespmem:s31+$0xFFFFFFF0];
	[tilespmem:s22+$0x70] =	vst v37  }
0x31a: {  	v57 =	vadd.s32 v21, v27;
	v39 =	vadd.s32 v22, v27;
	[tilespmem:s22+$0x30] =	vst v51;
	v51 =	vadd.s32 v23, v27;
	v27 =	vld [tilespmem:s31+$0x20]  }
0x31b: {  	v59 =	vadd.s32 v21, v26;
	[tilespmem:s22+$0x10] =	vst v46;
	v5 =	vld.idx.msk [tilespmem:v41+s4+$0x0], $0xffff  }
0x31c: {  	v60 =	vadd.s32 v21, v24;
	[tilespmem:s22+$0x0] =	vst v50;
	v8 =	vld.idx.msk [tilespmem:v49+s4+$0x0], $0xffff  }
0x31d: {  	v61 =	vadd.s32 v21, v25;
	[tilespmem:s22+$0x20] =	vst v11;
	v62 =	vld.idx.msk [tilespmem:v53+s4+$0x0], $0xffff  }
0x31e: {  	[tilespmem:s22+$0x40] =	vst v54;
	v63 =	vld.idx.msk [tilespmem:v55+s4+$0x0], $0xffff  }
0x31f: {  	[tilespmem:s22+$0x50] =	vst v56;
	v34 =	vld.idx.msk [tilespmem:v57+s4+$0x0], $0xffff  }
0x320: {  	[tilespmem:s22+$0x60] =	vst v58;
	v58 =	vadd.s32 v16, v31;
	v36 =	vld.idx.msk [tilespmem:v59+s4+$0x0], $0xffff  }
0x321: {  	v38 =	vld.idx.msk [tilespmem:v60+s4+$0x0], $0xffff;
	v59 =	vadd.s32 v16, v30  }
0x322: {  	v9 =	vld.idx.msk [tilespmem:v61+s4+$0x0], $0xffff;
	v60 =	vadd.s32 v16, v29  }
0x323: {  	v37 =	vadd.s32 v22, v28;
	v49 =	vadd.s32 v23, v28;
	v28 =	vld [tilespmem:s31+$0x0]  }
0x324: {  	v40 =	vadd.s32 v22, v26;
	v53 =	vadd.s32 v23, v26;
	v26 =	vld [tilespmem:s31+$0x10]  }
0x325: {  	v12 =	vld.idx.msk [tilespmem:v58+s4+$0x0], $0xffff  }
0x326: {  	[tilespmem:s22+$0xF0] =	vst v5;
	v14 =	vld.idx.msk [tilespmem:v59+s4+$0x0], $0xffff  }
0x327: {  	[tilespmem:s22+$0x90] =	vst v8;
	v8 =	vld.idx.msk [tilespmem:v60+s4+$0x0], $0xffff  }
0x328: {  	[tilespmem:s22+$0x80] =	vst v62;
	v7 =	vld.idx.msk [tilespmem:v52+s4+$0x0], $0xffff  }
0x329: {  	v41 =	vadd.s32 v22, v24;
	v42 =	vld.idx.msk [tilespmem:v33+s4+$0x0], $0xffff  }
0x32a: {  	v43 =	vadd.s32 v22, v25;
	[tilespmem:s22+$0xA0] =	vst v63;
	v44 =	vld.idx.msk [tilespmem:v35+s4+$0x0], $0xffff  }
0x32b: {  	[tilespmem:s22+$0xB0] =	vst v34;
	v46 =	vld.idx.msk [tilespmem:v37+s4+$0x0], $0xffff  }
0x32c: {  	v13 =	vadd.s32 v16, v27;
	[tilespmem:s22+$0xC0] =	vst v36;
	v48 =	vld.idx.msk [tilespmem:v39+s4+$0x0], $0xffff  }
0x32d: {  	[tilespmem:s22+$0xD0] =	vst v38;
	v61 =	vadd.s32 v16, v28;
	v50 =	vld.idx.msk [tilespmem:v40+s4+$0x0], $0xffff  }
0x32e: {  	s23 =	simm.s32 $0xB100;
	[tilespmem:s22+$0xE0] =	vst v9;
	v38 =	vadd.s32 v17, v29;
	v52 =	vld.idx.msk [tilespmem:v41+s4+$0x0], $0xffff  }
0x32f: {  	v54 =	vld.idx.msk [tilespmem:v43+s4+$0x0], $0xffff;
	[tilespmem:s23+$0xFFFFFE10] =	vst v12  }
0x330: {  	v33 =	vld [tilespmem:s31+$0x30];
	[tilespmem:s23+$0xFFFFFE20] =	vst v14  }
0x331: {  	v10 =	vld.idx.msk [tilespmem:v13+s4+$0x0], $0xffff;
	[tilespmem:s23+$0xFFFFFE30] =	vst v8  }
0x332: {  	v5 =	vld.idx.msk [tilespmem:v61+s4+$0x0], $0xffff;
	[tilespmem:s22+$0x170] =	vst v7  }
0x333: {  	[tilespmem:s22+$0x100] =	vst v42;
	v11 =	vld.idx.msk [tilespmem:v38+s4+$0x0], $0xffff  }
0x334: {  	[tilespmem:s22+$0x110] =	vst v44;
	v4 =	vld.idx.msk [tilespmem:v32+s4+$0x0], $0xffff  }
0x335: {  	[tilespmem:s22+$0x120] =	vst v46;
	v6 =	vld.idx.msk [tilespmem:v45+s4+$0x0], $0xffff  }
0x336: {  	v55 =	vadd.s32 v23, v24;
	[tilespmem:s22+$0x130] =	vst v48;
	v2 =	vld.idx.msk [tilespmem:v47+s4+$0x0], $0xffff  }
0x337: {  	v56 =	vadd.s32 v23, v25;
	[tilespmem:s22+$0x140] =	vst v50;
	v3 =	vld.idx.msk [tilespmem:v49+s4+$0x0], $0xffff  }
0x338: {  	v57 =	vadd.s32 v16, v33;
	[tilespmem:s22+$0x150] =	vst v52;
	v1 =	vld.idx.msk [tilespmem:v51+s4+$0x0], $0xffff  }
0x339: {  	v39 =	vadd.s32 v17, v28;
	[tilespmem:s22+$0x160] =	vst v54;
	v0 =	vld.idx.msk [tilespmem:v53+s4+$0x0], $0xffff  }
0x33a: {  	v44 =	vadd.s32 v17, v27;
	v32 =	vld [tilespmem:s31+$0xFFFFFFC0];
	[tilespmem:s23+$0xFFFFFE60] =	vst v10  }
0x33b: {  	v62 =	vadd.s32 v16, v26;
	v24 =	vld.idx.msk [tilespmem:v55+s4+$0x0], $0xffff;
	[tilespmem:s23+$0xFFFFFE40] =	vst v5  }
0x33c: {  	v36 =	vadd.s32 v17, v31;
	v25 =	vld.idx.msk [tilespmem:v56+s4+$0x0], $0xffff;
	[tilespmem:s23+$0xFFFFFEB0] =	vst v11  }
0x33d: {  	v37 =	vadd.s32 v17, v30;
	v63 =	vld.idx.msk [tilespmem:v57+s4+$0x0], $0xffff;
	[tilespmem:s22+$0x1F0] =	vst v4  }
0x33e: {  	v47 =	vadd.s32 v18, v29;
	v7 =	vld.idx.msk [tilespmem:v39+s4+$0x0], $0xffff;
	[tilespmem:s22+$0x180] =	vst v6  }
0x33f: {  	v34 =	vadd.s32 v17, v33;
	v49 =	vld.idx.msk [tilespmem:v44+s4+$0x0], $0xffff;
	[tilespmem:s22+$0x190] =	vst v2  }
0x340: {  	[tilespmem:s22+$0x1A0] =	vst v3;
	v35 =	vadd.s32 v16, v32;
	v4 =	vld.idx.msk [tilespmem:v62+s4+$0x0], $0xffff  }
0x341: {  	v53 =	vadd.s32 v18, v27;
	[tilespmem:s22+$0x1B0] =	vst v1;
	v1 =	vld.idx.msk [tilespmem:v36+s4+$0x0], $0xffff  }
0x342: {  	v41 =	vadd.s32 v17, v26;
	[tilespmem:s22+$0x1C0] =	vst v0;
	v0 =	vld.idx.msk [tilespmem:v37+s4+$0x0], $0xffff  }
0x343: {  	v45 =	vadd.s32 v18, v31;
	v6 =	vld.idx.msk [tilespmem:v47+s4+$0x0], $0xffff;
	[tilespmem:s23+$0xFFFFFE70] =	vst v63  }
0x344: {  	v46 =	vadd.s32 v18, v30;
	[tilespmem:s23+$0xFFFFFEC0] =	vst v7;
	v40 =	vld.idx.msk [tilespmem:v34+s4+$0x0], $0xffff  }
0x345: {  	v48 =	vadd.s32 v18, v28;
	[tilespmem:s23+$0xFFFFFEE0] =	vst v49;
	v3 =	vld.idx.msk [tilespmem:v35+s4+$0x0], $0xffff  }
0x346: {  	v42 =	vadd.s32 v18, v33;
	[tilespmem:s23+$0xFFFFFE50] =	vst v4;
	v7 =	vld.idx.msk [tilespmem:v53+s4+$0x0], $0xffff  }
0x347: {  	v43 =	vadd.s32 v17, v32;
	[tilespmem:s23+$0xFFFFFE90] =	vst v1;
	v9 =	vld.idx.msk [tilespmem:v41+s4+$0x0], $0xffff  }
0x348: {  	v62 =	vadd.s32 v19, v27;
	[tilespmem:s23+$0xFFFFFEA0] =	vst v0;
	v4 =	vld.idx.msk [tilespmem:v45+s4+$0x0], $0xffff  }
0x349: {  	v52 =	vadd.s32 v18, v26;
	v10 =	vld.idx.msk [tilespmem:v46+s4+$0x0], $0xffff;
	[tilespmem:s23+$0xFFFFFEF0] =	vst v40  }
0x34a: {  	v54 =	vadd.s32 v19, v31;
	[tilespmem:s23+$0xFFFFFE00] =	vst v3;
	v3 =	vld.idx.msk [tilespmem:v48+s4+$0x0], $0xffff  }
0x34b: {  	v55 =	vadd.s32 v19, v30;
	[tilespmem:s23+$0xFFFFFF30] =	vst v6;
	v2 =	vld.idx.msk [tilespmem:v42+s4+$0x0], $0xffff  }
0x34c: {  	v50 =	vadd.s32 v19, v33;
	[tilespmem:s23+$0xFFFFFF60] =	vst v7;
	v8 =	vld.idx.msk [tilespmem:v43+s4+$0x0], $0xffff  }
0x34d: {  	v51 =	vadd.s32 v18, v32;
	[tilespmem:s23+$0xFFFFFED0] =	vst v9;
	v36 =	vld.idx.msk [tilespmem:v62+s4+$0x0], $0xffff  }
0x34e: {  	v56 =	vadd.s32 v19, v29;
	[tilespmem:s23+$0xFFFFFF10] =	vst v4;
	v57 =	vld.idx.msk [tilespmem:v52+s4+$0x0], $0xffff  }
0x34f: {  	v60 =	vadd.s32 v19, v28;
	[tilespmem:s23+$0xFFFFFF20] =	vst v10;
	v9 =	vld.idx.msk [tilespmem:v54+s4+$0x0], $0xffff  }
0x350: {  	v61 =	vadd.s32 v19, v26;
	[tilespmem:s23+$0xFFFFFF70] =	vst v2;
	v2 =	vld.idx.msk [tilespmem:v55+s4+$0x0], $0xffff  }
0x351: {  	v63 =	vadd.s32 v20, v31;
	[tilespmem:s23+$0xFFFFFE80] =	vst v8;
	v1 =	vld.idx.msk [tilespmem:v50+s4+$0x0], $0xffff  }
0x352: {  	v12 =	vadd.s32 v20, v30;
	[tilespmem:s23+$0xFFFFFF40] =	vst v3;
	v5 =	vld.idx.msk [tilespmem:v51+s4+$0x0], $0xffff  }
0x353: {  	v58 =	vadd.s32 v20, v33;
	v8 =	vld.idx.msk [tilespmem:v56+s4+$0x0], $0xffff;
	[tilespmem:s23+$0xFFFFFF50] =	vst v57  }
0x354: {  	v59 =	vadd.s32 v19, v32;
	v13 =	vld.idx.msk [tilespmem:v60+s4+$0x0], $0xffff;
	[tilespmem:s23+$0xFFFFFF90] =	vst v9  }
0x355: {  	v35 =	vadd.s32 v20, v29;
	v6 =	vld.idx.msk [tilespmem:v61+s4+$0x0], $0xffff;
	[tilespmem:s23+$0xFFFFFFA0] =	vst v2  }
0x356: {  	v37 =	vadd.s32 v20, v28;
	[tilespmem:s23+$0xFFFFFFF0] =	vst v1;
	v1 =	vld.idx.msk [tilespmem:v63+s4+$0x0], $0xffff  }
0x357: {  	v38 =	vadd.s32 v20, v26;
	[tilespmem:s23+$0xFFFFFF00] =	vst v5;
	v5 =	vld.idx.msk [tilespmem:v12+s4+$0x0], $0xffff  }
0x358: {  	v39 =	vadd.s32 v20, v27;
	[tilespmem:s23+$0xFFFFFFE0] =	vst v36;
	v4 =	vld.idx.msk [tilespmem:v58+s4+$0x0], $0xffff  }
0x359: {  	v14 =	vadd.s32 v21, v33;
	[tilespmem:s23+$0xFFFFFFB0] =	vst v8;
	v11 =	vld.idx.msk [tilespmem:v59+s4+$0x0], $0xffff  }
0x35a: {  	v34 =	vadd.s32 v20, v32;
	[tilespmem:s23+$0xFFFFFFC0] =	vst v13;
	v41 =	vld.idx.msk [tilespmem:v35+s4+$0x0], $0xffff  }
0x35b: {  	v40 =	vadd.s32 v21, v31;
	v3 =	vld.idx.msk [tilespmem:v37+s4+$0x0], $0xffff;
	[tilespmem:s23+$0xFFFFFFD0] =	vst v6  }
0x35c: {  	v44 =	vadd.s32 v21, v30;
	v45 =	vld.idx.msk [tilespmem:v38+s4+$0x0], $0xffff;
	[tilespmem:s23+$0x10] =	vst v1  }
0x35d: {  	v46 =	vadd.s32 v21, v29;
	[tilespmem:s23+$0x70] =	vst v4;
	v4 =	vld.idx.msk [tilespmem:v39+s4+$0x0], $0xffff  }
0x35e: {  	v47 =	vadd.s32 v21, v28;
	[tilespmem:s23+$0xFFFFFF80] =	vst v11;
	v7 =	vld.idx.msk [tilespmem:v14+s4+$0x0], $0xffff  }
0x35f: {  	v48 =	vadd.s32 v21, v26;
	[tilespmem:s23+$0x20] =	vst v5;
	v10 =	vld.idx.msk [tilespmem:v34+s4+$0x0], $0xffff  }
0x360: {  	v43 =	vadd.s32 v21, v32;
	[tilespmem:s23+$0x30] =	vst v41;
	v11 =	vld.idx.msk [tilespmem:v40+s4+$0x0], $0xffff  }
0x361: {  	v49 =	vadd.s32 v21, v27;
	[tilespmem:s23+$0x40] =	vst v3;
	v50 =	vld.idx.msk [tilespmem:v44+s4+$0x0], $0xffff  }
0x362: {  	v42 =	vadd.s32 v22, v33;
	v8 =	vld.idx.msk [tilespmem:v46+s4+$0x0], $0xffff;
	[tilespmem:s23+$0x50] =	vst v45  }
0x363: {  	v53 =	vadd.s32 v22, v31;
	v5 =	vld.idx.msk [tilespmem:v47+s4+$0x0], $0xffff;
	[tilespmem:s23+$0xF0] =	vst v7  }
0x364: {  	v54 =	vadd.s32 v22, v30;
	[tilespmem:s23+$0x0] =	vst v10;
	v7 =	vld.idx.msk [tilespmem:v48+s4+$0x0], $0xffff  }
0x365: {  	v55 =	vadd.s32 v22, v29;
	[tilespmem:s23+$0x60] =	vst v4;
	v9 =	vld.idx.msk [tilespmem:v43+s4+$0x0], $0xffff  }
0x366: {  	v52 =	vadd.s32 v22, v32;
	[tilespmem:s23+$0x90] =	vst v11;
	v10 =	vld.idx.msk [tilespmem:v49+s4+$0x0], $0xffff  }
0x367: {  	v56 =	vadd.s32 v22, v28;
	[tilespmem:s23+$0xA0] =	vst v50;
	v6 =	vld.idx.msk [tilespmem:v42+s4+$0x0], $0xffff  }
0x368: {  	v57 =	vadd.s32 v22, v26;
	[tilespmem:s23+$0xB0] =	vst v8;
	v1 =	vld.idx.msk [tilespmem:v53+s4+$0x0], $0xffff  }
0x369: {  	v58 =	vadd.s32 v22, v27;
	[tilespmem:s23+$0xC0] =	vst v5;
	v4 =	vld.idx.msk [tilespmem:v54+s4+$0x0], $0xffff  }
0x36a: {  	v51 =	vadd.s32 v23, v33;
	v11 =	vld.idx.msk [tilespmem:v55+s4+$0x0], $0xffff;
	[tilespmem:s23+$0x80] =	vst v9  }
0x36b: {  	v60 =	vadd.s32 v23, v31;
	[tilespmem:s23+$0xD0] =	vst v7;
	v3 =	vld.idx.msk [tilespmem:v52+s4+$0x0], $0xffff  }
0x36c: {  	v59 =	vadd.s32 v23, v32;
	[tilespmem:s23+$0x170] =	vst v6;
	v6 =	vld.idx.msk [tilespmem:v56+s4+$0x0], $0xffff  }
0x36d: {  	v61 =	vadd.s32 v23, v30;
	[tilespmem:s23+$0xE0] =	vst v10;
	v9 =	vld.idx.msk [tilespmem:v57+s4+$0x0], $0xffff  }
0x36e: {  	v62 =	vadd.s32 v23, v29;
	[tilespmem:s23+$0x110] =	vst v1;
	v32 =	vld.idx.msk [tilespmem:v58+s4+$0x0], $0xffff  }
0x36f: {  	v63 =	vadd.s32 v23, v28;
	[tilespmem:s23+$0x120] =	vst v4;
	v2 =	vld.idx.msk [tilespmem:v51+s4+$0x0], $0xffff  }
0x370: {  	v31 =	vld.idx.msk [tilespmem:v60+s4+$0x0], $0xffff;
	[tilespmem:s23+$0x100] =	vst v3  }
0x371: {  	[tilespmem:s23+$0x130] =	vst v11;
	v30 =	vld.idx.msk [tilespmem:v59+s4+$0x0], $0xffff  }
0x372: {  	v34 =	vld.idx.msk [tilespmem:v61+s4+$0x0], $0xffff;
	[tilespmem:s23+$0x140] =	vst v6  }
0x373: {  	v29 =	vld.idx.msk [tilespmem:v62+s4+$0x0], $0xffff;
	[tilespmem:s23+$0x150] =	vst v9  }
0x374: {  	s24 =	simm.s32 $0x80;
	s25 =	simm.s32 $0x1C40;
	v28 =	vadd.s32 v23, v26;
	v27 =	vadd.s32 v23, v27;
	[tilespmem:s23+$0x1F0] =	vst v2;
	v33 =	vld.idx.msk [tilespmem:v63+s4+$0x0], $0xffff  }
.LBB2_9:
0x375: {  	v26 =	vld [tilespmem:s25+$0x30];
	s24 =	sadd.s32 $0x80, s24;
	[tilespmem:s23+$0x160] =	vst v32  }
0x376: {  	v0 =	vld [tilespmem:s25+$0xFFFFFFD0];
	p0 =	slt.u32 s24, $0xF80;
	[tilespmem:s23+$0x180] =	vst v30  }
0x377: {  	v1 =	vld [tilespmem:s25+$0xFFFFFFE0];
	[tilespmem:s23+$0x190] =	vst v31  }
0x378: {  	v2 =	vld [tilespmem:s25+$0xFFFFFFF0];
	[tilespmem:s23+$0x1A0] =	vst v34  }
0x379: {  	v3 =	vld [tilespmem:s25+$0x0];
	[tilespmem:s23+$0x1B0] =	vst v29  }
0x37a: {  	v4 =	vld [tilespmem:s25+$0x10];
	v5 =	vadd.s32 v16, v26;
	[tilespmem:s23+$0x1C0] =	vst v33  }
0x37b: {  	v6 =	vadd.s32 v16, v0;
	v7 =	vadd.s32 v17, v0;
	v8 =	vadd.s32 v18, v0;
	v9 =	vld [tilespmem:s25+$0x20];
	[tilespmem:s22+$0x1D0] =	vst v24  }
0x37c: {  	v10 =	vld [tilespmem:s25+$0xFFFFFFC0];
	v11 =	vadd.s32 v16, v1;
	v12 =	vadd.s32 v17, v1;
	v13 =	vadd.s32 v18, v1;
	[tilespmem:s22+$0x1E0] =	vst v25;
	s22 =	smov.u32 s23  }
0x37d: {  	v14 =	vadd.s32 v16, v2;
	v29 =	vadd.s32 v17, v2;
	v33 =	vadd.s32 v18, v2;
	v24 =	vld.idx.msk [tilespmem:v28+s4+$0x0], $0xffff  }
0x37e: {  	v28 =	vadd.s32 v16, v3;
	v30 =	vadd.s32 v17, v3;
	v41 =	vadd.s32 v18, v3;
	v25 =	vld.idx.msk [tilespmem:v27+s4+$0x0], $0xffff  }
0x37f: {  	v27 =	vadd.s32 v16, v4;
	v31 =	vadd.s32 v17, v4;
	v42 =	vadd.s32 v18, v4;
	v5 =	vld.idx.msk [tilespmem:v5+s4+$0x0], $0xffff  }
0x380: {  	v6 =	vld.idx.msk [tilespmem:v6+s4+$0x0], $0xffff;
	v32 =	vadd.s32 v16, v9;
	v35 =	vadd.s32 v17, v9;
	v43 =	vadd.s32 v18, v9  }
0x381: {  	v37 =	vadd.s32 v17, v26;
	v34 =	vadd.s32 v16, v10;
	v36 =	vadd.s32 v17, v10;
	v11 =	vld.idx.msk [tilespmem:v11+s4+$0x0], $0xffff  }
0x382: {  	v46 =	vadd.s32 v19, v0;
	v44 =	vadd.s32 v18, v10;
	v45 =	vadd.s32 v19, v10;
	v14 =	vld.idx.msk [tilespmem:v14+s4+$0x0], $0xffff  }
0x383: {  	v47 =	vadd.s32 v19, v1;
	v48 =	vadd.s32 v19, v2;
	v49 =	vadd.s32 v19, v3;
	v28 =	vld.idx.msk [tilespmem:v28+s4+$0x0], $0xffff  }
0x384: {  	s23 =	sadd.s32 $0x400, s23;
	v51 =	vadd.s32 v19, v4;
	v52 =	vadd.s32 v19, v9;
	v50 =	vadd.s32 v20, v10;
	v27 =	vld.idx.msk [tilespmem:v27+s4+$0x0], $0xffff  }
0x385: {  	v53 =	vadd.s32 v20, v0;
	v54 =	vadd.s32 v20, v1;
	v32 =	vld.idx.msk [tilespmem:v32+s4+$0x0], $0xffff;
	[tilespmem:s23+$0xFFFFFE70] =	vst v5  }
0x386: {  	v5 =	vadd.s32 v20, v2;
	[tilespmem:s23+$0xFFFFFE10] =	vst v6;
	v6 =	vadd.s32 v20, v3;
	v37 =	vld.idx.msk [tilespmem:v37+s4+$0x0], $0xffff  }
0x387: {  	v55 =	vadd.s32 v20, v9;
	v34 =	vld.idx.msk [tilespmem:v34+s4+$0x0], $0xffff;
	[tilespmem:s23+$0xFFFFFE20] =	vst v11;
	v11 =	vadd.s32 v20, v4  }
0x388: {  	v56 =	vadd.s32 v21, v10;
	v7 =	vld.idx.msk [tilespmem:v7+s4+$0x0], $0xffff;
	[tilespmem:s23+$0xFFFFFE30] =	vst v14;
	v14 =	vadd.s32 v18, v26  }
0x389: {  	v57 =	vadd.s32 v21, v0;
	v58 =	vadd.s32 v21, v1;
	v12 =	vld.idx.msk [tilespmem:v12+s4+$0x0], $0xffff;
	[tilespmem:s23+$0xFFFFFE40] =	vst v28  }
0x38a: {  	v59 =	vadd.s32 v21, v2;
	v60 =	vadd.s32 v21, v3;
	v28 =	vld.idx.msk [tilespmem:v29+s4+$0x0], $0xffff;
	[tilespmem:s23+$0xFFFFFE50] =	vst v27  }
0x38b: {  	v61 =	vadd.s32 v21, v4;
	v62 =	vadd.s32 v21, v9;
	v27 =	vld.idx.msk [tilespmem:v30+s4+$0x0], $0xffff;
	[tilespmem:s23+$0xFFFFFE60] =	vst v32  }
0x38c: {  	v38 =	vadd.s32 v22, v10;
	v30 =	vadd.s32 v22, v0;
	v63 =	vld.idx.msk [tilespmem:v31+s4+$0x0], $0xffff;
	[tilespmem:s23+$0xFFFFFEF0] =	vst v37  }
0x38d: {  	v39 =	vadd.s32 v22, v1;
	v32 =	vadd.s32 v22, v2;
	[tilespmem:s23+$0xFFFFFE00] =	vst v34;
	v14 =	vld.idx.msk [tilespmem:v14+s4+$0x0], $0xffff  }
0x38e: {  	v40 =	vadd.s32 v22, v3;
	v34 =	vadd.s32 v22, v4;
	v15 =	vld.idx.msk [tilespmem:v36+s4+$0x0], $0xffff;
	[tilespmem:s23+$0xFFFFFE90] =	vst v7  }
0x38f: {  	[tilespmem:s23+$0xFFFFFEA0] =	vst v12;
	v7 =	vld.idx.msk [tilespmem:v35+s4+$0x0], $0xffff;
	v35 =	vadd.s32 v22, v9;
	v12 =	vadd.s32 v19, v26  }
0x390: {  	v31 =	vadd.s32 v23, v0;
	v36 =	vadd.s32 v23, v10;
	v8 =	vld.idx.msk [tilespmem:v8+s4+$0x0], $0xffff;
	[tilespmem:s23+$0xFFFFFEB0] =	vst v28  }
0x391: {  	v29 =	vadd.s32 v23, v2;
	v37 =	vadd.s32 v23, v1;
	v0 =	vld.idx.msk [tilespmem:v13+s4+$0x0], $0xffff;
	[tilespmem:s23+$0xFFFFFEC0] =	vst v27  }
0x392: {  	v28 =	vadd.s32 v23, v4;
	v1 =	vld.idx.msk [tilespmem:v33+s4+$0x0], $0xffff;
	v33 =	vadd.s32 v23, v3;
	[tilespmem:s23+$0xFFFFFED0] =	vst v63  }
0x393: {  	v27 =	vadd.s32 v23, v9;
	v2 =	vld.idx.msk [tilespmem:v41+s4+$0x0], $0xffff;
	[tilespmem:s23+$0xFFFFFF70] =	vst v14  }
0x394: {  	[tilespmem:s23+$0xFFFFFE80] =	vst v15;
	v3 =	vld.idx.msk [tilespmem:v12+s4+$0x0], $0xffff  }
0x395: {  	v4 =	vld.idx.msk [tilespmem:v44+s4+$0x0], $0xffff;
	[tilespmem:s23+$0xFFFFFEE0] =	vst v7  }
0x396: {  	[tilespmem:s23+$0xFFFFFF10] =	vst v8;
	v7 =	vld.idx.msk [tilespmem:v42+s4+$0x0], $0xffff;
	v8 =	vadd.s32 v20, v26  }
0x397: {  	[tilespmem:s23+$0xFFFFFF20] =	vst v0;
	v0 =	vld.idx.msk [tilespmem:v43+s4+$0x0], $0xffff  }
0x398: {  	v9 =	vld.idx.msk [tilespmem:v46+s4+$0x0], $0xffff;
	[tilespmem:s23+$0xFFFFFF30] =	vst v1  }
0x399: {  	v1 =	vld.idx.msk [tilespmem:v47+s4+$0x0], $0xffff;
	[tilespmem:s23+$0xFFFFFF40] =	vst v2  }
0x39a: {  	v2 =	vld.idx.msk [tilespmem:v48+s4+$0x0], $0xffff;
	[tilespmem:s23+$0xFFFFFFF0] =	vst v3  }
0x39b: {  	[tilespmem:s23+$0xFFFFFF00] =	vst v4;
	v3 =	vld.idx.msk [tilespmem:v8+s4+$0x0], $0xffff  }
0x39c: {  	v4 =	vld.idx.msk [tilespmem:v45+s4+$0x0], $0xffff;
	[tilespmem:s23+$0xFFFFFF50] =	vst v7  }
0x39d: {  	v7 =	vld.idx.msk [tilespmem:v49+s4+$0x0], $0xffff;
	[tilespmem:s23+$0xFFFFFF60] =	vst v0;
	v0 =	vadd.s32 v21, v26  }
0x39e: {  	[tilespmem:s23+$0xFFFFFF90] =	vst v9;
	v8 =	vld.idx.msk [tilespmem:v51+s4+$0x0], $0xffff  }
0x39f: {  	[tilespmem:s23+$0xFFFFFFA0] =	vst v1;
	v1 =	vld.idx.msk [tilespmem:v52+s4+$0x0], $0xffff  }
0x3a0: {  	v9 =	vld.idx.msk [tilespmem:v53+s4+$0x0], $0xffff;
	[tilespmem:s23+$0xFFFFFFB0] =	vst v2  }
0x3a1: {  	v2 =	vld.idx.msk [tilespmem:v54+s4+$0x0], $0xffff;
	[tilespmem:s23+$0x70] =	vst v3  }
0x3a2: {  	[tilespmem:s23+$0xFFFFFF80] =	vst v4;
	v0 =	vld.idx.msk [tilespmem:v0+s4+$0x0], $0xffff  }
0x3a3: {  	v3 =	vld.idx.msk [tilespmem:v50+s4+$0x0], $0xffff;
	[tilespmem:s23+$0xFFFFFFC0] =	vst v7  }
0x3a4: {  	v4 =	vld.idx.msk [tilespmem:v5+s4+$0x0], $0xffff;
	[tilespmem:s23+$0xFFFFFFD0] =	vst v8;
	v5 =	vadd.s32 v22, v26  }
0x3a5: {  	v6 =	vld.idx.msk [tilespmem:v6+s4+$0x0], $0xffff;
	[tilespmem:s23+$0xFFFFFFE0] =	vst v1  }
0x3a6: {  	[tilespmem:s23+$0x10] =	vst v9;
	v1 =	vld.idx.msk [tilespmem:v11+s4+$0x0], $0xffff  }
0x3a7: {  	[tilespmem:s23+$0x20] =	vst v2;
	v2 =	vld.idx.msk [tilespmem:v55+s4+$0x0], $0xffff  }
0x3a8: {  	v7 =	vld.idx.msk [tilespmem:v57+s4+$0x0], $0xffff;
	[tilespmem:s23+$0xF0] =	vst v0  }
0x3a9: {  	[tilespmem:s23+$0x0] =	vst v3;
	v0 =	vld.idx.msk [tilespmem:v5+s4+$0x0], $0xffff  }
0x3aa: {  	v3 =	vld.idx.msk [tilespmem:v56+s4+$0x0], $0xffff;
	[tilespmem:s23+$0x30] =	vst v4  }
0x3ab: {  	v5 =	vadd.s32 v23, v26;
	v4 =	vld.idx.msk [tilespmem:v58+s4+$0x0], $0xffff;
	[tilespmem:s23+$0x40] =	vst v6  }
0x3ac: {  	v6 =	vld.idx.msk [tilespmem:v59+s4+$0x0], $0xffff;
	[tilespmem:s23+$0x50] =	vst v1  }
0x3ad: {  	v1 =	vld.idx.msk [tilespmem:v60+s4+$0x0], $0xffff;
	[tilespmem:s23+$0x60] =	vst v2  }
0x3ae: {  	[tilespmem:s23+$0x90] =	vst v7;
	v2 =	vld.idx.msk [tilespmem:v61+s4+$0x0], $0xffff  }
0x3af: {  	v7 =	vld.idx.msk [tilespmem:v62+s4+$0x0], $0xffff;
	[tilespmem:s23+$0x170] =	vst v0  }
0x3b0: {  	[tilespmem:s23+$0x80] =	vst v3;
	v0 =	vld.idx.msk [tilespmem:v5+s4+$0x0], $0xffff  }
0x3b1: {  	v3 =	vld.idx.msk [tilespmem:v38+s4+$0x0], $0xffff;
	[tilespmem:s23+$0xA0] =	vst v4  }
0x3b2: {  	v4 =	vld.idx.msk [tilespmem:v30+s4+$0x0], $0xffff;
	[tilespmem:s23+$0xB0] =	vst v6  }
0x3b3: {  	v5 =	vld.idx.msk [tilespmem:v39+s4+$0x0], $0xffff;
	[tilespmem:s23+$0xC0] =	vst v1  }
0x3b4: {  	v1 =	vld.idx.msk [tilespmem:v32+s4+$0x0], $0xffff;
	[tilespmem:s23+$0xD0] =	vst v2  }
0x3b5: {  	v2 =	vld.idx.msk [tilespmem:v40+s4+$0x0], $0xffff;
	[tilespmem:s23+$0xE0] =	vst v7  }
0x3b6: {  	v6 =	vld.idx.msk [tilespmem:v34+s4+$0x0], $0xffff;
	[tilespmem:s23+$0x1F0] =	vst v0  }
0x3b7: {  	[tilespmem:s23+$0x100] =	vst v3;
	v32 =	vld.idx.msk [tilespmem:v35+s4+$0x0], $0xffff  }
.Ltmp3:
0x3b8: {  	v30 =	vld.idx.msk [tilespmem:v36+s4+$0x0], $0xffff;
	[tilespmem:s23+$0x110] =	vst v4;
	(pc) =	sbr.rel @p0 .LBB2_9-.Ltmp3, $4  }
0x3b9: {  	v31 =	vld.idx.msk [tilespmem:v31+s4+$0x0], $0xffff;
	[tilespmem:s23+$0x120] =	vst v5  }
0x3ba: {  	v34 =	vld.idx.msk [tilespmem:v37+s4+$0x0], $0xffff;
	[tilespmem:s23+$0x130] =	vst v1  }
0x3bb: {  	v29 =	vld.idx.msk [tilespmem:v29+s4+$0x0], $0xffff;
	[tilespmem:s23+$0x140] =	vst v2  }
0x3bc: {  	s25 =	sadd.s32 $0x80, s25;
	v33 =	vld.idx.msk [tilespmem:v33+s4+$0x0], $0xffff;
	[tilespmem:s23+$0x150] =	vst v6  }
0x3bd: {  	_ = 	snop  }
0x3be: {  	[tilespmem:s23+$0x160] =	vst v32  }
0x3bf: {  	[tilespmem:s23+$0x180] =	vst v30  }
0x3c0: {  	[tilespmem:s22+$0x1D0] =	vst v24  }
0x3c1: {  	v0 =	vld.idx.msk [tilespmem:v28+s4+$0x0], $0xffff;
	[tilespmem:s22+$0x1E0] =	vst v25  }
0x3c2: {  	s20 =	sadd.s32 $0x1, s20;
	[tilespmem:s23+$0x190] =	vst v31;
	v1 =	vld.idx.msk [tilespmem:v27+s4+$0x0], $0xffff  }
0x3c3: {  	p0 =	sne.s32 s20, $0x19;
	[tilespmem:s23+$0x1A0] =	vst v34  }
.Ltmp4:
0x3c4: {  	[tilespmem:s23+$0x1B0] =	vst v29;
	(pc) =	sbr.rel @p0 .LBB2_6-.Ltmp4, $4  }
0x3c5: {  	[tilespmem:s23+$0x1C0] =	vst v33  }
0x3c6: {  	s21 =	sshll.u32 s21, $0xC;
	[tilespmem:s23+$0x1D0] =	vst v0  }
0x3c7: {  	s21 =	sadd.s32 s3, s21;
	[tilespmem:s23+$0x1E0] =	vst v1  }
0x3c8: {  	[hbm4b:s21+s4] =	stream.linear.scatter [tilespmem:s16], [sflag:$0x2], $0x8000, $0x38;
	[tilespmem:$0x12B00] =	vst v63  }
0x3c9: {  	_ =	swait.ge [sflag:s17], $0x8000  }
0x3ca: {  	[sflag:s17] =	ssyncset.done $0x0  }
0x3cb: {  	[sflag:s17] =	ssyncadd.s32 $0xFFFF8000  }
0x3cc: {  	_ =	swait.ge [sflag:s18], $0x8000  }
0x3cd: {  	v7 =	vld [tilespmem:$0x1FF70]  }
0x3ce: {  	v8 =	vld [tilespmem:$0x1FF80]  }
0x3cf: {  	s19 =	sadd.s32 $0x1, s19;
	v9 =	vld [tilespmem:$0x1FF90]  }
0x3d0: {  	p0 =	sne.s32 s19, s10;
	v10 =	vld [tilespmem:$0x1FFA0]  }
.Ltmp5:
0x3d1: {  	v11 =	vld [tilespmem:$0x1FFB0];
	(pc) =	sbr.rel @p0 .LBB2_1-.Ltmp5, $4  }
0x3d2: {  	v12 =	vld [tilespmem:$0x1FFC0]  }
0x3d3: {  	v13 =	vld [tilespmem:$0x1FFD0]  }
0x3d4: {  	[sflag:s18] =	ssyncset.done $0x0;
	v14 =	vld [tilespmem:$0x1FFE0]  }
0x3d5: {  	v15 =	vld [tilespmem:$0x1FFF0];
	[sflag:s18] =	ssyncadd.s32 $0xFFFF8000  }
0x3d6: {  	_ =	sfence.sel $0x180000  }
0x3d7: {  	[bflag:$0x0] =	sbarrier.arrive $0xFFFF  }
0x3d8: {  	p0 =	sne.s32 s0, $0x0;
	_ =	strace $0x90000047  }
0x3d9: {  	s0 =	sadd.s32 @!p0 $0x100000, s2;
	[bflag:$0x2] =	sbarrier.arrive $0xFFFF  }
0x3da: {  	[sflag:s0] =	ssyncadd.tile.s32 @!p0 $0x1;
	_ =	shalt  }
.Lfunc_end2:
_tile_overlayer_lowered:
.L_overlay_start_2:
0x3db: {  	(tag) =	ssettag $0x2  }
0x3dc: {  	s0 =	rddreg [dreg:$0x0];
	s2 =	stileid.u32  }
0x3dd: {  	s1 =	rddreg [dreg:$0x1];
	p0 =	sne.s32 s2, $0x0  }
0x3de: {  	s3 =	rddreg [dreg:$0x2];
	[bflag:$0x3] =	sbarrier.arrive $0xFFFF;
	s2 =	simm.s32 @!p0 $0x1C03  }
0x3df: {  	[timem:s3], [sflag:s2] =	dma.local @!p0 [hbm:s0], s1  }
0x3e0: {  	s0 =	simm.s32 @!p0 $0x3  }
0x3e1: {  	_ =	swait.ge @!p0 [sflag:s0], s1  }
0x3e2: {  	s1 =	ssub.s32 @!p0 $0x0, s1;
	[sflag:s0] =	ssyncset.done @!p0 $0x0  }
0x3e3: {  	[sflag:s0] =	ssyncadd.s32 @!p0 s1  }
0x3e4: {  	[bflag:$0x3] =	sbarrier.arrive $0xFFFF  }
0x3e5: {  	_ =	shalt  }

</sc_bundles>
